<compile_context>
chip_gen: v7x
topology: tpu7x:2x2x1
jax: 0.10.2.dev20260603
libtpu: 0.0.44.dev20260713+nightly
codegen_flags: <defaults>
</compile_context>

<pallas_src>
import functools

import jax
import jax.numpy as jnp
from jax import lax
from jax.experimental import pallas as pl
from jax.experimental.pallas import tpu as pltpu
from jax.experimental.pallas import tpu_sc as plsc

LAMB = 0.7
N = 10000
D = 128
E = 320000
LANES = 16
NC, NS = 2, 16
NW = NC * NS
ROWS = 320
SPAN = N - ROWS
GCH = 80


def _mix_body(x_hbm, idx_hbm, out_hbm,
              idx_v, a_v, b_v,
              sem_c0, sem_c1, sem_c2, sem_c3, sem_st):
    wid = lax.axis_index("s") * NC + lax.axis_index("c")
    base = (wid * SPAN // (NW - 1)) // 8 * 8
    sems = (sem_c0, sem_c1, sem_c2, sem_c3)
    nch = ROWS // GCH

    cps = [[pltpu.async_copy(x_hbm.at[pl.ds(base, GCH)],
                             a_v.at[pl.ds(0, GCH)], sems[0])]]
    pltpu.sync_copy(idx_hbm.at[pl.ds(base, ROWS)], idx_v)
    cps[0].append(pltpu.async_copy(x_hbm.at[idx_v.at[pl.ds(0, GCH)]],
                                   b_v.at[pl.ds(0, GCH)], sems[0]))
    for c in range(1, nch):
        r0 = c * GCH
        cps.append([
            pltpu.async_copy(x_hbm.at[pl.ds(base + r0, GCH)],
                             a_v.at[pl.ds(r0, GCH)], sems[c]),
            pltpu.async_copy(x_hbm.at[idx_v.at[pl.ds(r0, GCH)]],
                             b_v.at[pl.ds(r0, GCH)], sems[c])])

    def blend_rows(r0):
        def rows2(i, _):
            r = r0 + i * 2
            for dr in range(2):
                for cc in range(D // LANES):
                    sl = pl.ds(cc * LANES, LANES)
                    a_v[r + dr, sl] = (a_v[r + dr, sl] * LAMB
                                       + b_v[r + dr, sl] * (1.0 - LAMB))
            return _
        lax.fori_loop(0, GCH // 2, rows2, 0)

    sts = []
    for c in range(nch):
        for cp in cps[c]:
            cp.wait()
        blend_rows(c * GCH)
        sts.append(pltpu.async_copy(a_v.at[pl.ds(c * GCH, GCH)],
                                    out_hbm.at[pl.ds(base + c * GCH, GCH)],
                                    sem_st))
    for cp in sts:
        cp.wait()


def _copy_body(y_ref, e_ref, y_out, e_out):
    y_out[...] = y_ref[...]
    e_out[...] = e_ref[...]


@functools.lru_cache(maxsize=1)
def _build():
    mesh = plsc.VectorSubcoreMesh(core_axis_name="c", subcore_axis_name="s",
                                  num_cores=NC, num_subcores=NS)
    return pl.kernel(
        _mix_body,
        out_type=jax.ShapeDtypeStruct((N, D), jnp.float32),
        mesh=mesh,
        scratch_types=[
            pltpu.VMEM((ROWS,), jnp.int32),
            pltpu.VMEM((ROWS, D), jnp.float32),
            pltpu.VMEM((ROWS, D), jnp.float32),
            pltpu.SemaphoreType.DMA,
            pltpu.SemaphoreType.DMA,
            pltpu.SemaphoreType.DMA,
            pltpu.SemaphoreType.DMA,
            pltpu.SemaphoreType.DMA,
        ],
    )


@functools.lru_cache(maxsize=None)
def _build_copy(y_dtype, e_dtype):
    return pl.pallas_call(
        _copy_body,
        out_shape=(jax.ShapeDtypeStruct((N,), y_dtype),
                   jax.ShapeDtypeStruct((2, E), e_dtype)),
    )


def kernel(x, y, edge_index, pair_idx):
    x_mix = _build()(x, pair_idx.astype(jnp.int32))
    new_y, edge_out = _build_copy(y.dtype, edge_index.dtype)(y, edge_index)
    return (x_mix, new_y, edge_out)

# --- scband reference (transcript-rebuilt; emitter-appended) ---
"""Pipeline reference for scband-node-mix-up-17806934409277 (READ-ONLY COPY).

The authoritative reference and input builder live on the scoring server;
editing this copy changes nothing except your own understanding.
"""

import jax, jax.numpy as jnp
import numpy as np

LAMB = 0.7
CLASSES = 40
N = 10000
D = 128
E = 320000

def setup_inputs(seed: int = 0) -> dict:
    key = jax.random.key(seed)
    k_x, k_y, k_e, k_p = (jax.random.fold_in(key, i) for i in range(4))
    x = jax.random.normal(k_x, (N, D), dtype=jnp.float32)
    y = jax.random.randint(k_y, (N,), 0, CLASSES, dtype=jnp.int64) if jax.config.read('jax_enable_x64') else jax.random.randint(k_y, (N,), 0, CLASSES).astype(jnp.int32)
    edge_index = jax.random.randint(k_e, (2, E), 0, N).astype(jnp.int32)
    pair_idx = jax.random.permutation(k_p, N).astype(jnp.int32)
    return {"x": x, "y": y, "edge_index": edge_index, "pair_idx": pair_idx}

def reference(x, y, edge_index, pair_idx):
    # NodeMixUp.forward: mix node features and one-hot labels with a random node pairing
    x_b = jnp.take(x, pair_idx, axis=0)          # x[pair_idx] gather
    y_b = jnp.take(y, pair_idx, axis=0)          # y[pair_idx] gather
    y_a_oh = jax.nn.one_hot(y, CLASSES, dtype=jnp.float32)
    y_b_oh = jax.nn.one_hot(y_b, CLASSES, dtype=jnp.float32)
    x_mix = LAMB * x + (1.0 - LAMB) * x_b
    y_mix = LAMB * y_a_oh + (1.0 - LAMB) * y_b_oh
    new_y = jnp.argmax(y_mix, axis=1)
    # torch_geometric Data(x=x_mix, y=new_y, edge_index=edge_idx) -> return the tensors
    return (x_mix, new_y, edge_index)

if __name__ == "__main__":
    import jax
    _d = setup_inputs()
    print(jax.jit(kernel)(*tuple(_d.values())))

</pallas_src>

<mosaic_0001>
#map = affine_map<(d0, d1) -> (0, 0)>
#map1 = affine_map<(d0, d1) -> (0)>
module attributes {stable_mosaic.version = 14 : i64} {
  func.func @_mix_body(%arg0: i32, %arg1: i32, %arg2: memref<10000x128xf32, #tpu.memory_space<hbm>>, %arg3: memref<10000xi32, #tpu.memory_space<hbm>>, %arg4: memref<10000x128xf32, #tpu.memory_space<hbm>>, %arg5: memref<320xi32, #tpu.memory_space<vmem>>, %arg6: memref<320x128xf32, #tpu.memory_space<vmem>>, %arg7: memref<320x128xf32, #tpu.memory_space<vmem>>, %arg8: memref<!tpu.dma_semaphore, #tpu.memory_space<semaphore_mem>>, %arg9: memref<!tpu.dma_semaphore, #tpu.memory_space<semaphore_mem>>, %arg10: memref<!tpu.dma_semaphore, #tpu.memory_space<semaphore_mem>>, %arg11: memref<!tpu.dma_semaphore, #tpu.memory_space<semaphore_mem>>, %arg12: memref<!tpu.dma_semaphore, #tpu.memory_space<semaphore_mem>>) attributes {dimension_semantics = [#tpu.dimension_semantics<core_parallel>, #tpu.dimension_semantics<subcore_parallel>], iteration_bounds = array<i64: 2, 16>, scalar_prefetch = 0 : i64, scratch_operands = 8 : i64, tpu.core_type = #tpu.core_type<sc_vector_subcore>, window_params = [{transform_indices = #map}, {transform_indices = #map1}, {transform_indices = #map}]} {
    %mul3A = arith.constant 2 : i32
    %mul3A_0 = arith.muli %arg1, %mul3A : i32
    %add3A = arith.addi %mul3A_0, %arg0 : i32
    %mul3A_1 = arith.constant 9680 : i32
    %mul3A_2 = arith.muli %add3A, %mul3A_1 : i32
    %jit3A = arith.constant 31 : i32
    %div3A = arith.divsi %mul3A_2, %jit3A : i32
    %sign3A = arith.constant 0 : i32
    %sign3A_3 = arith.cmpi sgt, %mul3A_2, %sign3A : i32
    %sign3A_4 = arith.extui %sign3A_3 : i1 to i32
    %sign3A_5 = arith.constant 0 : i32
    %sign3A_6 = arith.cmpi slt, %mul3A_2, %sign3A_5 : i32
    %sign3A_7 = arith.extui %sign3A_6 : i1 to i32
    %sign3A_8 = arith.subi %sign3A_4, %sign3A_7 : i32
    %sign3A_9 = arith.constant 0 : i32
    %sign3A_10 = arith.cmpi sgt, %jit3A, %sign3A_9 : i32
    %sign3A_11 = arith.extui %sign3A_10 : i1 to i32
    %sign3A_12 = arith.constant 0 : i32
    %sign3A_13 = arith.cmpi slt, %jit3A, %sign3A_12 : i32
    %sign3A_14 = arith.extui %sign3A_13 : i1 to i32
    %sign3A_15 = arith.subi %sign3A_11, %sign3A_14 : i32
    %ne3A = arith.cmpi ne, %sign3A_8, %sign3A_15 : i32
    %rem3A = arith.remsi %mul3A_2, %jit3A : i32
    %ne3A_16 = arith.constant 0 : i32
    %ne3A_17 = arith.cmpi ne, %rem3A, %ne3A_16 : i32
    %and3A = arith.andi %ne3A, %ne3A_17 : i1
    %sub3A = arith.constant 1 : i32
    %sub3A_18 = arith.subi %div3A, %sub3A : i32
    %select_n3A = arith.select %and3A, %sub3A_18, %div3A : i32
    %jit3A_19 = arith.constant 8 : i32
    %div3A_20 = arith.divsi %select_n3A, %jit3A_19 : i32
    %sign3A_21 = arith.constant 0 : i32
    %sign3A_22 = arith.cmpi sgt, %select_n3A, %sign3A_21 : i32
    %sign3A_23 = arith.extui %sign3A_22 : i1 to i32
    %sign3A_24 = arith.constant 0 : i32
    %sign3A_25 = arith.cmpi slt, %select_n3A, %sign3A_24 : i32
    %sign3A_26 = arith.extui %sign3A_25 : i1 to i32
    %sign3A_27 = arith.subi %sign3A_23, %sign3A_26 : i32
    %sign3A_28 = arith.constant 0 : i32
    %sign3A_29 = arith.cmpi sgt, %jit3A_19, %sign3A_28 : i32
    %sign3A_30 = arith.extui %sign3A_29 : i1 to i32
    %sign3A_31 = arith.constant 0 : i32
    %sign3A_32 = arith.cmpi slt, %jit3A_19, %sign3A_31 : i32
    %sign3A_33 = arith.extui %sign3A_32 : i1 to i32
    %sign3A_34 = arith.subi %sign3A_30, %sign3A_33 : i32
    %ne3A_35 = arith.cmpi ne, %sign3A_27, %sign3A_34 : i32
    %rem3A_36 = arith.remsi %select_n3A, %jit3A_19 : i32
    %ne3A_37 = arith.constant 0 : i32
    %ne3A_38 = arith.cmpi ne, %rem3A_36, %ne3A_37 : i32
    %and3A_39 = arith.andi %ne3A_35, %ne3A_38 : i1
    %sub3A_40 = arith.constant 1 : i32
    %sub3A_41 = arith.subi %div3A_20, %sub3A_40 : i32
    %select_n3A_42 = arith.select %and3A_39, %sub3A_41, %div3A_20 : i32
    %mul3A_43 = arith.constant 8 : i32
    %mul3A_44 = arith.muli %select_n3A_42, %mul3A_43 : i32
    %dma_start3A = arith.constant 0 : i32
    %dma_start3A_45 = arith.constant 0 : i32
    %dma_start3A_46 = tpu.memref_slice %arg6[%dma_start3A, %dma_start3A_45] : memref<320x128xf32, #tpu.memory_space<vmem>> -> memref<80x128xf32, #tpu.memory_space<vmem>>
    %dma_start3A_47 = arith.constant 0 : i32
    %dma_start3A_48 = tpu.memref_slice %arg2[%mul3A_44, %dma_start3A_47] : memref<10000x128xf32, #tpu.memory_space<hbm>> -> memref<80x128xf32, #tpu.memory_space<hbm>>
    %dma_start3A_49 = arith.constant 0 : i32
    %dma_start3A_50 = arith.constant 0 : i32
    %dma_start3A_51 = tpu.memref_slice %arg6[%dma_start3A_49, %dma_start3A_50] : memref<320x128xf32, #tpu.memory_space<vmem>> -> memref<80x128xf32, #tpu.memory_space<vmem>>
    %dma_start3A_52 = arith.constant 0 : i32
    %dma_start3A_53 = tpu.memref_slice %arg2[%mul3A_44, %dma_start3A_52] : memref<10000x128xf32, #tpu.memory_space<hbm>> -> memref<80x128xf32, #tpu.memory_space<hbm>>
    tpu.enqueue_dma source(%dma_start3A_53 : memref<80x128xf32, #tpu.memory_space<hbm>>) target(%dma_start3A_51 : memref<80x128xf32, #tpu.memory_space<vmem>>) target_semaphore(%arg8 : memref<!tpu.dma_semaphore, #tpu.memory_space<semaphore_mem>>)
    "tpu.region"() ({
      %run_scoped3A = tpu.sem_alloc : memref<!tpu.dma_semaphore, #tpu.memory_space<semaphore_mem>>
      %dma_start3A_304 = tpu.memref_slice %arg3[%mul3A_44] : memref<10000xi32, #tpu.memory_space<hbm>> -> memref<320xi32, #tpu.memory_space<hbm>>
      %dma_start3A_305 = tpu.memref_slice %arg3[%mul3A_44] : memref<10000xi32, #tpu.memory_space<hbm>> -> memref<320xi32, #tpu.memory_space<hbm>>
      tpu.enqueue_dma source(%dma_start3A_305 : memref<320xi32, #tpu.memory_space<hbm>>) target(%arg5 : memref<320xi32, #tpu.memory_space<vmem>>) target_semaphore(%run_scoped3A : memref<!tpu.dma_semaphore, #tpu.memory_space<semaphore_mem>>)
      %dma_wait3A_306 = tpu.memref_slice %arg3[%mul3A_44] : memref<10000xi32, #tpu.memory_space<hbm>> -> memref<320xi32, #tpu.memory_space<hbm>>
      %dma_wait3A_307 = tpu.memref_slice %arg3[%mul3A_44] : memref<10000xi32, #tpu.memory_space<hbm>> -> memref<320xi32, #tpu.memory_space<hbm>>
      tpu.wait_dma2 semaphore(%run_scoped3A : memref<!tpu.dma_semaphore, #tpu.memory_space<semaphore_mem>>) src(%dma_wait3A_307 : memref<320xi32, #tpu.memory_space<hbm>>) dst(%arg5 : memref<320xi32, #tpu.memory_space<vmem>>)
      tpu.yield
    }) : () -> ()
    %dma_start3A_54 = arith.constant 0 : i32
    %dma_start3A_55 = arith.constant 0 : i32
    %dma_start3A_56 = tpu.memref_slice %arg7[%dma_start3A_54, %dma_start3A_55] : memref<320x128xf32, #tpu.memory_space<vmem>> -> memref<80x128xf32, #tpu.memory_space<vmem>>
    %dma_start3A_57 = arith.constant 0 : i32
    %dma_start3A_58 = tpu.memref_slice %arg5[%dma_start3A_57] : memref<320xi32, #tpu.memory_space<vmem>> -> memref<80xi32, #tpu.memory_space<vmem>>
    %dma_start3A_59 = arith.constant 0 : i32
    %dma_start3A_60 = arith.constant 0 : i32
    %dma_start3A_61 = tpu.memref_slice %arg2[%dma_start3A_59, %dma_start3A_60] : memref<10000x128xf32, #tpu.memory_space<hbm>> -> memref<10000x128xf32, #tpu.memory_space<hbm>>
    tpu.enqueue_indirect_dma source(%dma_start3A_61 : memref<10000x128xf32, #tpu.memory_space<hbm>>) target(%dma_start3A_56 : memref<80x128xf32, #tpu.memory_space<vmem>>) offsets(%dma_start3A_58 : memref<80xi32, #tpu.memory_space<vmem>>) semaphore(%arg8 : memref<!tpu.dma_semaphore, #tpu.memory_space<semaphore_mem>>)
    %add3A_62 = arith.constant 80 : i32
    %add3A_63 = arith.addi %mul3A_44, %add3A_62 : i32
    %dma_start3A_64 = arith.constant 80 : i32
    %dma_start3A_65 = arith.constant 0 : i32
    %dma_start3A_66 = tpu.memref_slice %arg6[%dma_start3A_64, %dma_start3A_65] : memref<320x128xf32, #tpu.memory_space<vmem>> -> memref<80x128xf32, #tpu.memory_space<vmem>>
    %dma_start3A_67 = arith.constant 0 : i32
    %dma_start3A_68 = tpu.memref_slice %arg2[%add3A_63, %dma_start3A_67] : memref<10000x128xf32, #tpu.memory_space<hbm>> -> memref<80x128xf32, #tpu.memory_space<hbm>>
    %dma_start3A_69 = arith.constant 80 : i32
    %dma_start3A_70 = arith.constant 0 : i32
    %dma_start3A_71 = tpu.memref_slice %arg6[%dma_start3A_69, %dma_start3A_70] : memref<320x128xf32, #tpu.memory_space<vmem>> -> memref<80x128xf32, #tpu.memory_space<vmem>>
    %dma_start3A_72 = arith.constant 0 : i32
    %dma_start3A_73 = tpu.memref_slice %arg2[%add3A_63, %dma_start3A_72] : memref<10000x128xf32, #tpu.memory_space<hbm>> -> memref<80x128xf32, #tpu.memory_space<hbm>>
    tpu.enqueue_dma source(%dma_start3A_73 : memref<80x128xf32, #tpu.memory_space<hbm>>) target(%dma_start3A_71 : memref<80x128xf32, #tpu.memory_space<vmem>>) target_semaphore(%arg9 : memref<!tpu.dma_semaphore, #tpu.memory_space<semaphore_mem>>)
    %dma_start3A_74 = arith.constant 80 : i32
    %dma_start3A_75 = arith.constant 0 : i32
    %dma_start3A_76 = tpu.memref_slice %arg7[%dma_start3A_74, %dma_start3A_75] : memref<320x128xf32, #tpu.memory_space<vmem>> -> memref<80x128xf32, #tpu.memory_space<vmem>>
    %dma_start3A_77 = arith.constant 80 : i32
    %dma_start3A_78 = tpu.memref_slice %arg5[%dma_start3A_77] : memref<320xi32, #tpu.memory_space<vmem>> -> memref<80xi32, #tpu.memory_space<vmem>>
    %dma_start3A_79 = arith.constant 0 : i32
    %dma_start3A_80 = arith.constant 0 : i32
    %dma_start3A_81 = tpu.memref_slice %arg2[%dma_start3A_79, %dma_start3A_80] : memref<10000x128xf32, #tpu.memory_space<hbm>> -> memref<10000x128xf32, #tpu.memory_space<hbm>>
    tpu.enqueue_indirect_dma source(%dma_start3A_81 : memref<10000x128xf32, #tpu.memory_space<hbm>>) target(%dma_start3A_76 : memref<80x128xf32, #tpu.memory_space<vmem>>) offsets(%dma_start3A_78 : memref<80xi32, #tpu.memory_space<vmem>>) semaphore(%arg9 : memref<!tpu.dma_semaphore, #tpu.memory_space<semaphore_mem>>)
    %add3A_82 = arith.constant 160 : i32
    %add3A_83 = arith.addi %mul3A_44, %add3A_82 : i32
    %dma_start3A_84 = arith.constant 160 : i32
    %dma_start3A_85 = arith.constant 0 : i32
    %dma_start3A_86 = tpu.memref_slice %arg6[%dma_start3A_84, %dma_start3A_85] : memref<320x128xf32, #tpu.memory_space<vmem>> -> memref<80x128xf32, #tpu.memory_space<vmem>>
    %dma_start3A_87 = arith.constant 0 : i32
    %dma_start3A_88 = tpu.memref_slice %arg2[%add3A_83, %dma_start3A_87] : memref<10000x128xf32, #tpu.memory_space<hbm>> -> memref<80x128xf32, #tpu.memory_space<hbm>>
    %dma_start3A_89 = arith.constant 160 : i32
    %dma_start3A_90 = arith.constant 0 : i32
    %dma_start3A_91 = tpu.memref_slice %arg6[%dma_start3A_89, %dma_start3A_90] : memref<320x128xf32, #tpu.memory_space<vmem>> -> memref<80x128xf32, #tpu.memory_space<vmem>>
    %dma_start3A_92 = arith.constant 0 : i32
    %dma_start3A_93 = tpu.memref_slice %arg2[%add3A_83, %dma_start3A_92] : memref<10000x128xf32, #tpu.memory_space<hbm>> -> memref<80x128xf32, #tpu.memory_space<hbm>>
    tpu.enqueue_dma source(%dma_start3A_93 : memref<80x128xf32, #tpu.memory_space<hbm>>) target(%dma_start3A_91 : memref<80x128xf32, #tpu.memory_space<vmem>>) target_semaphore(%arg10 : memref<!tpu.dma_semaphore, #tpu.memory_space<semaphore_mem>>)
    %dma_start3A_94 = arith.constant 160 : i32
    %dma_start3A_95 = arith.constant 0 : i32
    %dma_start3A_96 = tpu.memref_slice %arg7[%dma_start3A_94, %dma_start3A_95] : memref<320x128xf32, #tpu.memory_space<vmem>> -> memref<80x128xf32, #tpu.memory_space<vmem>>
    %dma_start3A_97 = arith.constant 160 : i32
    %dma_start3A_98 = tpu.memref_slice %arg5[%dma_start3A_97] : memref<320xi32, #tpu.memory_space<vmem>> -> memref<80xi32, #tpu.memory_space<vmem>>
    %dma_start3A_99 = arith.constant 0 : i32
    %dma_start3A_100 = arith.constant 0 : i32
    %dma_start3A_101 = tpu.memref_slice %arg2[%dma_start3A_99, %dma_start3A_100] : memref<10000x128xf32, #tpu.memory_space<hbm>> -> memref<10000x128xf32, #tpu.memory_space<hbm>>
    tpu.enqueue_indirect_dma source(%dma_start3A_101 : memref<10000x128xf32, #tpu.memory_space<hbm>>) target(%dma_start3A_96 : memref<80x128xf32, #tpu.memory_space<vmem>>) offsets(%dma_start3A_98 : memref<80xi32, #tpu.memory_space<vmem>>) semaphore(%arg10 : memref<!tpu.dma_semaphore, #tpu.memory_space<semaphore_mem>>)
    %add3A_102 = arith.constant 240 : i32
    %add3A_103 = arith.addi %mul3A_44, %add3A_102 : i32
    %dma_start3A_104 = arith.constant 240 : i32
    %dma_start3A_105 = arith.constant 0 : i32
    %dma_start3A_106 = tpu.memref_slice %arg6[%dma_start3A_104, %dma_start3A_105] : memref<320x128xf32, #tpu.memory_space<vmem>> -> memref<80x128xf32, #tpu.memory_space<vmem>>
    %dma_start3A_107 = arith.constant 0 : i32
    %dma_start3A_108 = tpu.memref_slice %arg2[%add3A_103, %dma_start3A_107] : memref<10000x128xf32, #tpu.memory_space<hbm>> -> memref<80x128xf32, #tpu.memory_space<hbm>>
    %dma_start3A_109 = arith.constant 240 : i32
    %dma_start3A_110 = arith.constant 0 : i32
    %dma_start3A_111 = tpu.memref_slice %arg6[%dma_start3A_109, %dma_start3A_110] : memref<320x128xf32, #tpu.memory_space<vmem>> -> memref<80x128xf32, #tpu.memory_space<vmem>>
    %dma_start3A_112 = arith.constant 0 : i32
    %dma_start3A_113 = tpu.memref_slice %arg2[%add3A_103, %dma_start3A_112] : memref<10000x128xf32, #tpu.memory_space<hbm>> -> memref<80x128xf32, #tpu.memory_space<hbm>>
    tpu.enqueue_dma source(%dma_start3A_113 : memref<80x128xf32, #tpu.memory_space<hbm>>) target(%dma_start3A_111 : memref<80x128xf32, #tpu.memory_space<vmem>>) target_semaphore(%arg11 : memref<!tpu.dma_semaphore, #tpu.memory_space<semaphore_mem>>)
    %dma_start3A_114 = arith.constant 240 : i32
    %dma_start3A_115 = arith.constant 0 : i32
    %dma_start3A_116 = tpu.memref_slice %arg7[%dma_start3A_114, %dma_start3A_115] : memref<320x128xf32, #tpu.memory_space<vmem>> -> memref<80x128xf32, #tpu.memory_space<vmem>>
    %dma_start3A_117 = arith.constant 240 : i32
    %dma_start3A_118 = tpu.memref_slice %arg5[%dma_start3A_117] : memref<320xi32, #tpu.memory_space<vmem>> -> memref<80xi32, #tpu.memory_space<vmem>>
    %dma_start3A_119 = arith.constant 0 : i32
    %dma_start3A_120 = arith.constant 0 : i32
    %dma_start3A_121 = tpu.memref_slice %arg2[%dma_start3A_119, %dma_start3A_120] : memref<10000x128xf32, #tpu.memory_space<hbm>> -> memref<10000x128xf32, #tpu.memory_space<hbm>>
    tpu.enqueue_indirect_dma source(%dma_start3A_121 : memref<10000x128xf32, #tpu.memory_space<hbm>>) target(%dma_start3A_116 : memref<80x128xf32, #tpu.memory_space<vmem>>) offsets(%dma_start3A_118 : memref<80xi32, #tpu.memory_space<vmem>>) semaphore(%arg11 : memref<!tpu.dma_semaphore, #tpu.memory_space<semaphore_mem>>)
    %dma_wait3A = arith.constant 0 : i32
    %dma_wait3A_122 = arith.constant 0 : i32
    %dma_wait3A_123 = tpu.memref_slice %arg6[%dma_wait3A, %dma_wait3A_122] : memref<320x128xf32, #tpu.memory_space<vmem>> -> memref<80x128xf32, #tpu.memory_space<vmem>>
    %dma_wait3A_124 = arith.constant 0 : i32
    %dma_wait3A_125 = tpu.memref_slice %arg2[%mul3A_44, %dma_wait3A_124] : memref<10000x128xf32, #tpu.memory_space<hbm>> -> memref<80x128xf32, #tpu.memory_space<hbm>>
    %dma_wait3A_126 = arith.constant 0 : i32
    %dma_wait3A_127 = arith.constant 0 : i32
    %dma_wait3A_128 = tpu.memref_slice %arg6[%dma_wait3A_126, %dma_wait3A_127] : memref<320x128xf32, #tpu.memory_space<vmem>> -> memref<80x128xf32, #tpu.memory_space<vmem>>
    %dma_wait3A_129 = arith.constant 0 : i32
    %dma_wait3A_130 = tpu.memref_slice %arg2[%mul3A_44, %dma_wait3A_129] : memref<10000x128xf32, #tpu.memory_space<hbm>> -> memref<80x128xf32, #tpu.memory_space<hbm>>
    tpu.wait_dma2 semaphore(%arg8 : memref<!tpu.dma_semaphore, #tpu.memory_space<semaphore_mem>>) src(%dma_wait3A_130 : memref<80x128xf32, #tpu.memory_space<hbm>>) dst(%dma_wait3A_128 : memref<80x128xf32, #tpu.memory_space<vmem>>)
    %dma_wait3A_131 = arith.constant 0 : i32
    %dma_wait3A_132 = arith.constant 0 : i32
    %dma_wait3A_133 = tpu.memref_slice %arg7[%dma_wait3A_131, %dma_wait3A_132] : memref<320x128xf32, #tpu.memory_space<vmem>> -> memref<80x128xf32, #tpu.memory_space<vmem>>
    %dma_wait3A_134 = arith.constant 0 : i32
    %dma_wait3A_135 = tpu.memref_slice %arg5[%dma_wait3A_134] : memref<320xi32, #tpu.memory_space<vmem>> -> memref<80xi32, #tpu.memory_space<vmem>>
    %dma_wait3A_136 = arith.constant 0 : i32
    %dma_wait3A_137 = arith.constant 0 : i32
    %dma_wait3A_138 = tpu.memref_slice %arg2[%dma_wait3A_136, %dma_wait3A_137] : memref<10000x128xf32, #tpu.memory_space<hbm>> -> memref<10000x128xf32, #tpu.memory_space<hbm>>
    tpu.wait_indirect_dma semaphore(%arg8 : memref<!tpu.dma_semaphore, #tpu.memory_space<semaphore_mem>>) src(%dma_wait3A_138 : memref<10000x128xf32, #tpu.memory_space<hbm>>) dst(%dma_wait3A_133 : memref<80x128xf32, #tpu.memory_space<vmem>>)
    %scan3A = arith.constant 0 : i32
    %scan3A_139 = arith.constant 0 : i32
    %scan3A_140 = arith.constant 40 : i32
    %scan3A_141 = arith.addi %scan3A_139, %scan3A_140 : i32
    %scan3A_142 = arith.constant 1 : i32
    scf.for %scan3A_304 = %scan3A_139 to %scan3A_141 step %scan3A_142  : i32 {
      %mul3A_305 = arith.constant 2 : i32
      %mul3A_306 = arith.muli %scan3A_304, %mul3A_305 : i32
      %add3A_307 = arith.constant 0 : i32
      %add3A_308 = arith.addi %add3A_307, %mul3A_306 : i32
      %add3A_309 = arith.constant 0 : i32
      %add3A_310 = arith.addi %add3A_308, %add3A_309 : i32
      %get3A = arith.index_cast %add3A_310 : i32 to index
      %get3A_311 = arith.constant 0 : index
      %get3A_312 = tpu.vector_load %arg6[%get3A, %get3A_311] {strides = array<i32>} : memref<320x128xf32, #tpu.memory_space<vmem>>, vector<1x16xf32>,
      %get3A_313 = vector.shape_cast %get3A_312 : vector<1x16xf32> to vector<16xf32>
      %mul3A_314 = arith.constant 0.699999988 : f32
      %mul3A_315 = vector.broadcast %mul3A_314 : f32 to vector<16xf32>
      %mul3A_316 = arith.mulf %get3A_313, %mul3A_315 : vector<16xf32>
      %add3A_317 = arith.constant 0 : i32
      %add3A_318 = arith.addi %add3A_308, %add3A_317 : i32
      %get3A_319 = arith.index_cast %add3A_318 : i32 to index
      %get3A_320 = arith.constant 0 : index
      %get3A_321 = tpu.vector_load %arg7[%get3A_319, %get3A_320] {strides = array<i32>} : memref<320x128xf32, #tpu.memory_space<vmem>>, vector<1x16xf32>,
      %get3A_322 = vector.shape_cast %get3A_321 : vector<1x16xf32> to vector<16xf32>
      %mul3A_323 = arith.constant 3.000000e-01 : f32
      %mul3A_324 = vector.broadcast %mul3A_323 : f32 to vector<16xf32>
      %mul3A_325 = arith.mulf %get3A_322, %mul3A_324 : vector<16xf32>
      %add3A_326 = arith.addf %mul3A_316, %mul3A_325 : vector<16xf32>
      %add3A_327 = arith.constant 0 : i32
      %add3A_328 = arith.addi %add3A_308, %add3A_327 : i32
      %swap3A = arith.index_cast %add3A_328 : i32 to index
      %swap3A_329 = arith.constant 0 : index
      %swap3A_330 = tpu.vector_load %arg6[%swap3A, %swap3A_329] {strides = array<i32>} : memref<320x128xf32, #tpu.memory_space<vmem>>, vector<1x16xf32>,
      %swap3A_331 = vector.shape_cast %swap3A_330 : vector<1x16xf32> to vector<16xf32>
      %swap3A_332 = vector.shape_cast %add3A_326 : vector<16xf32> to vector<1x16xf32>
      tpu.vector_store %arg6[%swap3A, %swap3A_329], %swap3A_332 {strides = array<i32>} : memref<320x128xf32, #tpu.memory_space<vmem>>, vector<1x16xf32>,
      %add3A_333 = arith.constant 0 : i32
      %add3A_334 = arith.addi %add3A_308, %add3A_333 : i32
      %get3A_335 = arith.index_cast %add3A_334 : i32 to index
      %get3A_336 = arith.constant 16 : index
      %get3A_337 = tpu.vector_load %arg6[%get3A_335, %get3A_336] {strides = array<i32>} : memref<320x128xf32, #tpu.memory_space<vmem>>, vector<1x16xf32>,
      %get3A_338 = vector.shape_cast %get3A_337 : vector<1x16xf32> to vector<16xf32>
      %mul3A_339 = arith.constant 0.699999988 : f32
      %mul3A_340 = vector.broadcast %mul3A_339 : f32 to vector<16xf32>
      %mul3A_341 = arith.mulf %get3A_338, %mul3A_340 : vector<16xf32>
      %add3A_342 = arith.constant 0 : i32
      %add3A_343 = arith.addi %add3A_308, %add3A_342 : i32
      %get3A_344 = arith.index_cast %add3A_343 : i32 to index
      %get3A_345 = arith.constant 16 : index
      %get3A_346 = tpu.vector_load %arg7[%get3A_344, %get3A_345] {strides = array<i32>} : memref<320x128xf32, #tpu.memory_space<vmem>>, vector<1x16xf32>,
      %get3A_347 = vector.shape_cast %get3A_346 : vector<1x16xf32> to vector<16xf32>
      %mul3A_348 = arith.constant 3.000000e-01 : f32
      %mul3A_349 = vector.broadcast %mul3A_348 : f32 to vector<16xf32>
      %mul3A_350 = arith.mulf %get3A_347, %mul3A_349 : vector<16xf32>
      %add3A_351 = arith.addf %mul3A_341, %mul3A_350 : vector<16xf32>
      %add3A_352 = arith.constant 0 : i32
      %add3A_353 = arith.addi %add3A_308, %add3A_352 : i32
      %swap3A_354 = arith.index_cast %add3A_353 : i32 to index
      %swap3A_355 = arith.constant 16 : index
      %swap3A_356 = tpu.vector_load %arg6[%swap3A_354, %swap3A_355] {strides = array<i32>} : memref<320x128xf32, #tpu.memory_space<vmem>>, vector<1x16xf32>,
      %swap3A_357 = vector.shape_cast %swap3A_356 : vector<1x16xf32> to vector<16xf32>
      %swap3A_358 = vector.shape_cast %add3A_351 : vector<16xf32> to vector<1x16xf32>
      tpu.vector_store %arg6[%swap3A_354, %swap3A_355], %swap3A_358 {strides = array<i32>} : memref<320x128xf32, #tpu.memory_space<vmem>>, vector<1x16xf32>,
      %add3A_359 = arith.constant 0 : i32
      %add3A_360 = arith.addi %add3A_308, %add3A_359 : i32
      %get3A_361 = arith.index_cast %add3A_360 : i32 to index
      %get3A_362 = arith.constant 32 : index
      %get3A_363 = tpu.vector_load %arg6[%get3A_361, %get3A_362] {strides = array<i32>} : memref<320x128xf32, #tpu.memory_space<vmem>>, vector<1x16xf32>,
      %get3A_364 = vector.shape_cast %get3A_363 : vector<1x16xf32> to vector<16xf32>
      %mul3A_365 = arith.constant 0.699999988 : f32
      %mul3A_366 = vector.broadcast %mul3A_365 : f32 to vector<16xf32>
      %mul3A_367 = arith.mulf %get3A_364, %mul3A_366 : vector<16xf32>
      %add3A_368 = arith.constant 0 : i32
      %add3A_369 = arith.addi %add3A_308, %add3A_368 : i32
      %get3A_370 = arith.index_cast %add3A_369 : i32 to index
      %get3A_371 = arith.constant 32 : index
      %get3A_372 = tpu.vector_load %arg7[%get3A_370, %get3A_371] {strides = array<i32>} : memref<320x128xf32, #tpu.memory_space<vmem>>, vector<1x16xf32>,
      %get3A_373 = vector.shape_cast %get3A_372 : vector<1x16xf32> to vector<16xf32>
      %mul3A_374 = arith.constant 3.000000e-01 : f32
      %mul3A_375 = vector.broadcast %mul3A_374 : f32 to vector<16xf32>
      %mul3A_376 = arith.mulf %get3A_373, %mul3A_375 : vector<16xf32>
      %add3A_377 = arith.addf %mul3A_367, %mul3A_376 : vector<16xf32>
      %add3A_378 = arith.constant 0 : i32
      %add3A_379 = arith.addi %add3A_308, %add3A_378 : i32
      %swap3A_380 = arith.index_cast %add3A_379 : i32 to index
      %swap3A_381 = arith.constant 32 : index
      %swap3A_382 = tpu.vector_load %arg6[%swap3A_380, %swap3A_381] {strides = array<i32>} : memref<320x128xf32, #tpu.memory_space<vmem>>, vector<1x16xf32>,
      %swap3A_383 = vector.shape_cast %swap3A_382 : vector<1x16xf32> to vector<16xf32>
      %swap3A_384 = vector.shape_cast %add3A_377 : vector<16xf32> to vector<1x16xf32>
      tpu.vector_store %arg6[%swap3A_380, %swap3A_381], %swap3A_384 {strides = array<i32>} : memref<320x128xf32, #tpu.memory_space<vmem>>, vector<1x16xf32>,
      %add3A_385 = arith.constant 0 : i32
      %add3A_386 = arith.addi %add3A_308, %add3A_385 : i32
      %get3A_387 = arith.index_cast %add3A_386 : i32 to index
      %get3A_388 = arith.constant 48 : index
      %get3A_389 = tpu.vector_load %arg6[%get3A_387, %get3A_388] {strides = array<i32>} : memref<320x128xf32, #tpu.memory_space<vmem>>, vector<1x16xf32>,
      %get3A_390 = vector.shape_cast %get3A_389 : vector<1x16xf32> to vector<16xf32>
      %mul3A_391 = arith.constant 0.699999988 : f32
      %mul3A_392 = vector.broadcast %mul3A_391 : f32 to vector<16xf32>
      %mul3A_393 = arith.mulf %get3A_390, %mul3A_392 : vector<16xf32>
      %add3A_394 = arith.constant 0 : i32
      %add3A_395 = arith.addi %add3A_308, %add3A_394 : i32
      %get3A_396 = arith.index_cast %add3A_395 : i32 to index
      %get3A_397 = arith.constant 48 : index
      %get3A_398 = tpu.vector_load %arg7[%get3A_396, %get3A_397] {strides = array<i32>} : memref<320x128xf32, #tpu.memory_space<vmem>>, vector<1x16xf32>,
      %get3A_399 = vector.shape_cast %get3A_398 : vector<1x16xf32> to vector<16xf32>
      %mul3A_400 = arith.constant 3.000000e-01 : f32
      %mul3A_401 = vector.broadcast %mul3A_400 : f32 to vector<16xf32>
      %mul3A_402 = arith.mulf %get3A_399, %mul3A_401 : vector<16xf32>
      %add3A_403 = arith.addf %mul3A_393, %mul3A_402 : vector<16xf32>
      %add3A_404 = arith.constant 0 : i32
      %add3A_405 = arith.addi %add3A_308, %add3A_404 : i32
      %swap3A_406 = arith.index_cast %add3A_405 : i32 to index
      %swap3A_407 = arith.constant 48 : index
      %swap3A_408 = tpu.vector_load %arg6[%swap3A_406, %swap3A_407] {strides = array<i32>} : memref<320x128xf32, #tpu.memory_space<vmem>>, vector<1x16xf32>,
      %swap3A_409 = vector.shape_cast %swap3A_408 : vector<1x16xf32> to vector<16xf32>
      %swap3A_410 = vector.shape_cast %add3A_403 : vector<16xf32> to vector<1x16xf32>
      tpu.vector_store %arg6[%swap3A_406, %swap3A_407], %swap3A_410 {strides = array<i32>} : memref<320x128xf32, #tpu.memory_space<vmem>>, vector<1x16xf32>,
      %add3A_411 = arith.constant 0 : i32
      %add3A_412 = arith.addi %add3A_308, %add3A_411 : i32
      %get3A_413 = arith.index_cast %add3A_412 : i32 to index
      %get3A_414 = arith.constant 64 : index
      %get3A_415 = tpu.vector_load %arg6[%get3A_413, %get3A_414] {strides = array<i32>} : memref<320x128xf32, #tpu.memory_space<vmem>>, vector<1x16xf32>,
      %get3A_416 = vector.shape_cast %get3A_415 : vector<1x16xf32> to vector<16xf32>
      %mul3A_417 = arith.constant 0.699999988 : f32
      %mul3A_418 = vector.broadcast %mul3A_417 : f32 to vector<16xf32>
      %mul3A_419 = arith.mulf %get3A_416, %mul3A_418 : vector<16xf32>
      %add3A_420 = arith.constant 0 : i32
      %add3A_421 = arith.addi %add3A_308, %add3A_420 : i32
      %get3A_422 = arith.index_cast %add3A_421 : i32 to index
      %get3A_423 = arith.constant 64 : index
      %get3A_424 = tpu.vector_load %arg7[%get3A_422, %get3A_423] {strides = array<i32>} : memref<320x128xf32, #tpu.memory_space<vmem>>, vector<1x16xf32>,
      %get3A_425 = vector.shape_cast %get3A_424 : vector<1x16xf32> to vector<16xf32>
      %mul3A_426 = arith.constant 3.000000e-01 : f32
      %mul3A_427 = vector.broadcast %mul3A_426 : f32 to vector<16xf32>
      %mul3A_428 = arith.mulf %get3A_425, %mul3A_427 : vector<16xf32>
      %add3A_429 = arith.addf %mul3A_419, %mul3A_428 : vector<16xf32>
      %add3A_430 = arith.constant 0 : i32
      %add3A_431 = arith.addi %add3A_308, %add3A_430 : i32
      %swap3A_432 = arith.index_cast %add3A_431 : i32 to index
      %swap3A_433 = arith.constant 64 : index
      %swap3A_434 = tpu.vector_load %arg6[%swap3A_432, %swap3A_433] {strides = array<i32>} : memref<320x128xf32, #tpu.memory_space<vmem>>, vector<1x16xf32>,
      %swap3A_435 = vector.shape_cast %swap3A_434 : vector<1x16xf32> to vector<16xf32>
      %swap3A_436 = vector.shape_cast %add3A_429 : vector<16xf32> to vector<1x16xf32>
      tpu.vector_store %arg6[%swap3A_432, %swap3A_433], %swap3A_436 {strides = array<i32>} : memref<320x128xf32, #tpu.memory_space<vmem>>, vector<1x16xf32>,
      %add3A_437 = arith.constant 0 : i32
      %add3A_438 = arith.addi %add3A_308, %add3A_437 : i32
      %get3A_439 = arith.index_cast %add3A_438 : i32 to index
      %get3A_440 = arith.constant 80 : index
      %get3A_441 = tpu.vector_load %arg6[%get3A_439, %get3A_440] {strides = array<i32>} : memref<320x128xf32, #tpu.memory_space<vmem>>, vector<1x16xf32>,
      %get3A_442 = vector.shape_cast %get3A_441 : vector<1x16xf32> to vector<16xf32>
      %mul3A_443 = arith.constant 0.699999988 : f32
      %mul3A_444 = vector.broadcast %mul3A_443 : f32 to vector<16xf32>
      %mul3A_445 = arith.mulf %get3A_442, %mul3A_444 : vector<16xf32>
      %add3A_446 = arith.constant 0 : i32
      %add3A_447 = arith.addi %add3A_308, %add3A_446 : i32
      %get3A_448 = arith.index_cast %add3A_447 : i32 to index
      %get3A_449 = arith.constant 80 : index
      %get3A_450 = tpu.vector_load %arg7[%get3A_448, %get3A_449] {strides = array<i32>} : memref<320x128xf32, #tpu.memory_space<vmem>>, vector<1x16xf32>,
      %get3A_451 = vector.shape_cast %get3A_450 : vector<1x16xf32> to vector<16xf32>
      %mul3A_452 = arith.constant 3.000000e-01 : f32
      %mul3A_453 = vector.broadcast %mul3A_452 : f32 to vector<16xf32>
      %mul3A_454 = arith.mulf %get3A_451, %mul3A_453 : vector<16xf32>
      %add3A_455 = arith.addf %mul3A_445, %mul3A_454 : vector<16xf32>
      %add3A_456 = arith.constant 0 : i32
      %add3A_457 = arith.addi %add3A_308, %add3A_456 : i32
      %swap3A_458 = arith.index_cast %add3A_457 : i32 to index
      %swap3A_459 = arith.constant 80 : index
      %swap3A_460 = tpu.vector_load %arg6[%swap3A_458, %swap3A_459] {strides = array<i32>} : memref<320x128xf32, #tpu.memory_space<vmem>>, vector<1x16xf32>,
      %swap3A_461 = vector.shape_cast %swap3A_460 : vector<1x16xf32> to vector<16xf32>
      %swap3A_462 = vector.shape_cast %add3A_455 : vector<16xf32> to vector<1x16xf32>
      tpu.vector_store %arg6[%swap3A_458, %swap3A_459], %swap3A_462 {strides = array<i32>} : memref<320x128xf32, #tpu.memory_space<vmem>>, vector<1x16xf32>,
      %add3A_463 = arith.constant 0 : i32
      %add3A_464 = arith.addi %add3A_308, %add3A_463 : i32
      %get3A_465 = arith.index_cast %add3A_464 : i32 to index
      %get3A_466 = arith.constant 96 : index
      %get3A_467 = tpu.vector_load %arg6[%get3A_465, %get3A_466] {strides = array<i32>} : memref<320x128xf32, #tpu.memory_space<vmem>>, vector<1x16xf32>,
      %get3A_468 = vector.shape_cast %get3A_467 : vector<1x16xf32> to vector<16xf32>
      %mul3A_469 = arith.constant 0.699999988 : f32
      %mul3A_470 = vector.broadcast %mul3A_469 : f32 to vector<16xf32>
      %mul3A_471 = arith.mulf %get3A_468, %mul3A_470 : vector<16xf32>
      %add3A_472 = arith.constant 0 : i32
      %add3A_473 = arith.addi %add3A_308, %add3A_472 : i32
      %get3A_474 = arith.index_cast %add3A_473 : i32 to index
      %get3A_475 = arith.constant 96 : index
      %get3A_476 = tpu.vector_load %arg7[%get3A_474, %get3A_475] {strides = array<i32>} : memref<320x128xf32, #tpu.memory_space<vmem>>, vector<1x16xf32>,
      %get3A_477 = vector.shape_cast %get3A_476 : vector<1x16xf32> to vector<16xf32>
      %mul3A_478 = arith.constant 3.000000e-01 : f32
      %mul3A_479 = vector.broadcast %mul3A_478 : f32 to vector<16xf32>
      %mul3A_480 = arith.mulf %get3A_477, %mul3A_479 : vector<16xf32>
      %add3A_481 = arith.addf %mul3A_471, %mul3A_480 : vector<16xf32>
      %add3A_482 = arith.constant 0 : i32
      %add3A_483 = arith.addi %add3A_308, %add3A_482 : i32
      %swap3A_484 = arith.index_cast %add3A_483 : i32 to index
      %swap3A_485 = arith.constant 96 : index
      %swap3A_486 = tpu.vector_load %arg6[%swap3A_484, %swap3A_485] {strides = array<i32>} : memref<320x128xf32, #tpu.memory_space<vmem>>, vector<1x16xf32>,
      %swap3A_487 = vector.shape_cast %swap3A_486 : vector<1x16xf32> to vector<16xf32>
      %swap3A_488 = vector.shape_cast %add3A_481 : vector<16xf32> to vector<1x16xf32>
      tpu.vector_store %arg6[%swap3A_484, %swap3A_485], %swap3A_488 {strides = array<i32>} : memref<320x128xf32, #tpu.memory_space<vmem>>, vector<1x16xf32>,
      %add3A_489 = arith.constant 0 : i32
      %add3A_490 = arith.addi %add3A_308, %add3A_489 : i32
      %get3A_491 = arith.index_cast %add3A_490 : i32 to index
      %get3A_492 = arith.constant 112 : index
      %get3A_493 = tpu.vector_load %arg6[%get3A_491, %get3A_492] {strides = array<i32>} : memref<320x128xf32, #tpu.memory_space<vmem>>, vector<1x16xf32>,
      %get3A_494 = vector.shape_cast %get3A_493 : vector<1x16xf32> to vector<16xf32>
      %mul3A_495 = arith.constant 0.699999988 : f32
      %mul3A_496 = vector.broadcast %mul3A_495 : f32 to vector<16xf32>
      %mul3A_497 = arith.mulf %get3A_494, %mul3A_496 : vector<16xf32>
      %add3A_498 = arith.constant 0 : i32
      %add3A_499 = arith.addi %add3A_308, %add3A_498 : i32
      %get3A_500 = arith.index_cast %add3A_499 : i32 to index
      %get3A_501 = arith.constant 112 : index
      %get3A_502 = tpu.vector_load %arg7[%get3A_500, %get3A_501] {strides = array<i32>} : memref<320x128xf32, #tpu.memory_space<vmem>>, vector<1x16xf32>,
      %get3A_503 = vector.shape_cast %get3A_502 : vector<1x16xf32> to vector<16xf32>
      %mul3A_504 = arith.constant 3.000000e-01 : f32
      %mul3A_505 = vector.broadcast %mul3A_504 : f32 to vector<16xf32>
      %mul3A_506 = arith.mulf %get3A_503, %mul3A_505 : vector<16xf32>
      %add3A_507 = arith.addf %mul3A_497, %mul3A_506 : vector<16xf32>
      %add3A_508 = arith.constant 0 : i32
      %add3A_509 = arith.addi %add3A_308, %add3A_508 : i32
      %swap3A_510 = arith.index_cast %add3A_509 : i32 to index
      %swap3A_511 = arith.constant 112 : index
      %swap3A_512 = tpu.vector_load %arg6[%swap3A_510, %swap3A_511] {strides = array<i32>} : memref<320x128xf32, #tpu.memory_space<vmem>>, vector<1x16xf32>,
      %swap3A_513 = vector.shape_cast %swap3A_512 : vector<1x16xf32> to vector<16xf32>
      %swap3A_514 = vector.shape_cast %add3A_507 : vector<16xf32> to vector<1x16xf32>
      tpu.vector_store %arg6[%swap3A_510, %swap3A_511], %swap3A_514 {strides = array<i32>} : memref<320x128xf32, #tpu.memory_space<vmem>>, vector<1x16xf32>,
      %add3A_515 = arith.constant 1 : i32
      %add3A_516 = arith.addi %add3A_308, %add3A_515 : i32
      %get3A_517 = arith.index_cast %add3A_516 : i32 to index
      %get3A_518 = arith.constant 0 : index
      %get3A_519 = tpu.vector_load %arg6[%get3A_517, %get3A_518] {strides = array<i32>} : memref<320x128xf32, #tpu.memory_space<vmem>>, vector<1x16xf32>,
      %get3A_520 = vector.shape_cast %get3A_519 : vector<1x16xf32> to vector<16xf32>
      %mul3A_521 = arith.constant 0.699999988 : f32
      %mul3A_522 = vector.broadcast %mul3A_521 : f32 to vector<16xf32>
      %mul3A_523 = arith.mulf %get3A_520, %mul3A_522 : vector<16xf32>
      %add3A_524 = arith.constant 1 : i32
      %add3A_525 = arith.addi %add3A_308, %add3A_524 : i32
      %get3A_526 = arith.index_cast %add3A_525 : i32 to index
      %get3A_527 = arith.constant 0 : index
      %get3A_528 = tpu.vector_load %arg7[%get3A_526, %get3A_527] {strides = array<i32>} : memref<320x128xf32, #tpu.memory_space<vmem>>, vector<1x16xf32>,
      %get3A_529 = vector.shape_cast %get3A_528 : vector<1x16xf32> to vector<16xf32>
      %mul3A_530 = arith.constant 3.000000e-01 : f32
      %mul3A_531 = vector.broadcast %mul3A_530 : f32 to vector<16xf32>
      %mul3A_532 = arith.mulf %get3A_529, %mul3A_531 : vector<16xf32>
      %add3A_533 = arith.addf %mul3A_523, %mul3A_532 : vector<16xf32>
      %add3A_534 = arith.constant 1 : i32
      %add3A_535 = arith.addi %add3A_308, %add3A_534 : i32
      %swap3A_536 = arith.index_cast %add3A_535 : i32 to index
      %swap3A_537 = arith.constant 0 : index
      %swap3A_538 = tpu.vector_load %arg6[%swap3A_536, %swap3A_537] {strides = array<i32>} : memref<320x128xf32, #tpu.memory_space<vmem>>, vector<1x16xf32>,
      %swap3A_539 = vector.shape_cast %swap3A_538 : vector<1x16xf32> to vector<16xf32>
      %swap3A_540 = vector.shape_cast %add3A_533 : vector<16xf32> to vector<1x16xf32>
      tpu.vector_store %arg6[%swap3A_536, %swap3A_537], %swap3A_540 {strides = array<i32>} : memref<320x128xf32, #tpu.memory_space<vmem>>, vector<1x16xf32>,
      %add3A_541 = arith.constant 1 : i32
      %add3A_542 = arith.addi %add3A_308, %add3A_541 : i32
      %get3A_543 = arith.index_cast %add3A_542 : i32 to index
      %get3A_544 = arith.constant 16 : index
      %get3A_545 = tpu.vector_load %arg6[%get3A_543, %get3A_544] {strides = array<i32>} : memref<320x128xf32, #tpu.memory_space<vmem>>, vector<1x16xf32>,
      %get3A_546 = vector.shape_cast %get3A_545 : vector<1x16xf32> to vector<16xf32>
      %mul3A_547 = arith.constant 0.699999988 : f32
      %mul3A_548 = vector.broadcast %mul3A_547 : f32 to vector<16xf32>
      %mul3A_549 = arith.mulf %get3A_546, %mul3A_548 : vector<16xf32>
      %add3A_550 = arith.constant 1 : i32
      %add3A_551 = arith.addi %add3A_308, %add3A_550 : i32
      %get3A_552 = arith.index_cast %add3A_551 : i32 to index
      %get3A_553 = arith.constant 16 : index
      %get3A_554 = tpu.vector_load %arg7[%get3A_552, %get3A_553] {strides = array<i32>} : memref<320x128xf32, #tpu.memory_space<vmem>>, vector<1x16xf32>,
      %get3A_555 = vector.shape_cast %get3A_554 : vector<1x16xf32> to vector<16xf32>
      %mul3A_556 = arith.constant 3.000000e-01 : f32
      %mul3A_557 = vector.broadcast %mul3A_556 : f32 to vector<16xf32>
      %mul3A_558 = arith.mulf %get3A_555, %mul3A_557 : vector<16xf32>
      %add3A_559 = arith.addf %mul3A_549, %mul3A_558 : vector<16xf32>
      %add3A_560 = arith.constant 1 : i32
      %add3A_561 = arith.addi %add3A_308, %add3A_560 : i32
      %swap3A_562 = arith.index_cast %add3A_561 : i32 to index
      %swap3A_563 = arith.constant 16 : index
      %swap3A_564 = tpu.vector_load %arg6[%swap3A_562, %swap3A_563] {strides = array<i32>} : memref<320x128xf32, #tpu.memory_space<vmem>>, vector<1x16xf32>,
      %swap3A_565 = vector.shape_cast %swap3A_564 : vector<1x16xf32> to vector<16xf32>
      %swap3A_566 = vector.shape_cast %add3A_559 : vector<16xf32> to vector<1x16xf32>
      tpu.vector_store %arg6[%swap3A_562, %swap3A_563], %swap3A_566 {strides = array<i32>} : memref<320x128xf32, #tpu.memory_space<vmem>>, vector<1x16xf32>,
      %add3A_567 = arith.constant 1 : i32
      %add3A_568 = arith.addi %add3A_308, %add3A_567 : i32
      %get3A_569 = arith.index_cast %add3A_568 : i32 to index
      %get3A_570 = arith.constant 32 : index
      %get3A_571 = tpu.vector_load %arg6[%get3A_569, %get3A_570] {strides = array<i32>} : memref<320x128xf32, #tpu.memory_space<vmem>>, vector<1x16xf32>,
      %get3A_572 = vector.shape_cast %get3A_571 : vector<1x16xf32> to vector<16xf32>
      %mul3A_573 = arith.constant 0.699999988 : f32
      %mul3A_574 = vector.broadcast %mul3A_573 : f32 to vector<16xf32>
      %mul3A_575 = arith.mulf %get3A_572, %mul3A_574 : vector<16xf32>
      %add3A_576 = arith.constant 1 : i32
      %add3A_577 = arith.addi %add3A_308, %add3A_576 : i32
      %get3A_578 = arith.index_cast %add3A_577 : i32 to index
      %get3A_579 = arith.constant 32 : index
      %get3A_580 = tpu.vector_load %arg7[%get3A_578, %get3A_579] {strides = array<i32>} : memref<320x128xf32, #tpu.memory_space<vmem>>, vector<1x16xf32>,
      %get3A_581 = vector.shape_cast %get3A_580 : vector<1x16xf32> to vector<16xf32>
      %mul3A_582 = arith.constant 3.000000e-01 : f32
      %mul3A_583 = vector.broadcast %mul3A_582 : f32 to vector<16xf32>
      %mul3A_584 = arith.mulf %get3A_581, %mul3A_583 : vector<16xf32>
      %add3A_585 = arith.addf %mul3A_575, %mul3A_584 : vector<16xf32>
      %add3A_586 = arith.constant 1 : i32
      %add3A_587 = arith.addi %add3A_308, %add3A_586 : i32
      %swap3A_588 = arith.index_cast %add3A_587 : i32 to index
      %swap3A_589 = arith.constant 32 : index
      %swap3A_590 = tpu.vector_load %arg6[%swap3A_588, %swap3A_589] {strides = array<i32>} : memref<320x128xf32, #tpu.memory_space<vmem>>, vector<1x16xf32>,
      %swap3A_591 = vector.shape_cast %swap3A_590 : vector<1x16xf32> to vector<16xf32>
      %swap3A_592 = vector.shape_cast %add3A_585 : vector<16xf32> to vector<1x16xf32>
      tpu.vector_store %arg6[%swap3A_588, %swap3A_589], %swap3A_592 {strides = array<i32>} : memref<320x128xf32, #tpu.memory_space<vmem>>, vector<1x16xf32>,
      %add3A_593 = arith.constant 1 : i32
      %add3A_594 = arith.addi %add3A_308, %add3A_593 : i32
      %get3A_595 = arith.index_cast %add3A_594 : i32 to index
      %get3A_596 = arith.constant 48 : index
      %get3A_597 = tpu.vector_load %arg6[%get3A_595, %get3A_596] {strides = array<i32>} : memref<320x128xf32, #tpu.memory_space<vmem>>, vector<1x16xf32>,
      %get3A_598 = vector.shape_cast %get3A_597 : vector<1x16xf32> to vector<16xf32>
      %mul3A_599 = arith.constant 0.699999988 : f32
      %mul3A_600 = vector.broadcast %mul3A_599 : f32 to vector<16xf32>
      %mul3A_601 = arith.mulf %get3A_598, %mul3A_600 : vector<16xf32>
      %add3A_602 = arith.constant 1 : i32
      %add3A_603 = arith.addi %add3A_308, %add3A_602 : i32
      %get3A_604 = arith.index_cast %add3A_603 : i32 to index
      %get3A_605 = arith.constant 48 : index
      %get3A_606 = tpu.vector_load %arg7[%get3A_604, %get3A_605] {strides = array<i32>} : memref<320x128xf32, #tpu.memory_space<vmem>>, vector<1x16xf32>,
      %get3A_607 = vector.shape_cast %get3A_606 : vector<1x16xf32> to vector<16xf32>
      %mul3A_608 = arith.constant 3.000000e-01 : f32
      %mul3A_609 = vector.broadcast %mul3A_608 : f32 to vector<16xf32>
      %mul3A_610 = arith.mulf %get3A_607, %mul3A_609 : vector<16xf32>
      %add3A_611 = arith.addf %mul3A_601, %mul3A_610 : vector<16xf32>
      %add3A_612 = arith.constant 1 : i32
      %add3A_613 = arith.addi %add3A_308, %add3A_612 : i32
      %swap3A_614 = arith.index_cast %add3A_613 : i32 to index
      %swap3A_615 = arith.constant 48 : index
      %swap3A_616 = tpu.vector_load %arg6[%swap3A_614, %swap3A_615] {strides = array<i32>} : memref<320x128xf32, #tpu.memory_space<vmem>>, vector<1x16xf32>,
      %swap3A_617 = vector.shape_cast %swap3A_616 : vector<1x16xf32> to vector<16xf32>
      %swap3A_618 = vector.shape_cast %add3A_611 : vector<16xf32> to vector<1x16xf32>
      tpu.vector_store %arg6[%swap3A_614, %swap3A_615], %swap3A_618 {strides = array<i32>} : memref<320x128xf32, #tpu.memory_space<vmem>>, vector<1x16xf32>,
      %add3A_619 = arith.constant 1 : i32
      %add3A_620 = arith.addi %add3A_308, %add3A_619 : i32
      %get3A_621 = arith.index_cast %add3A_620 : i32 to index
      %get3A_622 = arith.constant 64 : index
      %get3A_623 = tpu.vector_load %arg6[%get3A_621, %get3A_622] {strides = array<i32>} : memref<320x128xf32, #tpu.memory_space<vmem>>, vector<1x16xf32>,
      %get3A_624 = vector.shape_cast %get3A_623 : vector<1x16xf32> to vector<16xf32>
      %mul3A_625 = arith.constant 0.699999988 : f32
      %mul3A_626 = vector.broadcast %mul3A_625 : f32 to vector<16xf32>
      %mul3A_627 = arith.mulf %get3A_624, %mul3A_626 : vector<16xf32>
      %add3A_628 = arith.constant 1 : i32
      %add3A_629 = arith.addi %add3A_308, %add3A_628 : i32
      %get3A_630 = arith.index_cast %add3A_629 : i32 to index
      %get3A_631 = arith.constant 64 : index
      %get3A_632 = tpu.vector_load %arg7[%get3A_630, %get3A_631] {strides = array<i32>} : memref<320x128xf32, #tpu.memory_space<vmem>>, vector<1x16xf32>,
      %get3A_633 = vector.shape_cast %get3A_632 : vector<1x16xf32> to vector<16xf32>
      %mul3A_634 = arith.constant 3.000000e-01 : f32
      %mul3A_635 = vector.broadcast %mul3A_634 : f32 to vector<16xf32>
      %mul3A_636 = arith.mulf %get3A_633, %mul3A_635 : vector<16xf32>
      %add3A_637 = arith.addf %mul3A_627, %mul3A_636 : vector<16xf32>
      %add3A_638 = arith.constant 1 : i32
      %add3A_639 = arith.addi %add3A_308, %add3A_638 : i32
      %swap3A_640 = arith.index_cast %add3A_639 : i32 to index
      %swap3A_641 = arith.constant 64 : index
      %swap3A_642 = tpu.vector_load %arg6[%swap3A_640, %swap3A_641] {strides = array<i32>} : memref<320x128xf32, #tpu.memory_space<vmem>>, vector<1x16xf32>,
      %swap3A_643 = vector.shape_cast %swap3A_642 : vector<1x16xf32> to vector<16xf32>
      %swap3A_644 = vector.shape_cast %add3A_637 : vector<16xf32> to vector<1x16xf32>
      tpu.vector_store %arg6[%swap3A_640, %swap3A_641], %swap3A_644 {strides = array<i32>} : memref<320x128xf32, #tpu.memory_space<vmem>>, vector<1x16xf32>,
      %add3A_645 = arith.constant 1 : i32
      %add3A_646 = arith.addi %add3A_308, %add3A_645 : i32
      %get3A_647 = arith.index_cast %add3A_646 : i32 to index
      %get3A_648 = arith.constant 80 : index
      %get3A_649 = tpu.vector_load %arg6[%get3A_647, %get3A_648] {strides = array<i32>} : memref<320x128xf32, #tpu.memory_space<vmem>>, vector<1x16xf32>,
      %get3A_650 = vector.shape_cast %get3A_649 : vector<1x16xf32> to vector<16xf32>
      %mul3A_651 = arith.constant 0.699999988 : f32
      %mul3A_652 = vector.broadcast %mul3A_651 : f32 to vector<16xf32>
      %mul3A_653 = arith.mulf %get3A_650, %mul3A_652 : vector<16xf32>
      %add3A_654 = arith.constant 1 : i32
      %add3A_655 = arith.addi %add3A_308, %add3A_654 : i32
      %get3A_656 = arith.index_cast %add3A_655 : i32 to index
      %get3A_657 = arith.constant 80 : index
      %get3A_658 = tpu.vector_load %arg7[%get3A_656, %get3A_657] {strides = array<i32>} : memref<320x128xf32, #tpu.memory_space<vmem>>, vector<1x16xf32>,
      %get3A_659 = vector.shape_cast %get3A_658 : vector<1x16xf32> to vector<16xf32>
      %mul3A_660 = arith.constant 3.000000e-01 : f32
      %mul3A_661 = vector.broadcast %mul3A_660 : f32 to vector<16xf32>
      %mul3A_662 = arith.mulf %get3A_659, %mul3A_661 : vector<16xf32>
      %add3A_663 = arith.addf %mul3A_653, %mul3A_662 : vector<16xf32>
      %add3A_664 = arith.constant 1 : i32
      %add3A_665 = arith.addi %add3A_308, %add3A_664 : i32
      %swap3A_666 = arith.index_cast %add3A_665 : i32 to index
      %swap3A_667 = arith.constant 80 : index
      %swap3A_668 = tpu.vector_load %arg6[%swap3A_666, %swap3A_667] {strides = array<i32>} : memref<320x128xf32, #tpu.memory_space<vmem>>, vector<1x16xf32>,
      %swap3A_669 = vector.shape_cast %swap3A_668 : vector<1x16xf32> to vector<16xf32>
      %swap3A_670 = vector.shape_cast %add3A_663 : vector<16xf32> to vector<1x16xf32>
      tpu.vector_store %arg6[%swap3A_666, %swap3A_667], %swap3A_670 {strides = array<i32>} : memref<320x128xf32, #tpu.memory_space<vmem>>, vector<1x16xf32>,
      %add3A_671 = arith.constant 1 : i32
      %add3A_672 = arith.addi %add3A_308, %add3A_671 : i32
      %get3A_673 = arith.index_cast %add3A_672 : i32 to index
      %get3A_674 = arith.constant 96 : index
      %get3A_675 = tpu.vector_load %arg6[%get3A_673, %get3A_674] {strides = array<i32>} : memref<320x128xf32, #tpu.memory_space<vmem>>, vector<1x16xf32>,
      %get3A_676 = vector.shape_cast %get3A_675 : vector<1x16xf32> to vector<16xf32>
      %mul3A_677 = arith.constant 0.699999988 : f32
      %mul3A_678 = vector.broadcast %mul3A_677 : f32 to vector<16xf32>
      %mul3A_679 = arith.mulf %get3A_676, %mul3A_678 : vector<16xf32>
      %add3A_680 = arith.constant 1 : i32
      %add3A_681 = arith.addi %add3A_308, %add3A_680 : i32
      %get3A_682 = arith.index_cast %add3A_681 : i32 to index
      %get3A_683 = arith.constant 96 : index
      %get3A_684 = tpu.vector_load %arg7[%get3A_682, %get3A_683] {strides = array<i32>} : memref<320x128xf32, #tpu.memory_space<vmem>>, vector<1x16xf32>,
      %get3A_685 = vector.shape_cast %get3A_684 : vector<1x16xf32> to vector<16xf32>
      %mul3A_686 = arith.constant 3.000000e-01 : f32
      %mul3A_687 = vector.broadcast %mul3A_686 : f32 to vector<16xf32>
      %mul3A_688 = arith.mulf %get3A_685, %mul3A_687 : vector<16xf32>
      %add3A_689 = arith.addf %mul3A_679, %mul3A_688 : vector<16xf32>
      %add3A_690 = arith.constant 1 : i32
      %add3A_691 = arith.addi %add3A_308, %add3A_690 : i32
      %swap3A_692 = arith.index_cast %add3A_691 : i32 to index
      %swap3A_693 = arith.constant 96 : index
      %swap3A_694 = tpu.vector_load %arg6[%swap3A_692, %swap3A_693] {strides = array<i32>} : memref<320x128xf32, #tpu.memory_space<vmem>>, vector<1x16xf32>,
      %swap3A_695 = vector.shape_cast %swap3A_694 : vector<1x16xf32> to vector<16xf32>
      %swap3A_696 = vector.shape_cast %add3A_689 : vector<16xf32> to vector<1x16xf32>
      tpu.vector_store %arg6[%swap3A_692, %swap3A_693], %swap3A_696 {strides = array<i32>} : memref<320x128xf32, #tpu.memory_space<vmem>>, vector<1x16xf32>,
      %add3A_697 = arith.constant 1 : i32
      %add3A_698 = arith.addi %add3A_308, %add3A_697 : i32
      %get3A_699 = arith.index_cast %add3A_698 : i32 to index
      %get3A_700 = arith.constant 112 : index
      %get3A_701 = tpu.vector_load %arg6[%get3A_699, %get3A_700] {strides = array<i32>} : memref<320x128xf32, #tpu.memory_space<vmem>>, vector<1x16xf32>,
      %get3A_702 = vector.shape_cast %get3A_701 : vector<1x16xf32> to vector<16xf32>
      %mul3A_703 = arith.constant 0.699999988 : f32
      %mul3A_704 = vector.broadcast %mul3A_703 : f32 to vector<16xf32>
      %mul3A_705 = arith.mulf %get3A_702, %mul3A_704 : vector<16xf32>
      %add3A_706 = arith.constant 1 : i32
      %add3A_707 = arith.addi %add3A_308, %add3A_706 : i32
      %get3A_708 = arith.index_cast %add3A_707 : i32 to index
      %get3A_709 = arith.constant 112 : index
      %get3A_710 = tpu.vector_load %arg7[%get3A_708, %get3A_709] {strides = array<i32>} : memref<320x128xf32, #tpu.memory_space<vmem>>, vector<1x16xf32>,
      %get3A_711 = vector.shape_cast %get3A_710 : vector<1x16xf32> to vector<16xf32>
      %mul3A_712 = arith.constant 3.000000e-01 : f32
      %mul3A_713 = vector.broadcast %mul3A_712 : f32 to vector<16xf32>
      %mul3A_714 = arith.mulf %get3A_711, %mul3A_713 : vector<16xf32>
      %add3A_715 = arith.addf %mul3A_705, %mul3A_714 : vector<16xf32>
      %add3A_716 = arith.constant 1 : i32
      %add3A_717 = arith.addi %add3A_308, %add3A_716 : i32
      %swap3A_718 = arith.index_cast %add3A_717 : i32 to index
      %swap3A_719 = arith.constant 112 : index
      %swap3A_720 = tpu.vector_load %arg6[%swap3A_718, %swap3A_719] {strides = array<i32>} : memref<320x128xf32, #tpu.memory_space<vmem>>, vector<1x16xf32>,
      %swap3A_721 = vector.shape_cast %swap3A_720 : vector<1x16xf32> to vector<16xf32>
      %swap3A_722 = vector.shape_cast %add3A_715 : vector<16xf32> to vector<1x16xf32>
      tpu.vector_store %arg6[%swap3A_718, %swap3A_719], %swap3A_722 {strides = array<i32>} : memref<320x128xf32, #tpu.memory_space<vmem>>, vector<1x16xf32>,
    }
    %scan3A_143 = arith.constant 40 : i32
    %add3A_144 = arith.constant 0 : i32
    %add3A_145 = arith.addi %mul3A_44, %add3A_144 : i32
    %dma_start3A_146 = arith.constant 0 : i32
    %dma_start3A_147 = arith.constant 0 : i32
    %dma_start3A_148 = tpu.memref_slice %arg6[%dma_start3A_146, %dma_start3A_147] : memref<320x128xf32, #tpu.memory_space<vmem>> -> memref<80x128xf32, #tpu.memory_space<vmem>>
    %dma_start3A_149 = arith.constant 0 : i32
    %dma_start3A_150 = tpu.memref_slice %arg4[%add3A_145, %dma_start3A_149] : memref<10000x128xf32, #tpu.memory_space<hbm>> -> memref<80x128xf32, #tpu.memory_space<hbm>>
    %dma_start3A_151 = arith.constant 0 : i32
    %dma_start3A_152 = tpu.memref_slice %arg4[%add3A_145, %dma_start3A_151] : memref<10000x128xf32, #tpu.memory_space<hbm>> -> memref<80x128xf32, #tpu.memory_space<hbm>>
    %dma_start3A_153 = arith.constant 0 : i32
    %dma_start3A_154 = arith.constant 0 : i32
    %dma_start3A_155 = tpu.memref_slice %arg6[%dma_start3A_153, %dma_start3A_154] : memref<320x128xf32, #tpu.memory_space<vmem>> -> memref<80x128xf32, #tpu.memory_space<vmem>>
    tpu.enqueue_dma source(%dma_start3A_155 : memref<80x128xf32, #tpu.memory_space<vmem>>) target(%dma_start3A_152 : memref<80x128xf32, #tpu.memory_space<hbm>>) target_semaphore(%arg12 : memref<!tpu.dma_semaphore, #tpu.memory_space<semaphore_mem>>)
    %dma_wait3A_156 = arith.constant 80 : i32
    %dma_wait3A_157 = arith.constant 0 : i32
    %dma_wait3A_158 = tpu.memref_slice %arg6[%dma_wait3A_156, %dma_wait3A_157] : memref<320x128xf32, #tpu.memory_space<vmem>> -> memref<80x128xf32, #tpu.memory_space<vmem>>
    %dma_wait3A_159 = arith.constant 0 : i32
    %dma_wait3A_160 = tpu.memref_slice %arg2[%add3A_63, %dma_wait3A_159] : memref<10000x128xf32, #tpu.memory_space<hbm>> -> memref<80x128xf32, #tpu.memory_space<hbm>>
    %dma_wait3A_161 = arith.constant 80 : i32
    %dma_wait3A_162 = arith.constant 0 : i32
    %dma_wait3A_163 = tpu.memref_slice %arg6[%dma_wait3A_161, %dma_wait3A_162] : memref<320x128xf32, #tpu.memory_space<vmem>> -> memref<80x128xf32, #tpu.memory_space<vmem>>
    %dma_wait3A_164 = arith.constant 0 : i32
    %dma_wait3A_165 = tpu.memref_slice %arg2[%add3A_63, %dma_wait3A_164] : memref<10000x128xf32, #tpu.memory_space<hbm>> -> memref<80x128xf32, #tpu.memory_space<hbm>>
    tpu.wait_dma2 semaphore(%arg9 : memref<!tpu.dma_semaphore, #tpu.memory_space<semaphore_mem>>) src(%dma_wait3A_165 : memref<80x128xf32, #tpu.memory_space<hbm>>) dst(%dma_wait3A_163 : memref<80x128xf32, #tpu.memory_space<vmem>>)
    %dma_wait3A_166 = arith.constant 80 : i32
    %dma_wait3A_167 = arith.constant 0 : i32
    %dma_wait3A_168 = tpu.memref_slice %arg7[%dma_wait3A_166, %dma_wait3A_167] : memref<320x128xf32, #tpu.memory_space<vmem>> -> memref<80x128xf32, #tpu.memory_space<vmem>>
    %dma_wait3A_169 = arith.constant 80 : i32
    %dma_wait3A_170 = tpu.memref_slice %arg5[%dma_wait3A_169] : memref<320xi32, #tpu.memory_space<vmem>> -> memref<80xi32, #tpu.memory_space<vmem>>
    %dma_wait3A_171 = arith.constant 0 : i32
    %dma_wait3A_172 = arith.constant 0 : i32
    %dma_wait3A_173 = tpu.memref_slice %arg2[%dma_wait3A_171, %dma_wait3A_172] : memref<10000x128xf32, #tpu.memory_space<hbm>> -> memref<10000x128xf32, #tpu.memory_space<hbm>>
    tpu.wait_indirect_dma semaphore(%arg9 : memref<!tpu.dma_semaphore, #tpu.memory_space<semaphore_mem>>) src(%dma_wait3A_173 : memref<10000x128xf32, #tpu.memory_space<hbm>>) dst(%dma_wait3A_168 : memref<80x128xf32, #tpu.memory_space<vmem>>)
    %scan3A_174 = arith.constant 0 : i32
    %scan3A_175 = arith.constant 0 : i32
    %scan3A_176 = arith.constant 40 : i32
    %scan3A_177 = arith.addi %scan3A_175, %scan3A_176 : i32
    %scan3A_178 = arith.constant 1 : i32
    scf.for %scan3A_304 = %scan3A_175 to %scan3A_177 step %scan3A_178  : i32 {
      %mul3A_305 = arith.constant 2 : i32
      %mul3A_306 = arith.muli %scan3A_304, %mul3A_305 : i32
      %add3A_307 = arith.constant 80 : i32
      %add3A_308 = arith.addi %add3A_307, %mul3A_306 : i32
      %add3A_309 = arith.constant 0 : i32
      %add3A_310 = arith.addi %add3A_308, %add3A_309 : i32
      %get3A = arith.index_cast %add3A_310 : i32 to index
      %get3A_311 = arith.constant 0 : index
      %get3A_312 = tpu.vector_load %arg6[%get3A, %get3A_311] {strides = array<i32>} : memref<320x128xf32, #tpu.memory_space<vmem>>, vector<1x16xf32>,
      %get3A_313 = vector.shape_cast %get3A_312 : vector<1x16xf32> to vector<16xf32>
      %mul3A_314 = arith.constant 0.699999988 : f32
      %mul3A_315 = vector.broadcast %mul3A_314 : f32 to vector<16xf32>
      %mul3A_316 = arith.mulf %get3A_313, %mul3A_315 : vector<16xf32>
      %add3A_317 = arith.constant 0 : i32
      %add3A_318 = arith.addi %add3A_308, %add3A_317 : i32
      %get3A_319 = arith.index_cast %add3A_318 : i32 to index
      %get3A_320 = arith.constant 0 : index
      %get3A_321 = tpu.vector_load %arg7[%get3A_319, %get3A_320] {strides = array<i32>} : memref<320x128xf32, #tpu.memory_space<vmem>>, vector<1x16xf32>,
      %get3A_322 = vector.shape_cast %get3A_321 : vector<1x16xf32> to vector<16xf32>
      %mul3A_323 = arith.constant 3.000000e-01 : f32
      %mul3A_324 = vector.broadcast %mul3A_323 : f32 to vector<16xf32>
      %mul3A_325 = arith.mulf %get3A_322, %mul3A_324 : vector<16xf32>
      %add3A_326 = arith.addf %mul3A_316, %mul3A_325 : vector<16xf32>
      %add3A_327 = arith.constant 0 : i32
      %add3A_328 = arith.addi %add3A_308, %add3A_327 : i32
      %swap3A = arith.index_cast %add3A_328 : i32 to index
      %swap3A_329 = arith.constant 0 : index
      %swap3A_330 = tpu.vector_load %arg6[%swap3A, %swap3A_329] {strides = array<i32>} : memref<320x128xf32, #tpu.memory_space<vmem>>, vector<1x16xf32>,
      %swap3A_331 = vector.shape_cast %swap3A_330 : vector<1x16xf32> to vector<16xf32>
      %swap3A_332 = vector.shape_cast %add3A_326 : vector<16xf32> to vector<1x16xf32>
      tpu.vector_store %arg6[%swap3A, %swap3A_329], %swap3A_332 {strides = array<i32>} : memref<320x128xf32, #tpu.memory_space<vmem>>, vector<1x16xf32>,
      %add3A_333 = arith.constant 0 : i32
      %add3A_334 = arith.addi %add3A_308, %add3A_333 : i32
      %get3A_335 = arith.index_cast %add3A_334 : i32 to index
      %get3A_336 = arith.constant 16 : index
      %get3A_337 = tpu.vector_load %arg6[%get3A_335, %get3A_336] {strides = array<i32>} : memref<320x128xf32, #tpu.memory_space<vmem>>, vector<1x16xf32>,
      %get3A_338 = vector.shape_cast %get3A_337 : vector<1x16xf32> to vector<16xf32>
      %mul3A_339 = arith.constant 0.699999988 : f32
      %mul3A_340 = vector.broadcast %mul3A_339 : f32 to vector<16xf32>
      %mul3A_341 = arith.mulf %get3A_338, %mul3A_340 : vector<16xf32>
      %add3A_342 = arith.constant 0 : i32
      %add3A_343 = arith.addi %add3A_308, %add3A_342 : i32
      %get3A_344 = arith.index_cast %add3A_343 : i32 to index
      %get3A_345 = arith.constant 16 : index
      %get3A_346 = tpu.vector_load %arg7[%get3A_344, %get3A_345] {strides = array<i32>} : memref<320x128xf32, #tpu.memory_space<vmem>>, vector<1x16xf32>,
      %get3A_347 = vector.shape_cast %get3A_346 : vector<1x16xf32> to vector<16xf32>
      %mul3A_348 = arith.constant 3.000000e-01 : f32
      %mul3A_349 = vector.broadcast %mul3A_348 : f32 to vector<16xf32>
      %mul3A_350 = arith.mulf %get3A_347, %mul3A_349 : vector<16xf32>
      %add3A_351 = arith.addf %mul3A_341, %mul3A_350 : vector<16xf32>
      %add3A_352 = arith.constant 0 : i32
      %add3A_353 = arith.addi %add3A_308, %add3A_352 : i32
      %swap3A_354 = arith.index_cast %add3A_353 : i32 to index
      %swap3A_355 = arith.constant 16 : index
      %swap3A_356 = tpu.vector_load %arg6[%swap3A_354, %swap3A_355] {strides = array<i32>} : memref<320x128xf32, #tpu.memory_space<vmem>>, vector<1x16xf32>,
      %swap3A_357 = vector.shape_cast %swap3A_356 : vector<1x16xf32> to vector<16xf32>
      %swap3A_358 = vector.shape_cast %add3A_351 : vector<16xf32> to vector<1x16xf32>
      tpu.vector_store %arg6[%swap3A_354, %swap3A_355], %swap3A_358 {strides = array<i32>} : memref<320x128xf32, #tpu.memory_space<vmem>>, vector<1x16xf32>,
      %add3A_359 = arith.constant 0 : i32
      %add3A_360 = arith.addi %add3A_308, %add3A_359 : i32
      %get3A_361 = arith.index_cast %add3A_360 : i32 to index
      %get3A_362 = arith.constant 32 : index
      %get3A_363 = tpu.vector_load %arg6[%get3A_361, %get3A_362] {strides = array<i32>} : memref<320x128xf32, #tpu.memory_space<vmem>>, vector<1x16xf32>,
      %get3A_364 = vector.shape_cast %get3A_363 : vector<1x16xf32> to vector<16xf32>
      %mul3A_365 = arith.constant 0.699999988 : f32
      %mul3A_366 = vector.broadcast %mul3A_365 : f32 to vector<16xf32>
      %mul3A_367 = arith.mulf %get3A_364, %mul3A_366 : vector<16xf32>
      %add3A_368 = arith.constant 0 : i32
      %add3A_369 = arith.addi %add3A_308, %add3A_368 : i32
      %get3A_370 = arith.index_cast %add3A_369 : i32 to index
      %get3A_371 = arith.constant 32 : index
      %get3A_372 = tpu.vector_load %arg7[%get3A_370, %get3A_371] {strides = array<i32>} : memref<320x128xf32, #tpu.memory_space<vmem>>, vector<1x16xf32>,
      %get3A_373 = vector.shape_cast %get3A_372 : vector<1x16xf32> to vector<16xf32>
      %mul3A_374 = arith.constant 3.000000e-01 : f32
      %mul3A_375 = vector.broadcast %mul3A_374 : f32 to vector<16xf32>
      %mul3A_376 = arith.mulf %get3A_373, %mul3A_375 : vector<16xf32>
      %add3A_377 = arith.addf %mul3A_367, %mul3A_376 : vector<16xf32>
      %add3A_378 = arith.constant 0 : i32
      %add3A_379 = arith.addi %add3A_308, %add3A_378 : i32
      %swap3A_380 = arith.index_cast %add3A_379 : i32 to index
      %swap3A_381 = arith.constant 32 : index
      %swap3A_382 = tpu.vector_load %arg6[%swap3A_380, %swap3A_381] {strides = array<i32>} : memref<320x128xf32, #tpu.memory_space<vmem>>, vector<1x16xf32>,
      %swap3A_383 = vector.shape_cast %swap3A_382 : vector<1x16xf32> to vector<16xf32>
      %swap3A_384 = vector.shape_cast %add3A_377 : vector<16xf32> to vector<1x16xf32>
      tpu.vector_store %arg6[%swap3A_380, %swap3A_381], %swap3A_384 {strides = array<i32>} : memref<320x128xf32, #tpu.memory_space<vmem>>, vector<1x16xf32>,
      %add3A_385 = arith.constant 0 : i32
      %add3A_386 = arith.addi %add3A_308, %add3A_385 : i32
      %get3A_387 = arith.index_cast %add3A_386 : i32 to index
      %get3A_388 = arith.constant 48 : index
      %get3A_389 = tpu.vector_load %arg6[%get3A_387, %get3A_388] {strides = array<i32>} : memref<320x128xf32, #tpu.memory_space<vmem>>, vector<1x16xf32>,
      %get3A_390 = vector.shape_cast %get3A_389 : vector<1x16xf32> to vector<16xf32>
      %mul3A_391 = arith.constant 0.699999988 : f32
      %mul3A_392 = vector.broadcast %mul3A_391 : f32 to vector<16xf32>
      %mul3A_393 = arith.mulf %get3A_390, %mul3A_392 : vector<16xf32>
      %add3A_394 = arith.constant 0 : i32
      %add3A_395 = arith.addi %add3A_308, %add3A_394 : i32
      %get3A_396 = arith.index_cast %add3A_395 : i32 to index
      %get3A_397 = arith.constant 48 : index
      %get3A_398 = tpu.vector_load %arg7[%get3A_396, %get3A_397] {strides = array<i32>} : memref<320x128xf32, #tpu.memory_space<vmem>>, vector<1x16xf32>,
      %get3A_399 = vector.shape_cast %get3A_398 : vector<1x16xf32> to vector<16xf32>
      %mul3A_400 = arith.constant 3.000000e-01 : f32
      %mul3A_401 = vector.broadcast %mul3A_400 : f32 to vector<16xf32>
      %mul3A_402 = arith.mulf %get3A_399, %mul3A_401 : vector<16xf32>
      %add3A_403 = arith.addf %mul3A_393, %mul3A_402 : vector<16xf32>
      %add3A_404 = arith.constant 0 : i32
      %add3A_405 = arith.addi %add3A_308, %add3A_404 : i32
      %swap3A_406 = arith.index_cast %add3A_405 : i32 to index
      %swap3A_407 = arith.constant 48 : index
      %swap3A_408 = tpu.vector_load %arg6[%swap3A_406, %swap3A_407] {strides = array<i32>} : memref<320x128xf32, #tpu.memory_space<vmem>>, vector<1x16xf32>,
      %swap3A_409 = vector.shape_cast %swap3A_408 : vector<1x16xf32> to vector<16xf32>
      %swap3A_410 = vector.shape_cast %add3A_403 : vector<16xf32> to vector<1x16xf32>
      tpu.vector_store %arg6[%swap3A_406, %swap3A_407], %swap3A_410 {strides = array<i32>} : memref<320x128xf32, #tpu.memory_space<vmem>>, vector<1x16xf32>,
      %add3A_411 = arith.constant 0 : i32
      %add3A_412 = arith.addi %add3A_308, %add3A_411 : i32
      %get3A_413 = arith.index_cast %add3A_412 : i32 to index
      %get3A_414 = arith.constant 64 : index
      %get3A_415 = tpu.vector_load %arg6[%get3A_413, %get3A_414] {strides = array<i32>} : memref<320x128xf32, #tpu.memory_space<vmem>>, vector<1x16xf32>,
      %get3A_416 = vector.shape_cast %get3A_415 : vector<1x16xf32> to vector<16xf32>
      %mul3A_417 = arith.constant 0.699999988 : f32
      %mul3A_418 = vector.broadcast %mul3A_417 : f32 to vector<16xf32>
      %mul3A_419 = arith.mulf %get3A_416, %mul3A_418 : vector<16xf32>
      %add3A_420 = arith.constant 0 : i32
      %add3A_421 = arith.addi %add3A_308, %add3A_420 : i32
      %get3A_422 = arith.index_cast %add3A_421 : i32 to index
      %get3A_423 = arith.constant 64 : index
      %get3A_424 = tpu.vector_load %arg7[%get3A_422, %get3A_423] {strides = array<i32>} : memref<320x128xf32, #tpu.memory_space<vmem>>, vector<1x16xf32>,
      %get3A_425 = vector.shape_cast %get3A_424 : vector<1x16xf32> to vector<16xf32>
      %mul3A_426 = arith.constant 3.000000e-01 : f32
      %mul3A_427 = vector.broadcast %mul3A_426 : f32 to vector<16xf32>
      %mul3A_428 = arith.mulf %get3A_425, %mul3A_427 : vector<16xf32>
      %add3A_429 = arith.addf %mul3A_419, %mul3A_428 : vector<16xf32>
      %add3A_430 = arith.constant 0 : i32
      %add3A_431 = arith.addi %add3A_308, %add3A_430 : i32
      %swap3A_432 = arith.index_cast %add3A_431 : i32 to index
      %swap3A_433 = arith.constant 64 : index
      %swap3A_434 = tpu.vector_load %arg6[%swap3A_432, %swap3A_433] {strides = array<i32>} : memref<320x128xf32, #tpu.memory_space<vmem>>, vector<1x16xf32>,
      %swap3A_435 = vector.shape_cast %swap3A_434 : vector<1x16xf32> to vector<16xf32>
      %swap3A_436 = vector.shape_cast %add3A_429 : vector<16xf32> to vector<1x16xf32>
      tpu.vector_store %arg6[%swap3A_432, %swap3A_433], %swap3A_436 {strides = array<i32>} : memref<320x128xf32, #tpu.memory_space<vmem>>, vector<1x16xf32>,
      %add3A_437 = arith.constant 0 : i32
      %add3A_438 = arith.addi %add3A_308, %add3A_437 : i32
      %get3A_439 = arith.index_cast %add3A_438 : i32 to index
      %get3A_440 = arith.constant 80 : index
      %get3A_441 = tpu.vector_load %arg6[%get3A_439, %get3A_440] {strides = array<i32>} : memref<320x128xf32, #tpu.memory_space<vmem>>, vector<1x16xf32>,
      %get3A_442 = vector.shape_cast %get3A_441 : vector<1x16xf32> to vector<16xf32>
      %mul3A_443 = arith.constant 0.699999988 : f32
      %mul3A_444 = vector.broadcast %mul3A_443 : f32 to vector<16xf32>
      %mul3A_445 = arith.mulf %get3A_442, %mul3A_444 : vector<16xf32>
      %add3A_446 = arith.constant 0 : i32
      %add3A_447 = arith.addi %add3A_308, %add3A_446 : i32
      %get3A_448 = arith.index_cast %add3A_447 : i32 to index
      %get3A_449 = arith.constant 80 : index
      %get3A_450 = tpu.vector_load %arg7[%get3A_448, %get3A_449] {strides = array<i32>} : memref<320x128xf32, #tpu.memory_space<vmem>>, vector<1x16xf32>,
      %get3A_451 = vector.shape_cast %get3A_450 : vector<1x16xf32> to vector<16xf32>
      %mul3A_452 = arith.constant 3.000000e-01 : f32
      %mul3A_453 = vector.broadcast %mul3A_452 : f32 to vector<16xf32>
      %mul3A_454 = arith.mulf %get3A_451, %mul3A_453 : vector<16xf32>
      %add3A_455 = arith.addf %mul3A_445, %mul3A_454 : vector<16xf32>
      %add3A_456 = arith.constant 0 : i32
      %add3A_457 = arith.addi %add3A_308, %add3A_456 : i32
      %swap3A_458 = arith.index_cast %add3A_457 : i32 to index
      %swap3A_459 = arith.constant 80 : index
      %swap3A_460 = tpu.vector_load %arg6[%swap3A_458, %swap3A_459] {strides = array<i32>} : memref<320x128xf32, #tpu.memory_space<vmem>>, vector<1x16xf32>,
      %swap3A_461 = vector.shape_cast %swap3A_460 : vector<1x16xf32> to vector<16xf32>
      %swap3A_462 = vector.shape_cast %add3A_455 : vector<16xf32> to vector<1x16xf32>
      tpu.vector_store %arg6[%swap3A_458, %swap3A_459], %swap3A_462 {strides = array<i32>} : memref<320x128xf32, #tpu.memory_space<vmem>>, vector<1x16xf32>,
      %add3A_463 = arith.constant 0 : i32
      %add3A_464 = arith.addi %add3A_308, %add3A_463 : i32
      %get3A_465 = arith.index_cast %add3A_464 : i32 to index
      %get3A_466 = arith.constant 96 : index
      %get3A_467 = tpu.vector_load %arg6[%get3A_465, %get3A_466] {strides = array<i32>} : memref<320x128xf32, #tpu.memory_space<vmem>>, vector<1x16xf32>,
      %get3A_468 = vector.shape_cast %get3A_467 : vector<1x16xf32> to vector<16xf32>
      %mul3A_469 = arith.constant 0.699999988 : f32
      %mul3A_470 = vector.broadcast %mul3A_469 : f32 to vector<16xf32>
      %mul3A_471 = arith.mulf %get3A_468, %mul3A_470 : vector<16xf32>
      %add3A_472 = arith.constant 0 : i32
      %add3A_473 = arith.addi %add3A_308, %add3A_472 : i32
      %get3A_474 = arith.index_cast %add3A_473 : i32 to index
      %get3A_475 = arith.constant 96 : index
      %get3A_476 = tpu.vector_load %arg7[%get3A_474, %get3A_475] {strides = array<i32>} : memref<320x128xf32, #tpu.memory_space<vmem>>, vector<1x16xf32>,
      %get3A_477 = vector.shape_cast %get3A_476 : vector<1x16xf32> to vector<16xf32>
      %mul3A_478 = arith.constant 3.000000e-01 : f32
      %mul3A_479 = vector.broadcast %mul3A_478 : f32 to vector<16xf32>
      %mul3A_480 = arith.mulf %get3A_477, %mul3A_479 : vector<16xf32>
      %add3A_481 = arith.addf %mul3A_471, %mul3A_480 : vector<16xf32>
      %add3A_482 = arith.constant 0 : i32
      %add3A_483 = arith.addi %add3A_308, %add3A_482 : i32
      %swap3A_484 = arith.index_cast %add3A_483 : i32 to index
      %swap3A_485 = arith.constant 96 : index
      %swap3A_486 = tpu.vector_load %arg6[%swap3A_484, %swap3A_485] {strides = array<i32>} : memref<320x128xf32, #tpu.memory_space<vmem>>, vector<1x16xf32>,
      %swap3A_487 = vector.shape_cast %swap3A_486 : vector<1x16xf32> to vector<16xf32>
      %swap3A_488 = vector.shape_cast %add3A_481 : vector<16xf32> to vector<1x16xf32>
      tpu.vector_store %arg6[%swap3A_484, %swap3A_485], %swap3A_488 {strides = array<i32>} : memref<320x128xf32, #tpu.memory_space<vmem>>, vector<1x16xf32>,
      %add3A_489 = arith.constant 0 : i32
      %add3A_490 = arith.addi %add3A_308, %add3A_489 : i32
      %get3A_491 = arith.index_cast %add3A_490 : i32 to index
      %get3A_492 = arith.constant 112 : index
      %get3A_493 = tpu.vector_load %arg6[%get3A_491, %get3A_492] {strides = array<i32>} : memref<320x128xf32, #tpu.memory_space<vmem>>, vector<1x16xf32>,
      %get3A_494 = vector.shape_cast %get3A_493 : vector<1x16xf32> to vector<16xf32>
      %mul3A_495 = arith.constant 0.699999988 : f32
      %mul3A_496 = vector.broadcast %mul3A_495 : f32 to vector<16xf32>
      %mul3A_497 = arith.mulf %get3A_494, %mul3A_496 : vector<16xf32>
      %add3A_498 = arith.constant 0 : i32
      %add3A_499 = arith.addi %add3A_308, %add3A_498 : i32
      %get3A_500 = arith.index_cast %add3A_499 : i32 to index
      %get3A_501 = arith.constant 112 : index
      %get3A_502 = tpu.vector_load %arg7[%get3A_500, %get3A_501] {strides = array<i32>} : memref<320x128xf32, #tpu.memory_space<vmem>>, vector<1x16xf32>,
      %get3A_503 = vector.shape_cast %get3A_502 : vector<1x16xf32> to vector<16xf32>
      %mul3A_504 = arith.constant 3.000000e-01 : f32
      %mul3A_505 = vector.broadcast %mul3A_504 : f32 to vector<16xf32>
      %mul3A_506 = arith.mulf %get3A_503, %mul3A_505 : vector<16xf32>
      %add3A_507 = arith.addf %mul3A_497, %mul3A_506 : vector<16xf32>
      %add3A_508 = arith.constant 0 : i32
      %add3A_509 = arith.addi %add3A_308, %add3A_508 : i32
      %swap3A_510 = arith.index_cast %add3A_509 : i32 to index
      %swap3A_511 = arith.constant 112 : index
      %swap3A_512 = tpu.vector_load %arg6[%swap3A_510, %swap3A_511] {strides = array<i32>} : memref<320x128xf32, #tpu.memory_space<vmem>>, vector<1x16xf32>,
      %swap3A_513 = vector.shape_cast %swap3A_512 : vector<1x16xf32> to vector<16xf32>
      %swap3A_514 = vector.shape_cast %add3A_507 : vector<16xf32> to vector<1x16xf32>
      tpu.vector_store %arg6[%swap3A_510, %swap3A_511], %swap3A_514 {strides = array<i32>} : memref<320x128xf32, #tpu.memory_space<vmem>>, vector<1x16xf32>,
      %add3A_515 = arith.constant 1 : i32
      %add3A_516 = arith.addi %add3A_308, %add3A_515 : i32
      %get3A_517 = arith.index_cast %add3A_516 : i32 to index
      %get3A_518 = arith.constant 0 : index
      %get3A_519 = tpu.vector_load %arg6[%get3A_517, %get3A_518] {strides = array<i32>} : memref<320x128xf32, #tpu.memory_space<vmem>>, vector<1x16xf32>,
      %get3A_520 = vector.shape_cast %get3A_519 : vector<1x16xf32> to vector<16xf32>
      %mul3A_521 = arith.constant 0.699999988 : f32
      %mul3A_522 = vector.broadcast %mul3A_521 : f32 to vector<16xf32>
      %mul3A_523 = arith.mulf %get3A_520, %mul3A_522 : vector<16xf32>
      %add3A_524 = arith.constant 1 : i32
      %add3A_525 = arith.addi %add3A_308, %add3A_524 : i32
      %get3A_526 = arith.index_cast %add3A_525 : i32 to index
      %get3A_527 = arith.constant 0 : index
      %get3A_528 = tpu.vector_load %arg7[%get3A_526, %get3A_527] {strides = array<i32>} : memref<320x128xf32, #tpu.memory_space<vmem>>, vector<1x16xf32>,
      %get3A_529 = vector.shape_cast %get3A_528 : vector<1x16xf32> to vector<16xf32>
      %mul3A_530 = arith.constant 3.000000e-01 : f32
      %mul3A_531 = vector.broadcast %mul3A_530 : f32 to vector<16xf32>
      %mul3A_532 = arith.mulf %get3A_529, %mul3A_531 : vector<16xf32>
      %add3A_533 = arith.addf %mul3A_523, %mul3A_532 : vector<16xf32>
      %add3A_534 = arith.constant 1 : i32
      %add3A_535 = arith.addi %add3A_308, %add3A_534 : i32
      %swap3A_536 = arith.index_cast %add3A_535 : i32 to index
      %swap3A_537 = arith.constant 0 : index
      %swap3A_538 = tpu.vector_load %arg6[%swap3A_536, %swap3A_537] {strides = array<i32>} : memref<320x128xf32, #tpu.memory_space<vmem>>, vector<1x16xf32>,
      %swap3A_539 = vector.shape_cast %swap3A_538 : vector<1x16xf32> to vector<16xf32>
      %swap3A_540 = vector.shape_cast %add3A_533 : vector<16xf32> to vector<1x16xf32>
      tpu.vector_store %arg6[%swap3A_536, %swap3A_537], %swap3A_540 {strides = array<i32>} : memref<320x128xf32, #tpu.memory_space<vmem>>, vector<1x16xf32>,
      %add3A_541 = arith.constant 1 : i32
      %add3A_542 = arith.addi %add3A_308, %add3A_541 : i32
      %get3A_543 = arith.index_cast %add3A_542 : i32 to index
      %get3A_544 = arith.constant 16 : index
      %get3A_545 = tpu.vector_load %arg6[%get3A_543, %get3A_544] {strides = array<i32>} : memref<320x128xf32, #tpu.memory_space<vmem>>, vector<1x16xf32>,
      %get3A_546 = vector.shape_cast %get3A_545 : vector<1x16xf32> to vector<16xf32>
      %mul3A_547 = arith.constant 0.699999988 : f32
      %mul3A_548 = vector.broadcast %mul3A_547 : f32 to vector<16xf32>
      %mul3A_549 = arith.mulf %get3A_546, %mul3A_548 : vector<16xf32>
      %add3A_550 = arith.constant 1 : i32
      %add3A_551 = arith.addi %add3A_308, %add3A_550 : i32
      %get3A_552 = arith.index_cast %add3A_551 : i32 to index
      %get3A_553 = arith.constant 16 : index
      %get3A_554 = tpu.vector_load %arg7[%get3A_552, %get3A_553] {strides = array<i32>} : memref<320x128xf32, #tpu.memory_space<vmem>>, vector<1x16xf32>,
      %get3A_555 = vector.shape_cast %get3A_554 : vector<1x16xf32> to vector<16xf32>
      %mul3A_556 = arith.constant 3.000000e-01 : f32
      %mul3A_557 = vector.broadcast %mul3A_556 : f32 to vector<16xf32>
      %mul3A_558 = arith.mulf %get3A_555, %mul3A_557 : vector<16xf32>
      %add3A_559 = arith.addf %mul3A_549, %mul3A_558 : vector<16xf32>
      %add3A_560 = arith.constant 1 : i32
      %add3A_561 = arith.addi %add3A_308, %add3A_560 : i32
      %swap3A_562 = arith.index_cast %add3A_561 : i32 to index
      %swap3A_563 = arith.constant 16 : index
      %swap3A_564 = tpu.vector_load %arg6[%swap3A_562, %swap3A_563] {strides = array<i32>} : memref<320x128xf32, #tpu.memory_space<vmem>>, vector<1x16xf32>,
      %swap3A_565 = vector.shape_cast %swap3A_564 : vector<1x16xf32> to vector<16xf32>
      %swap3A_566 = vector.shape_cast %add3A_559 : vector<16xf32> to vector<1x16xf32>
      tpu.vector_store %arg6[%swap3A_562, %swap3A_563], %swap3A_566 {strides = array<i32>} : memref<320x128xf32, #tpu.memory_space<vmem>>, vector<1x16xf32>,
      %add3A_567 = arith.constant 1 : i32
      %add3A_568 = arith.addi %add3A_308, %add3A_567 : i32
      %get3A_569 = arith.index_cast %add3A_568 : i32 to index
      %get3A_570 = arith.constant 32 : index
      %get3A_571 = tpu.vector_load %arg6[%get3A_569, %get3A_570] {strides = array<i32>} : memref<320x128xf32, #tpu.memory_space<vmem>>, vector<1x16xf32>,
      %get3A_572 = vector.shape_cast %get3A_571 : vector<1x16xf32> to vector<16xf32>
      %mul3A_573 = arith.constant 0.699999988 : f32
      %mul3A_574 = vector.broadcast %mul3A_573 : f32 to vector<16xf32>
      %mul3A_575 = arith.mulf %get3A_572, %mul3A_574 : vector<16xf32>
      %add3A_576 = arith.constant 1 : i32
      %add3A_577 = arith.addi %add3A_308, %add3A_576 : i32
      %get3A_578 = arith.index_cast %add3A_577 : i32 to index
      %get3A_579 = arith.constant 32 : index
      %get3A_580 = tpu.vector_load %arg7[%get3A_578, %get3A_579] {strides = array<i32>} : memref<320x128xf32, #tpu.memory_space<vmem>>, vector<1x16xf32>,
      %get3A_581 = vector.shape_cast %get3A_580 : vector<1x16xf32> to vector<16xf32>
      %mul3A_582 = arith.constant 3.000000e-01 : f32
      %mul3A_583 = vector.broadcast %mul3A_582 : f32 to vector<16xf32>
      %mul3A_584 = arith.mulf %get3A_581, %mul3A_583 : vector<16xf32>
      %add3A_585 = arith.addf %mul3A_575, %mul3A_584 : vector<16xf32>
      %add3A_586 = arith.constant 1 : i32
      %add3A_587 = arith.addi %add3A_308, %add3A_586 : i32
      %swap3A_588 = arith.index_cast %add3A_587 : i32 to index
      %swap3A_589 = arith.constant 32 : index
      %swap3A_590 = tpu.vector_load %arg6[%swap3A_588, %swap3A_589] {strides = array<i32>} : memref<320x128xf32, #tpu.memory_space<vmem>>, vector<1x16xf32>,
      %swap3A_591 = vector.shape_cast %swap3A_590 : vector<1x16xf32> to vector<16xf32>
      %swap3A_592 = vector.shape_cast %add3A_585 : vector<16xf32> to vector<1x16xf32>
      tpu.vector_store %arg6[%swap3A_588, %swap3A_589], %swap3A_592 {strides = array<i32>} : memref<320x128xf32, #tpu.memory_space<vmem>>, vector<1x16xf32>,
      %add3A_593 = arith.constant 1 : i32
      %add3A_594 = arith.addi %add3A_308, %add3A_593 : i32
      %get3A_595 = arith.index_cast %add3A_594 : i32 to index
      %get3A_596 = arith.constant 48 : index
      %get3A_597 = tpu.vector_load %arg6[%get3A_595, %get3A_596] {strides = array<i32>} : memref<320x128xf32, #tpu.memory_space<vmem>>, vector<1x16xf32>,
      %get3A_598 = vector.shape_cast %get3A_597 : vector<1x16xf32> to vector<16xf32>
      %mul3A_599 = arith.constant 0.699999988 : f32
      %mul3A_600 = vector.broadcast %mul3A_599 : f32 to vector<16xf32>
      %mul3A_601 = arith.mulf %get3A_598, %mul3A_600 : vector<16xf32>
      %add3A_602 = arith.constant 1 : i32
      %add3A_603 = arith.addi %add3A_308, %add3A_602 : i32
      %get3A_604 = arith.index_cast %add3A_603 : i32 to index
      %get3A_605 = arith.constant 48 : index
      %get3A_606 = tpu.vector_load %arg7[%get3A_604, %get3A_605] {strides = array<i32>} : memref<320x128xf32, #tpu.memory_space<vmem>>, vector<1x16xf32>,
      %get3A_607 = vector.shape_cast %get3A_606 : vector<1x16xf32> to vector<16xf32>
      %mul3A_608 = arith.constant 3.000000e-01 : f32
      %mul3A_609 = vector.broadcast %mul3A_608 : f32 to vector<16xf32>
      %mul3A_610 = arith.mulf %get3A_607, %mul3A_609 : vector<16xf32>
      %add3A_611 = arith.addf %mul3A_601, %mul3A_610 : vector<16xf32>
      %add3A_612 = arith.constant 1 : i32
      %add3A_613 = arith.addi %add3A_308, %add3A_612 : i32
      %swap3A_614 = arith.index_cast %add3A_613 : i32 to index
      %swap3A_615 = arith.constant 48 : index
      %swap3A_616 = tpu.vector_load %arg6[%swap3A_614, %swap3A_615] {strides = array<i32>} : memref<320x128xf32, #tpu.memory_space<vmem>>, vector<1x16xf32>,
      %swap3A_617 = vector.shape_cast %swap3A_616 : vector<1x16xf32> to vector<16xf32>
      %swap3A_618 = vector.shape_cast %add3A_611 : vector<16xf32> to vector<1x16xf32>
      tpu.vector_store %arg6[%swap3A_614, %swap3A_615], %swap3A_618 {strides = array<i32>} : memref<320x128xf32, #tpu.memory_space<vmem>>, vector<1x16xf32>,
      %add3A_619 = arith.constant 1 : i32
      %add3A_620 = arith.addi %add3A_308, %add3A_619 : i32
      %get3A_621 = arith.index_cast %add3A_620 : i32 to index
      %get3A_622 = arith.constant 64 : index
      %get3A_623 = tpu.vector_load %arg6[%get3A_621, %get3A_622] {strides = array<i32>} : memref<320x128xf32, #tpu.memory_space<vmem>>, vector<1x16xf32>,
      %get3A_624 = vector.shape_cast %get3A_623 : vector<1x16xf32> to vector<16xf32>
      %mul3A_625 = arith.constant 0.699999988 : f32
      %mul3A_626 = vector.broadcast %mul3A_625 : f32 to vector<16xf32>
      %mul3A_627 = arith.mulf %get3A_624, %mul3A_626 : vector<16xf32>
      %add3A_628 = arith.constant 1 : i32
      %add3A_629 = arith.addi %add3A_308, %add3A_628 : i32
      %get3A_630 = arith.index_cast %add3A_629 : i32 to index
      %get3A_631 = arith.constant 64 : index
      %get3A_632 = tpu.vector_load %arg7[%get3A_630, %get3A_631] {strides = array<i32>} : memref<320x128xf32, #tpu.memory_space<vmem>>, vector<1x16xf32>,
      %get3A_633 = vector.shape_cast %get3A_632 : vector<1x16xf32> to vector<16xf32>
      %mul3A_634 = arith.constant 3.000000e-01 : f32
      %mul3A_635 = vector.broadcast %mul3A_634 : f32 to vector<16xf32>
      %mul3A_636 = arith.mulf %get3A_633, %mul3A_635 : vector<16xf32>
      %add3A_637 = arith.addf %mul3A_627, %mul3A_636 : vector<16xf32>
      %add3A_638 = arith.constant 1 : i32
      %add3A_639 = arith.addi %add3A_308, %add3A_638 : i32
      %swap3A_640 = arith.index_cast %add3A_639 : i32 to index
      %swap3A_641 = arith.constant 64 : index
      %swap3A_642 = tpu.vector_load %arg6[%swap3A_640, %swap3A_641] {strides = array<i32>} : memref<320x128xf32, #tpu.memory_space<vmem>>, vector<1x16xf32>,
      %swap3A_643 = vector.shape_cast %swap3A_642 : vector<1x16xf32> to vector<16xf32>
      %swap3A_644 = vector.shape_cast %add3A_637 : vector<16xf32> to vector<1x16xf32>
      tpu.vector_store %arg6[%swap3A_640, %swap3A_641], %swap3A_644 {strides = array<i32>} : memref<320x128xf32, #tpu.memory_space<vmem>>, vector<1x16xf32>,
      %add3A_645 = arith.constant 1 : i32
      %add3A_646 = arith.addi %add3A_308, %add3A_645 : i32
      %get3A_647 = arith.index_cast %add3A_646 : i32 to index
      %get3A_648 = arith.constant 80 : index
      %get3A_649 = tpu.vector_load %arg6[%get3A_647, %get3A_648] {strides = array<i32>} : memref<320x128xf32, #tpu.memory_space<vmem>>, vector<1x16xf32>,
      %get3A_650 = vector.shape_cast %get3A_649 : vector<1x16xf32> to vector<16xf32>
      %mul3A_651 = arith.constant 0.699999988 : f32
      %mul3A_652 = vector.broadcast %mul3A_651 : f32 to vector<16xf32>
      %mul3A_653 = arith.mulf %get3A_650, %mul3A_652 : vector<16xf32>
      %add3A_654 = arith.constant 1 : i32
      %add3A_655 = arith.addi %add3A_308, %add3A_654 : i32
      %get3A_656 = arith.index_cast %add3A_655 : i32 to index
      %get3A_657 = arith.constant 80 : index
      %get3A_658 = tpu.vector_load %arg7[%get3A_656, %get3A_657] {strides = array<i32>} : memref<320x128xf32, #tpu.memory_space<vmem>>, vector<1x16xf32>,
      %get3A_659 = vector.shape_cast %get3A_658 : vector<1x16xf32> to vector<16xf32>
      %mul3A_660 = arith.constant 3.000000e-01 : f32
      %mul3A_661 = vector.broadcast %mul3A_660 : f32 to vector<16xf32>
      %mul3A_662 = arith.mulf %get3A_659, %mul3A_661 : vector<16xf32>
      %add3A_663 = arith.addf %mul3A_653, %mul3A_662 : vector<16xf32>
      %add3A_664 = arith.constant 1 : i32
      %add3A_665 = arith.addi %add3A_308, %add3A_664 : i32
      %swap3A_666 = arith.index_cast %add3A_665 : i32 to index
      %swap3A_667 = arith.constant 80 : index
      %swap3A_668 = tpu.vector_load %arg6[%swap3A_666, %swap3A_667] {strides = array<i32>} : memref<320x128xf32, #tpu.memory_space<vmem>>, vector<1x16xf32>,
      %swap3A_669 = vector.shape_cast %swap3A_668 : vector<1x16xf32> to vector<16xf32>
      %swap3A_670 = vector.shape_cast %add3A_663 : vector<16xf32> to vector<1x16xf32>
      tpu.vector_store %arg6[%swap3A_666, %swap3A_667], %swap3A_670 {strides = array<i32>} : memref<320x128xf32, #tpu.memory_space<vmem>>, vector<1x16xf32>,
      %add3A_671 = arith.constant 1 : i32
      %add3A_672 = arith.addi %add3A_308, %add3A_671 : i32
      %get3A_673 = arith.index_cast %add3A_672 : i32 to index
      %get3A_674 = arith.constant 96 : index
      %get3A_675 = tpu.vector_load %arg6[%get3A_673, %get3A_674] {strides = array<i32>} : memref<320x128xf32, #tpu.memory_space<vmem>>, vector<1x16xf32>,
      %get3A_676 = vector.shape_cast %get3A_675 : vector<1x16xf32> to vector<16xf32>
      %mul3A_677 = arith.constant 0.699999988 : f32
      %mul3A_678 = vector.broadcast %mul3A_677 : f32 to vector<16xf32>
      %mul3A_679 = arith.mulf %get3A_676, %mul3A_678 : vector<16xf32>
      %add3A_680 = arith.constant 1 : i32
      %add3A_681 = arith.addi %add3A_308, %add3A_680 : i32
      %get3A_682 = arith.index_cast %add3A_681 : i32 to index
      %get3A_683 = arith.constant 96 : index
      %get3A_684 = tpu.vector_load %arg7[%get3A_682, %get3A_683] {strides = array<i32>} : memref<320x128xf32, #tpu.memory_space<vmem>>, vector<1x16xf32>,
      %get3A_685 = vector.shape_cast %get3A_684 : vector<1x16xf32> to vector<16xf32>
      %mul3A_686 = arith.constant 3.000000e-01 : f32
      %mul3A_687 = vector.broadcast %mul3A_686 : f32 to vector<16xf32>
      %mul3A_688 = arith.mulf %get3A_685, %mul3A_687 : vector<16xf32>
      %add3A_689 = arith.addf %mul3A_679, %mul3A_688 : vector<16xf32>
      %add3A_690 = arith.constant 1 : i32
      %add3A_691 = arith.addi %add3A_308, %add3A_690 : i32
      %swap3A_692 = arith.index_cast %add3A_691 : i32 to index
      %swap3A_693 = arith.constant 96 : index
      %swap3A_694 = tpu.vector_load %arg6[%swap3A_692, %swap3A_693] {strides = array<i32>} : memref<320x128xf32, #tpu.memory_space<vmem>>, vector<1x16xf32>,
      %swap3A_695 = vector.shape_cast %swap3A_694 : vector<1x16xf32> to vector<16xf32>
      %swap3A_696 = vector.shape_cast %add3A_689 : vector<16xf32> to vector<1x16xf32>
      tpu.vector_store %arg6[%swap3A_692, %swap3A_693], %swap3A_696 {strides = array<i32>} : memref<320x128xf32, #tpu.memory_space<vmem>>, vector<1x16xf32>,
      %add3A_697 = arith.constant 1 : i32
      %add3A_698 = arith.addi %add3A_308, %add3A_697 : i32
      %get3A_699 = arith.index_cast %add3A_698 : i32 to index
      %get3A_700 = arith.constant 112 : index
      %get3A_701 = tpu.vector_load %arg6[%get3A_699, %get3A_700] {strides = array<i32>} : memref<320x128xf32, #tpu.memory_space<vmem>>, vector<1x16xf32>,
      %get3A_702 = vector.shape_cast %get3A_701 : vector<1x16xf32> to vector<16xf32>
      %mul3A_703 = arith.constant 0.699999988 : f32
      %mul3A_704 = vector.broadcast %mul3A_703 : f32 to vector<16xf32>
      %mul3A_705 = arith.mulf %get3A_702, %mul3A_704 : vector<16xf32>
      %add3A_706 = arith.constant 1 : i32
      %add3A_707 = arith.addi %add3A_308, %add3A_706 : i32
      %get3A_708 = arith.index_cast %add3A_707 : i32 to index
      %get3A_709 = arith.constant 112 : index
      %get3A_710 = tpu.vector_load %arg7[%get3A_708, %get3A_709] {strides = array<i32>} : memref<320x128xf32, #tpu.memory_space<vmem>>, vector<1x16xf32>,
      %get3A_711 = vector.shape_cast %get3A_710 : vector<1x16xf32> to vector<16xf32>
      %mul3A_712 = arith.constant 3.000000e-01 : f32
      %mul3A_713 = vector.broadcast %mul3A_712 : f32 to vector<16xf32>
      %mul3A_714 = arith.mulf %get3A_711, %mul3A_713 : vector<16xf32>
      %add3A_715 = arith.addf %mul3A_705, %mul3A_714 : vector<16xf32>
      %add3A_716 = arith.constant 1 : i32
      %add3A_717 = arith.addi %add3A_308, %add3A_716 : i32
      %swap3A_718 = arith.index_cast %add3A_717 : i32 to index
      %swap3A_719 = arith.constant 112 : index
      %swap3A_720 = tpu.vector_load %arg6[%swap3A_718, %swap3A_719] {strides = array<i32>} : memref<320x128xf32, #tpu.memory_space<vmem>>, vector<1x16xf32>,
      %swap3A_721 = vector.shape_cast %swap3A_720 : vector<1x16xf32> to vector<16xf32>
      %swap3A_722 = vector.shape_cast %add3A_715 : vector<16xf32> to vector<1x16xf32>
      tpu.vector_store %arg6[%swap3A_718, %swap3A_719], %swap3A_722 {strides = array<i32>} : memref<320x128xf32, #tpu.memory_space<vmem>>, vector<1x16xf32>,
    }
    %scan3A_179 = arith.constant 40 : i32
    %add3A_180 = arith.constant 80 : i32
    %add3A_181 = arith.addi %mul3A_44, %add3A_180 : i32
    %dma_start3A_182 = arith.constant 80 : i32
    %dma_start3A_183 = arith.constant 0 : i32
    %dma_start3A_184 = tpu.memref_slice %arg6[%dma_start3A_182, %dma_start3A_183] : memref<320x128xf32, #tpu.memory_space<vmem>> -> memref<80x128xf32, #tpu.memory_space<vmem>>
    %dma_start3A_185 = arith.constant 0 : i32
    %dma_start3A_186 = tpu.memref_slice %arg4[%add3A_181, %dma_start3A_185] : memref<10000x128xf32, #tpu.memory_space<hbm>> -> memref<80x128xf32, #tpu.memory_space<hbm>>
    %dma_start3A_187 = arith.constant 0 : i32
    %dma_start3A_188 = tpu.memref_slice %arg4[%add3A_181, %dma_start3A_187] : memref<10000x128xf32, #tpu.memory_space<hbm>> -> memref<80x128xf32, #tpu.memory_space<hbm>>
    %dma_start3A_189 = arith.constant 80 : i32
    %dma_start3A_190 = arith.constant 0 : i32
    %dma_start3A_191 = tpu.memref_slice %arg6[%dma_start3A_189, %dma_start3A_190] : memref<320x128xf32, #tpu.memory_space<vmem>> -> memref<80x128xf32, #tpu.memory_space<vmem>>
    tpu.enqueue_dma source(%dma_start3A_191 : memref<80x128xf32, #tpu.memory_space<vmem>>) target(%dma_start3A_188 : memref<80x128xf32, #tpu.memory_space<hbm>>) target_semaphore(%arg12 : memref<!tpu.dma_semaphore, #tpu.memory_space<semaphore_mem>>)
    %dma_wait3A_192 = arith.constant 160 : i32
    %dma_wait3A_193 = arith.constant 0 : i32
    %dma_wait3A_194 = tpu.memref_slice %arg6[%dma_wait3A_192, %dma_wait3A_193] : memref<320x128xf32, #tpu.memory_space<vmem>> -> memref<80x128xf32, #tpu.memory_space<vmem>>
    %dma_wait3A_195 = arith.constant 0 : i32
    %dma_wait3A_196 = tpu.memref_slice %arg2[%add3A_83, %dma_wait3A_195] : memref<10000x128xf32, #tpu.memory_space<hbm>> -> memref<80x128xf32, #tpu.memory_space<hbm>>
    %dma_wait3A_197 = arith.constant 160 : i32
    %dma_wait3A_198 = arith.constant 0 : i32
    %dma_wait3A_199 = tpu.memref_slice %arg6[%dma_wait3A_197, %dma_wait3A_198] : memref<320x128xf32, #tpu.memory_space<vmem>> -> memref<80x128xf32, #tpu.memory_space<vmem>>
    %dma_wait3A_200 = arith.constant 0 : i32
    %dma_wait3A_201 = tpu.memref_slice %arg2[%add3A_83, %dma_wait3A_200] : memref<10000x128xf32, #tpu.memory_space<hbm>> -> memref<80x128xf32, #tpu.memory_space<hbm>>
    tpu.wait_dma2 semaphore(%arg10 : memref<!tpu.dma_semaphore, #tpu.memory_space<semaphore_mem>>) src(%dma_wait3A_201 : memref<80x128xf32, #tpu.memory_space<hbm>>) dst(%dma_wait3A_199 : memref<80x128xf32, #tpu.memory_space<vmem>>)
    %dma_wait3A_202 = arith.constant 160 : i32
    %dma_wait3A_203 = arith.constant 0 : i32
    %dma_wait3A_204 = tpu.memref_slice %arg7[%dma_wait3A_202, %dma_wait3A_203] : memref<320x128xf32, #tpu.memory_space<vmem>> -> memref<80x128xf32, #tpu.memory_space<vmem>>
    %dma_wait3A_205 = arith.constant 160 : i32
    %dma_wait3A_206 = tpu.memref_slice %arg5[%dma_wait3A_205] : memref<320xi32, #tpu.memory_space<vmem>> -> memref<80xi32, #tpu.memory_space<vmem>>
    %dma_wait3A_207 = arith.constant 0 : i32
    %dma_wait3A_208 = arith.constant 0 : i32
    %dma_wait3A_209 = tpu.memref_slice %arg2[%dma_wait3A_207, %dma_wait3A_208] : memref<10000x128xf32, #tpu.memory_space<hbm>> -> memref<10000x128xf32, #tpu.memory_space<hbm>>
    tpu.wait_indirect_dma semaphore(%arg10 : memref<!tpu.dma_semaphore, #tpu.memory_space<semaphore_mem>>) src(%dma_wait3A_209 : memref<10000x128xf32, #tpu.memory_space<hbm>>) dst(%dma_wait3A_204 : memref<80x128xf32, #tpu.memory_space<vmem>>)
    %scan3A_210 = arith.constant 0 : i32
    %scan3A_211 = arith.constant 0 : i32
    %scan3A_212 = arith.constant 40 : i32
    %scan3A_213 = arith.addi %scan3A_211, %scan3A_212 : i32
    %scan3A_214 = arith.constant 1 : i32
    scf.for %scan3A_304 = %scan3A_211 to %scan3A_213 step %scan3A_214  : i32 {
      %mul3A_305 = arith.constant 2 : i32
      %mul3A_306 = arith.muli %scan3A_304, %mul3A_305 : i32
      %add3A_307 = arith.constant 160 : i32
      %add3A_308 = arith.addi %add3A_307, %mul3A_306 : i32
      %add3A_309 = arith.constant 0 : i32
      %add3A_310 = arith.addi %add3A_308, %add3A_309 : i32
      %get3A = arith.index_cast %add3A_310 : i32 to index
      %get3A_311 = arith.constant 0 : index
      %get3A_312 = tpu.vector_load %arg6[%get3A, %get3A_311] {strides = array<i32>} : memref<320x128xf32, #tpu.memory_space<vmem>>, vector<1x16xf32>,
      %get3A_313 = vector.shape_cast %get3A_312 : vector<1x16xf32> to vector<16xf32>
      %mul3A_314 = arith.constant 0.699999988 : f32
      %mul3A_315 = vector.broadcast %mul3A_314 : f32 to vector<16xf32>
      %mul3A_316 = arith.mulf %get3A_313, %mul3A_315 : vector<16xf32>
      %add3A_317 = arith.constant 0 : i32
      %add3A_318 = arith.addi %add3A_308, %add3A_317 : i32
      %get3A_319 = arith.index_cast %add3A_318 : i32 to index
      %get3A_320 = arith.constant 0 : index
      %get3A_321 = tpu.vector_load %arg7[%get3A_319, %get3A_320] {strides = array<i32>} : memref<320x128xf32, #tpu.memory_space<vmem>>, vector<1x16xf32>,
      %get3A_322 = vector.shape_cast %get3A_321 : vector<1x16xf32> to vector<16xf32>
      %mul3A_323 = arith.constant 3.000000e-01 : f32
      %mul3A_324 = vector.broadcast %mul3A_323 : f32 to vector<16xf32>
      %mul3A_325 = arith.mulf %get3A_322, %mul3A_324 : vector<16xf32>
      %add3A_326 = arith.addf %mul3A_316, %mul3A_325 : vector<16xf32>
      %add3A_327 = arith.constant 0 : i32
      %add3A_328 = arith.addi %add3A_308, %add3A_327 : i32
      %swap3A = arith.index_cast %add3A_328 : i32 to index
      %swap3A_329 = arith.constant 0 : index
      %swap3A_330 = tpu.vector_load %arg6[%swap3A, %swap3A_329] {strides = array<i32>} : memref<320x128xf32, #tpu.memory_space<vmem>>, vector<1x16xf32>,
      %swap3A_331 = vector.shape_cast %swap3A_330 : vector<1x16xf32> to vector<16xf32>
      %swap3A_332 = vector.shape_cast %add3A_326 : vector<16xf32> to vector<1x16xf32>
      tpu.vector_store %arg6[%swap3A, %swap3A_329], %swap3A_332 {strides = array<i32>} : memref<320x128xf32, #tpu.memory_space<vmem>>, vector<1x16xf32>,
      %add3A_333 = arith.constant 0 : i32
      %add3A_334 = arith.addi %add3A_308, %add3A_333 : i32
      %get3A_335 = arith.index_cast %add3A_334 : i32 to index
      %get3A_336 = arith.constant 16 : index
      %get3A_337 = tpu.vector_load %arg6[%get3A_335, %get3A_336] {strides = array<i32>} : memref<320x128xf32, #tpu.memory_space<vmem>>, vector<1x16xf32>,
      %get3A_338 = vector.shape_cast %get3A_337 : vector<1x16xf32> to vector<16xf32>
      %mul3A_339 = arith.constant 0.699999988 : f32
      %mul3A_340 = vector.broadcast %mul3A_339 : f32 to vector<16xf32>
      %mul3A_341 = arith.mulf %get3A_338, %mul3A_340 : vector<16xf32>
      %add3A_342 = arith.constant 0 : i32
      %add3A_343 = arith.addi %add3A_308, %add3A_342 : i32
      %get3A_344 = arith.index_cast %add3A_343 : i32 to index
      %get3A_345 = arith.constant 16 : index
      %get3A_346 = tpu.vector_load %arg7[%get3A_344, %get3A_345] {strides = array<i32>} : memref<320x128xf32, #tpu.memory_space<vmem>>, vector<1x16xf32>,
      %get3A_347 = vector.shape_cast %get3A_346 : vector<1x16xf32> to vector<16xf32>
      %mul3A_348 = arith.constant 3.000000e-01 : f32
      %mul3A_349 = vector.broadcast %mul3A_348 : f32 to vector<16xf32>
      %mul3A_350 = arith.mulf %get3A_347, %mul3A_349 : vector<16xf32>
      %add3A_351 = arith.addf %mul3A_341, %mul3A_350 : vector<16xf32>
      %add3A_352 = arith.constant 0 : i32
      %add3A_353 = arith.addi %add3A_308, %add3A_352 : i32
      %swap3A_354 = arith.index_cast %add3A_353 : i32 to index
      %swap3A_355 = arith.constant 16 : index
      %swap3A_356 = tpu.vector_load %arg6[%swap3A_354, %swap3A_355] {strides = array<i32>} : memref<320x128xf32, #tpu.memory_space<vmem>>, vector<1x16xf32>,
      %swap3A_357 = vector.shape_cast %swap3A_356 : vector<1x16xf32> to vector<16xf32>
      %swap3A_358 = vector.shape_cast %add3A_351 : vector<16xf32> to vector<1x16xf32>
      tpu.vector_store %arg6[%swap3A_354, %swap3A_355], %swap3A_358 {strides = array<i32>} : memref<320x128xf32, #tpu.memory_space<vmem>>, vector<1x16xf32>,
      %add3A_359 = arith.constant 0 : i32
      %add3A_360 = arith.addi %add3A_308, %add3A_359 : i32
      %get3A_361 = arith.index_cast %add3A_360 : i32 to index
      %get3A_362 = arith.constant 32 : index
      %get3A_363 = tpu.vector_load %arg6[%get3A_361, %get3A_362] {strides = array<i32>} : memref<320x128xf32, #tpu.memory_space<vmem>>, vector<1x16xf32>,
      %get3A_364 = vector.shape_cast %get3A_363 : vector<1x16xf32> to vector<16xf32>
      %mul3A_365 = arith.constant 0.699999988 : f32
      %mul3A_366 = vector.broadcast %mul3A_365 : f32 to vector<16xf32>
      %mul3A_367 = arith.mulf %get3A_364, %mul3A_366 : vector<16xf32>
      %add3A_368 = arith.constant 0 : i32
      %add3A_369 = arith.addi %add3A_308, %add3A_368 : i32
      %get3A_370 = arith.index_cast %add3A_369 : i32 to index
      %get3A_371 = arith.constant 32 : index
      %get3A_372 = tpu.vector_load %arg7[%get3A_370, %get3A_371] {strides = array<i32>} : memref<320x128xf32, #tpu.memory_space<vmem>>, vector<1x16xf32>,
      %get3A_373 = vector.shape_cast %get3A_372 : vector<1x16xf32> to vector<16xf32>
      %mul3A_374 = arith.constant 3.000000e-01 : f32
      %mul3A_375 = vector.broadcast %mul3A_374 : f32 to vector<16xf32>
      %mul3A_376 = arith.mulf %get3A_373, %mul3A_375 : vector<16xf32>
      %add3A_377 = arith.addf %mul3A_367, %mul3A_376 : vector<16xf32>
      %add3A_378 = arith.constant 0 : i32
      %add3A_379 = arith.addi %add3A_308, %add3A_378 : i32
      %swap3A_380 = arith.index_cast %add3A_379 : i32 to index
      %swap3A_381 = arith.constant 32 : index
      %swap3A_382 = tpu.vector_load %arg6[%swap3A_380, %swap3A_381] {strides = array<i32>} : memref<320x128xf32, #tpu.memory_space<vmem>>, vector<1x16xf32>,
      %swap3A_383 = vector.shape_cast %swap3A_382 : vector<1x16xf32> to vector<16xf32>
      %swap3A_384 = vector.shape_cast %add3A_377 : vector<16xf32> to vector<1x16xf32>
      tpu.vector_store %arg6[%swap3A_380, %swap3A_381], %swap3A_384 {strides = array<i32>} : memref<320x128xf32, #tpu.memory_space<vmem>>, vector<1x16xf32>,
      %add3A_385 = arith.constant 0 : i32
      %add3A_386 = arith.addi %add3A_308, %add3A_385 : i32
      %get3A_387 = arith.index_cast %add3A_386 : i32 to index
      %get3A_388 = arith.constant 48 : index
      %get3A_389 = tpu.vector_load %arg6[%get3A_387, %get3A_388] {strides = array<i32>} : memref<320x128xf32, #tpu.memory_space<vmem>>, vector<1x16xf32>,
      %get3A_390 = vector.shape_cast %get3A_389 : vector<1x16xf32> to vector<16xf32>
      %mul3A_391 = arith.constant 0.699999988 : f32
      %mul3A_392 = vector.broadcast %mul3A_391 : f32 to vector<16xf32>
      %mul3A_393 = arith.mulf %get3A_390, %mul3A_392 : vector<16xf32>
      %add3A_394 = arith.constant 0 : i32
      %add3A_395 = arith.addi %add3A_308, %add3A_394 : i32
      %get3A_396 = arith.index_cast %add3A_395 : i32 to index
      %get3A_397 = arith.constant 48 : index
      %get3A_398 = tpu.vector_load %arg7[%get3A_396, %get3A_397] {strides = array<i32>} : memref<320x128xf32, #tpu.memory_space<vmem>>, vector<1x16xf32>,
      %get3A_399 = vector.shape_cast %get3A_398 : vector<1x16xf32> to vector<16xf32>
      %mul3A_400 = arith.constant 3.000000e-01 : f32
      %mul3A_401 = vector.broadcast %mul3A_400 : f32 to vector<16xf32>
      %mul3A_402 = arith.mulf %get3A_399, %mul3A_401 : vector<16xf32>
      %add3A_403 = arith.addf %mul3A_393, %mul3A_402 : vector<16xf32>
      %add3A_404 = arith.constant 0 : i32
      %add3A_405 = arith.addi %add3A_308, %add3A_404 : i32
      %swap3A_406 = arith.index_cast %add3A_405 : i32 to index
      %swap3A_407 = arith.constant 48 : index
      %swap3A_408 = tpu.vector_load %arg6[%swap3A_406, %swap3A_407] {strides = array<i32>} : memref<320x128xf32, #tpu.memory_space<vmem>>, vector<1x16xf32>,
      %swap3A_409 = vector.shape_cast %swap3A_408 : vector<1x16xf32> to vector<16xf32>
      %swap3A_410 = vector.shape_cast %add3A_403 : vector<16xf32> to vector<1x16xf32>
      tpu.vector_store %arg6[%swap3A_406, %swap3A_407], %swap3A_410 {strides = array<i32>} : memref<320x128xf32, #tpu.memory_space<vmem>>, vector<1x16xf32>,
      %add3A_411 = arith.constant 0 : i32
      %add3A_412 = arith.addi %add3A_308, %add3A_411 : i32
      %get3A_413 = arith.index_cast %add3A_412 : i32 to index
      %get3A_414 = arith.constant 64 : index
      %get3A_415 = tpu.vector_load %arg6[%get3A_413, %get3A_414] {strides = array<i32>} : memref<320x128xf32, #tpu.memory_space<vmem>>, vector<1x16xf32>,
      %get3A_416 = vector.shape_cast %get3A_415 : vector<1x16xf32> to vector<16xf32>
      %mul3A_417 = arith.constant 0.699999988 : f32
      %mul3A_418 = vector.broadcast %mul3A_417 : f32 to vector<16xf32>
      %mul3A_419 = arith.mulf %get3A_416, %mul3A_418 : vector<16xf32>
      %add3A_420 = arith.constant 0 : i32
      %add3A_421 = arith.addi %add3A_308, %add3A_420 : i32
      %get3A_422 = arith.index_cast %add3A_421 : i32 to index
      %get3A_423 = arith.constant 64 : index
      %get3A_424 = tpu.vector_load %arg7[%get3A_422, %get3A_423] {strides = array<i32>} : memref<320x128xf32, #tpu.memory_space<vmem>>, vector<1x16xf32>,
      %get3A_425 = vector.shape_cast %get3A_424 : vector<1x16xf32> to vector<16xf32>
      %mul3A_426 = arith.constant 3.000000e-01 : f32
      %mul3A_427 = vector.broadcast %mul3A_426 : f32 to vector<16xf32>
      %mul3A_428 = arith.mulf %get3A_425, %mul3A_427 : vector<16xf32>
      %add3A_429 = arith.addf %mul3A_419, %mul3A_428 : vector<16xf32>
      %add3A_430 = arith.constant 0 : i32
      %add3A_431 = arith.addi %add3A_308, %add3A_430 : i32
      %swap3A_432 = arith.index_cast %add3A_431 : i32 to index
      %swap3A_433 = arith.constant 64 : index
      %swap3A_434 = tpu.vector_load %arg6[%swap3A_432, %swap3A_433] {strides = array<i32>} : memref<320x128xf32, #tpu.memory_space<vmem>>, vector<1x16xf32>,
      %swap3A_435 = vector.shape_cast %swap3A_434 : vector<1x16xf32> to vector<16xf32>
      %swap3A_436 = vector.shape_cast %add3A_429 : vector<16xf32> to vector<1x16xf32>
      tpu.vector_store %arg6[%swap3A_432, %swap3A_433], %swap3A_436 {strides = array<i32>} : memref<320x128xf32, #tpu.memory_space<vmem>>, vector<1x16xf32>,
      %add3A_437 = arith.constant 0 : i32
      %add3A_438 = arith.addi %add3A_308, %add3A_437 : i32
      %get3A_439 = arith.index_cast %add3A_438 : i32 to index
      %get3A_440 = arith.constant 80 : index
      %get3A_441 = tpu.vector_load %arg6[%get3A_439, %get3A_440] {strides = array<i32>} : memref<320x128xf32, #tpu.memory_space<vmem>>, vector<1x16xf32>,
      %get3A_442 = vector.shape_cast %get3A_441 : vector<1x16xf32> to vector<16xf32>
      %mul3A_443 = arith.constant 0.699999988 : f32
      %mul3A_444 = vector.broadcast %mul3A_443 : f32 to vector<16xf32>
      %mul3A_445 = arith.mulf %get3A_442, %mul3A_444 : vector<16xf32>
      %add3A_446 = arith.constant 0 : i32
      %add3A_447 = arith.addi %add3A_308, %add3A_446 : i32
      %get3A_448 = arith.index_cast %add3A_447 : i32 to index
      %get3A_449 = arith.constant 80 : index
      %get3A_450 = tpu.vector_load %arg7[%get3A_448, %get3A_449] {strides = array<i32>} : memref<320x128xf32, #tpu.memory_space<vmem>>, vector<1x16xf32>,
      %get3A_451 = vector.shape_cast %get3A_450 : vector<1x16xf32> to vector<16xf32>
      %mul3A_452 = arith.constant 3.000000e-01 : f32
      %mul3A_453 = vector.broadcast %mul3A_452 : f32 to vector<16xf32>
      %mul3A_454 = arith.mulf %get3A_451, %mul3A_453 : vector<16xf32>
      %add3A_455 = arith.addf %mul3A_445, %mul3A_454 : vector<16xf32>
      %add3A_456 = arith.constant 0 : i32
      %add3A_457 = arith.addi %add3A_308, %add3A_456 : i32
      %swap3A_458 = arith.index_cast %add3A_457 : i32 to index
      %swap3A_459 = arith.constant 80 : index
      %swap3A_460 = tpu.vector_load %arg6[%swap3A_458, %swap3A_459] {strides = array<i32>} : memref<320x128xf32, #tpu.memory_space<vmem>>, vector<1x16xf32>,
      %swap3A_461 = vector.shape_cast %swap3A_460 : vector<1x16xf32> to vector<16xf32>
      %swap3A_462 = vector.shape_cast %add3A_455 : vector<16xf32> to vector<1x16xf32>
      tpu.vector_store %arg6[%swap3A_458, %swap3A_459], %swap3A_462 {strides = array<i32>} : memref<320x128xf32, #tpu.memory_space<vmem>>, vector<1x16xf32>,
      %add3A_463 = arith.constant 0 : i32
      %add3A_464 = arith.addi %add3A_308, %add3A_463 : i32
      %get3A_465 = arith.index_cast %add3A_464 : i32 to index
      %get3A_466 = arith.constant 96 : index
      %get3A_467 = tpu.vector_load %arg6[%get3A_465, %get3A_466] {strides = array<i32>} : memref<320x128xf32, #tpu.memory_space<vmem>>, vector<1x16xf32>,
      %get3A_468 = vector.shape_cast %get3A_467 : vector<1x16xf32> to vector<16xf32>
      %mul3A_469 = arith.constant 0.699999988 : f32
      %mul3A_470 = vector.broadcast %mul3A_469 : f32 to vector<16xf32>
      %mul3A_471 = arith.mulf %get3A_468, %mul3A_470 : vector<16xf32>
      %add3A_472 = arith.constant 0 : i32
      %add3A_473 = arith.addi %add3A_308, %add3A_472 : i32
      %get3A_474 = arith.index_cast %add3A_473 : i32 to index
      %get3A_475 = arith.constant 96 : index
      %get3A_476 = tpu.vector_load %arg7[%get3A_474, %get3A_475] {strides = array<i32>} : memref<320x128xf32, #tpu.memory_space<vmem>>, vector<1x16xf32>,
      %get3A_477 = vector.shape_cast %get3A_476 : vector<1x16xf32> to vector<16xf32>
      %mul3A_478 = arith.constant 3.000000e-01 : f32
      %mul3A_479 = vector.broadcast %mul3A_478 : f32 to vector<16xf32>
      %mul3A_480 = arith.mulf %get3A_477, %mul3A_479 : vector<16xf32>
      %add3A_481 = arith.addf %mul3A_471, %mul3A_480 : vector<16xf32>
      %add3A_482 = arith.constant 0 : i32
      %add3A_483 = arith.addi %add3A_308, %add3A_482 : i32
      %swap3A_484 = arith.index_cast %add3A_483 : i32 to index
      %swap3A_485 = arith.constant 96 : index
      %swap3A_486 = tpu.vector_load %arg6[%swap3A_484, %swap3A_485] {strides = array<i32>} : memref<320x128xf32, #tpu.memory_space<vmem>>, vector<1x16xf32>,
      %swap3A_487 = vector.shape_cast %swap3A_486 : vector<1x16xf32> to vector<16xf32>
      %swap3A_488 = vector.shape_cast %add3A_481 : vector<16xf32> to vector<1x16xf32>
      tpu.vector_store %arg6[%swap3A_484, %swap3A_485], %swap3A_488 {strides = array<i32>} : memref<320x128xf32, #tpu.memory_space<vmem>>, vector<1x16xf32>,
      %add3A_489 = arith.constant 0 : i32
      %add3A_490 = arith.addi %add3A_308, %add3A_489 : i32
      %get3A_491 = arith.index_cast %add3A_490 : i32 to index
      %get3A_492 = arith.constant 112 : index
      %get3A_493 = tpu.vector_load %arg6[%get3A_491, %get3A_492] {strides = array<i32>} : memref<320x128xf32, #tpu.memory_space<vmem>>, vector<1x16xf32>,
      %get3A_494 = vector.shape_cast %get3A_493 : vector<1x16xf32> to vector<16xf32>
      %mul3A_495 = arith.constant 0.699999988 : f32
      %mul3A_496 = vector.broadcast %mul3A_495 : f32 to vector<16xf32>
      %mul3A_497 = arith.mulf %get3A_494, %mul3A_496 : vector<16xf32>
      %add3A_498 = arith.constant 0 : i32
      %add3A_499 = arith.addi %add3A_308, %add3A_498 : i32
      %get3A_500 = arith.index_cast %add3A_499 : i32 to index
      %get3A_501 = arith.constant 112 : index
      %get3A_502 = tpu.vector_load %arg7[%get3A_500, %get3A_501] {strides = array<i32>} : memref<320x128xf32, #tpu.memory_space<vmem>>, vector<1x16xf32>,
      %get3A_503 = vector.shape_cast %get3A_502 : vector<1x16xf32> to vector<16xf32>
      %mul3A_504 = arith.constant 3.000000e-01 : f32
      %mul3A_505 = vector.broadcast %mul3A_504 : f32 to vector<16xf32>
      %mul3A_506 = arith.mulf %get3A_503, %mul3A_505 : vector<16xf32>
      %add3A_507 = arith.addf %mul3A_497, %mul3A_506 : vector<16xf32>
      %add3A_508 = arith.constant 0 : i32
      %add3A_509 = arith.addi %add3A_308, %add3A_508 : i32
      %swap3A_510 = arith.index_cast %add3A_509 : i32 to index
      %swap3A_511 = arith.constant 112 : index
      %swap3A_512 = tpu.vector_load %arg6[%swap3A_510, %swap3A_511] {strides = array<i32>} : memref<320x128xf32, #tpu.memory_space<vmem>>, vector<1x16xf32>,
      %swap3A_513 = vector.shape_cast %swap3A_512 : vector<1x16xf32> to vector<16xf32>
      %swap3A_514 = vector.shape_cast %add3A_507 : vector<16xf32> to vector<1x16xf32>
      tpu.vector_store %arg6[%swap3A_510, %swap3A_511], %swap3A_514 {strides = array<i32>} : memref<320x128xf32, #tpu.memory_space<vmem>>, vector<1x16xf32>,
      %add3A_515 = arith.constant 1 : i32
      %add3A_516 = arith.addi %add3A_308, %add3A_515 : i32
      %get3A_517 = arith.index_cast %add3A_516 : i32 to index
      %get3A_518 = arith.constant 0 : index
      %get3A_519 = tpu.vector_load %arg6[%get3A_517, %get3A_518] {strides = array<i32>} : memref<320x128xf32, #tpu.memory_space<vmem>>, vector<1x16xf32>,
      %get3A_520 = vector.shape_cast %get3A_519 : vector<1x16xf32> to vector<16xf32>
      %mul3A_521 = arith.constant 0.699999988 : f32
      %mul3A_522 = vector.broadcast %mul3A_521 : f32 to vector<16xf32>
      %mul3A_523 = arith.mulf %get3A_520, %mul3A_522 : vector<16xf32>
      %add3A_524 = arith.constant 1 : i32
      %add3A_525 = arith.addi %add3A_308, %add3A_524 : i32
      %get3A_526 = arith.index_cast %add3A_525 : i32 to index
      %get3A_527 = arith.constant 0 : index
      %get3A_528 = tpu.vector_load %arg7[%get3A_526, %get3A_527] {strides = array<i32>} : memref<320x128xf32, #tpu.memory_space<vmem>>, vector<1x16xf32>,
      %get3A_529 = vector.shape_cast %get3A_528 : vector<1x16xf32> to vector<16xf32>
      %mul3A_530 = arith.constant 3.000000e-01 : f32
      %mul3A_531 = vector.broadcast %mul3A_530 : f32 to vector<16xf32>
      %mul3A_532 = arith.mulf %get3A_529, %mul3A_531 : vector<16xf32>
      %add3A_533 = arith.addf %mul3A_523, %mul3A_532 : vector<16xf32>
      %add3A_534 = arith.constant 1 : i32
      %add3A_535 = arith.addi %add3A_308, %add3A_534 : i32
      %swap3A_536 = arith.index_cast %add3A_535 : i32 to index
      %swap3A_537 = arith.constant 0 : index
      %swap3A_538 = tpu.vector_load %arg6[%swap3A_536, %swap3A_537] {strides = array<i32>} : memref<320x128xf32, #tpu.memory_space<vmem>>, vector<1x16xf32>,
      %swap3A_539 = vector.shape_cast %swap3A_538 : vector<1x16xf32> to vector<16xf32>
      %swap3A_540 = vector.shape_cast %add3A_533 : vector<16xf32> to vector<1x16xf32>
      tpu.vector_store %arg6[%swap3A_536, %swap3A_537], %swap3A_540 {strides = array<i32>} : memref<320x128xf32, #tpu.memory_space<vmem>>, vector<1x16xf32>,
      %add3A_541 = arith.constant 1 : i32
      %add3A_542 = arith.addi %add3A_308, %add3A_541 : i32
      %get3A_543 = arith.index_cast %add3A_542 : i32 to index
      %get3A_544 = arith.constant 16 : index
      %get3A_545 = tpu.vector_load %arg6[%get3A_543, %get3A_544] {strides = array<i32>} : memref<320x128xf32, #tpu.memory_space<vmem>>, vector<1x16xf32>,
      %get3A_546 = vector.shape_cast %get3A_545 : vector<1x16xf32> to vector<16xf32>
      %mul3A_547 = arith.constant 0.699999988 : f32
      %mul3A_548 = vector.broadcast %mul3A_547 : f32 to vector<16xf32>
      %mul3A_549 = arith.mulf %get3A_546, %mul3A_548 : vector<16xf32>
      %add3A_550 = arith.constant 1 : i32
      %add3A_551 = arith.addi %add3A_308, %add3A_550 : i32
      %get3A_552 = arith.index_cast %add3A_551 : i32 to index
      %get3A_553 = arith.constant 16 : index
      %get3A_554 = tpu.vector_load %arg7[%get3A_552, %get3A_553] {strides = array<i32>} : memref<320x128xf32, #tpu.memory_space<vmem>>, vector<1x16xf32>,
      %get3A_555 = vector.shape_cast %get3A_554 : vector<1x16xf32> to vector<16xf32>
      %mul3A_556 = arith.constant 3.000000e-01 : f32
      %mul3A_557 = vector.broadcast %mul3A_556 : f32 to vector<16xf32>
      %mul3A_558 = arith.mulf %get3A_555, %mul3A_557 : vector<16xf32>
      %add3A_559 = arith.addf %mul3A_549, %mul3A_558 : vector<16xf32>
      %add3A_560 = arith.constant 1 : i32
      %add3A_561 = arith.addi %add3A_308, %add3A_560 : i32
      %swap3A_562 = arith.index_cast %add3A_561 : i32 to index
      %swap3A_563 = arith.constant 16 : index
      %swap3A_564 = tpu.vector_load %arg6[%swap3A_562, %swap3A_563] {strides = array<i32>} : memref<320x128xf32, #tpu.memory_space<vmem>>, vector<1x16xf32>,
      %swap3A_565 = vector.shape_cast %swap3A_564 : vector<1x16xf32> to vector<16xf32>
      %swap3A_566 = vector.shape_cast %add3A_559 : vector<16xf32> to vector<1x16xf32>
      tpu.vector_store %arg6[%swap3A_562, %swap3A_563], %swap3A_566 {strides = array<i32>} : memref<320x128xf32, #tpu.memory_space<vmem>>, vector<1x16xf32>,
      %add3A_567 = arith.constant 1 : i32
      %add3A_568 = arith.addi %add3A_308, %add3A_567 : i32
      %get3A_569 = arith.index_cast %add3A_568 : i32 to index
      %get3A_570 = arith.constant 32 : index
      %get3A_571 = tpu.vector_load %arg6[%get3A_569, %get3A_570] {strides = array<i32>} : memref<320x128xf32, #tpu.memory_space<vmem>>, vector<1x16xf32>,
      %get3A_572 = vector.shape_cast %get3A_571 : vector<1x16xf32> to vector<16xf32>
      %mul3A_573 = arith.constant 0.699999988 : f32
      %mul3A_574 = vector.broadcast %mul3A_573 : f32 to vector<16xf32>
      %mul3A_575 = arith.mulf %get3A_572, %mul3A_574 : vector<16xf32>
      %add3A_576 = arith.constant 1 : i32
      %add3A_577 = arith.addi %add3A_308, %add3A_576 : i32
      %get3A_578 = arith.index_cast %add3A_577 : i32 to index
      %get3A_579 = arith.constant 32 : index
      %get3A_580 = tpu.vector_load %arg7[%get3A_578, %get3A_579] {strides = array<i32>} : memref<320x128xf32, #tpu.memory_space<vmem>>, vector<1x16xf32>,
      %get3A_581 = vector.shape_cast %get3A_580 : vector<1x16xf32> to vector<16xf32>
      %mul3A_582 = arith.constant 3.000000e-01 : f32
      %mul3A_583 = vector.broadcast %mul3A_582 : f32 to vector<16xf32>
      %mul3A_584 = arith.mulf %get3A_581, %mul3A_583 : vector<16xf32>
      %add3A_585 = arith.addf %mul3A_575, %mul3A_584 : vector<16xf32>
      %add3A_586 = arith.constant 1 : i32
      %add3A_587 = arith.addi %add3A_308, %add3A_586 : i32
      %swap3A_588 = arith.index_cast %add3A_587 : i32 to index
      %swap3A_589 = arith.constant 32 : index
      %swap3A_590 = tpu.vector_load %arg6[%swap3A_588, %swap3A_589] {strides = array<i32>} : memref<320x128xf32, #tpu.memory_space<vmem>>, vector<1x16xf32>,
      %swap3A_591 = vector.shape_cast %swap3A_590 : vector<1x16xf32> to vector<16xf32>
      %swap3A_592 = vector.shape_cast %add3A_585 : vector<16xf32> to vector<1x16xf32>
      tpu.vector_store %arg6[%swap3A_588, %swap3A_589], %swap3A_592 {strides = array<i32>} : memref<320x128xf32, #tpu.memory_space<vmem>>, vector<1x16xf32>,
      %add3A_593 = arith.constant 1 : i32
      %add3A_594 = arith.addi %add3A_308, %add3A_593 : i32
      %get3A_595 = arith.index_cast %add3A_594 : i32 to index
      %get3A_596 = arith.constant 48 : index
      %get3A_597 = tpu.vector_load %arg6[%get3A_595, %get3A_596] {strides = array<i32>} : memref<320x128xf32, #tpu.memory_space<vmem>>, vector<1x16xf32>,
      %get3A_598 = vector.shape_cast %get3A_597 : vector<1x16xf32> to vector<16xf32>
      %mul3A_599 = arith.constant 0.699999988 : f32
      %mul3A_600 = vector.broadcast %mul3A_599 : f32 to vector<16xf32>
      %mul3A_601 = arith.mulf %get3A_598, %mul3A_600 : vector<16xf32>
      %add3A_602 = arith.constant 1 : i32
      %add3A_603 = arith.addi %add3A_308, %add3A_602 : i32
      %get3A_604 = arith.index_cast %add3A_603 : i32 to index
      %get3A_605 = arith.constant 48 : index
      %get3A_606 = tpu.vector_load %arg7[%get3A_604, %get3A_605] {strides = array<i32>} : memref<320x128xf32, #tpu.memory_space<vmem>>, vector<1x16xf32>,
      %get3A_607 = vector.shape_cast %get3A_606 : vector<1x16xf32> to vector<16xf32>
      %mul3A_608 = arith.constant 3.000000e-01 : f32
      %mul3A_609 = vector.broadcast %mul3A_608 : f32 to vector<16xf32>
      %mul3A_610 = arith.mulf %get3A_607, %mul3A_609 : vector<16xf32>
      %add3A_611 = arith.addf %mul3A_601, %mul3A_610 : vector<16xf32>
      %add3A_612 = arith.constant 1 : i32
      %add3A_613 = arith.addi %add3A_308, %add3A_612 : i32
      %swap3A_614 = arith.index_cast %add3A_613 : i32 to index
      %swap3A_615 = arith.constant 48 : index
      %swap3A_616 = tpu.vector_load %arg6[%swap3A_614, %swap3A_615] {strides = array<i32>} : memref<320x128xf32, #tpu.memory_space<vmem>>, vector<1x16xf32>,
      %swap3A_617 = vector.shape_cast %swap3A_616 : vector<1x16xf32> to vector<16xf32>
      %swap3A_618 = vector.shape_cast %add3A_611 : vector<16xf32> to vector<1x16xf32>
      tpu.vector_store %arg6[%swap3A_614, %swap3A_615], %swap3A_618 {strides = array<i32>} : memref<320x128xf32, #tpu.memory_space<vmem>>, vector<1x16xf32>,
      %add3A_619 = arith.constant 1 : i32
      %add3A_620 = arith.addi %add3A_308, %add3A_619 : i32
      %get3A_621 = arith.index_cast %add3A_620 : i32 to index
      %get3A_622 = arith.constant 64 : index
      %get3A_623 = tpu.vector_load %arg6[%get3A_621, %get3A_622] {strides = array<i32>} : memref<320x128xf32, #tpu.memory_space<vmem>>, vector<1x16xf32>,
      %get3A_624 = vector.shape_cast %get3A_623 : vector<1x16xf32> to vector<16xf32>
      %mul3A_625 = arith.constant 0.699999988 : f32
      %mul3A_626 = vector.broadcast %mul3A_625 : f32 to vector<16xf32>
      %mul3A_627 = arith.mulf %get3A_624, %mul3A_626 : vector<16xf32>
      %add3A_628 = arith.constant 1 : i32
      %add3A_629 = arith.addi %add3A_308, %add3A_628 : i32
      %get3A_630 = arith.index_cast %add3A_629 : i32 to index
      %get3A_631 = arith.constant 64 : index
      %get3A_632 = tpu.vector_load %arg7[%get3A_630, %get3A_631] {strides = array<i32>} : memref<320x128xf32, #tpu.memory_space<vmem>>, vector<1x16xf32>,
      %get3A_633 = vector.shape_cast %get3A_632 : vector<1x16xf32> to vector<16xf32>
      %mul3A_634 = arith.constant 3.000000e-01 : f32
      %mul3A_635 = vector.broadcast %mul3A_634 : f32 to vector<16xf32>
      %mul3A_636 = arith.mulf %get3A_633, %mul3A_635 : vector<16xf32>
      %add3A_637 = arith.addf %mul3A_627, %mul3A_636 : vector<16xf32>
      %add3A_638 = arith.constant 1 : i32
      %add3A_639 = arith.addi %add3A_308, %add3A_638 : i32
      %swap3A_640 = arith.index_cast %add3A_639 : i32 to index
      %swap3A_641 = arith.constant 64 : index
      %swap3A_642 = tpu.vector_load %arg6[%swap3A_640, %swap3A_641] {strides = array<i32>} : memref<320x128xf32, #tpu.memory_space<vmem>>, vector<1x16xf32>,
      %swap3A_643 = vector.shape_cast %swap3A_642 : vector<1x16xf32> to vector<16xf32>
      %swap3A_644 = vector.shape_cast %add3A_637 : vector<16xf32> to vector<1x16xf32>
      tpu.vector_store %arg6[%swap3A_640, %swap3A_641], %swap3A_644 {strides = array<i32>} : memref<320x128xf32, #tpu.memory_space<vmem>>, vector<1x16xf32>,
      %add3A_645 = arith.constant 1 : i32
      %add3A_646 = arith.addi %add3A_308, %add3A_645 : i32
      %get3A_647 = arith.index_cast %add3A_646 : i32 to index
      %get3A_648 = arith.constant 80 : index
      %get3A_649 = tpu.vector_load %arg6[%get3A_647, %get3A_648] {strides = array<i32>} : memref<320x128xf32, #tpu.memory_space<vmem>>, vector<1x16xf32>,
      %get3A_650 = vector.shape_cast %get3A_649 : vector<1x16xf32> to vector<16xf32>
      %mul3A_651 = arith.constant 0.699999988 : f32
      %mul3A_652 = vector.broadcast %mul3A_651 : f32 to vector<16xf32>
      %mul3A_653 = arith.mulf %get3A_650, %mul3A_652 : vector<16xf32>
      %add3A_654 = arith.constant 1 : i32
      %add3A_655 = arith.addi %add3A_308, %add3A_654 : i32
      %get3A_656 = arith.index_cast %add3A_655 : i32 to index
      %get3A_657 = arith.constant 80 : index
      %get3A_658 = tpu.vector_load %arg7[%get3A_656, %get3A_657] {strides = array<i32>} : memref<320x128xf32, #tpu.memory_space<vmem>>, vector<1x16xf32>,
      %get3A_659 = vector.shape_cast %get3A_658 : vector<1x16xf32> to vector<16xf32>
      %mul3A_660 = arith.constant 3.000000e-01 : f32
      %mul3A_661 = vector.broadcast %mul3A_660 : f32 to vector<16xf32>
      %mul3A_662 = arith.mulf %get3A_659, %mul3A_661 : vector<16xf32>
      %add3A_663 = arith.addf %mul3A_653, %mul3A_662 : vector<16xf32>
      %add3A_664 = arith.constant 1 : i32
      %add3A_665 = arith.addi %add3A_308, %add3A_664 : i32
      %swap3A_666 = arith.index_cast %add3A_665 : i32 to index
      %swap3A_667 = arith.constant 80 : index
      %swap3A_668 = tpu.vector_load %arg6[%swap3A_666, %swap3A_667] {strides = array<i32>} : memref<320x128xf32, #tpu.memory_space<vmem>>, vector<1x16xf32>,
      %swap3A_669 = vector.shape_cast %swap3A_668 : vector<1x16xf32> to vector<16xf32>
      %swap3A_670 = vector.shape_cast %add3A_663 : vector<16xf32> to vector<1x16xf32>
      tpu.vector_store %arg6[%swap3A_666, %swap3A_667], %swap3A_670 {strides = array<i32>} : memref<320x128xf32, #tpu.memory_space<vmem>>, vector<1x16xf32>,
      %add3A_671 = arith.constant 1 : i32
      %add3A_672 = arith.addi %add3A_308, %add3A_671 : i32
      %get3A_673 = arith.index_cast %add3A_672 : i32 to index
      %get3A_674 = arith.constant 96 : index
      %get3A_675 = tpu.vector_load %arg6[%get3A_673, %get3A_674] {strides = array<i32>} : memref<320x128xf32, #tpu.memory_space<vmem>>, vector<1x16xf32>,
      %get3A_676 = vector.shape_cast %get3A_675 : vector<1x16xf32> to vector<16xf32>
      %mul3A_677 = arith.constant 0.699999988 : f32
      %mul3A_678 = vector.broadcast %mul3A_677 : f32 to vector<16xf32>
      %mul3A_679 = arith.mulf %get3A_676, %mul3A_678 : vector<16xf32>
      %add3A_680 = arith.constant 1 : i32
      %add3A_681 = arith.addi %add3A_308, %add3A_680 : i32
      %get3A_682 = arith.index_cast %add3A_681 : i32 to index
      %get3A_683 = arith.constant 96 : index
      %get3A_684 = tpu.vector_load %arg7[%get3A_682, %get3A_683] {strides = array<i32>} : memref<320x128xf32, #tpu.memory_space<vmem>>, vector<1x16xf32>,
      %get3A_685 = vector.shape_cast %get3A_684 : vector<1x16xf32> to vector<16xf32>
      %mul3A_686 = arith.constant 3.000000e-01 : f32
      %mul3A_687 = vector.broadcast %mul3A_686 : f32 to vector<16xf32>
      %mul3A_688 = arith.mulf %get3A_685, %mul3A_687 : vector<16xf32>
      %add3A_689 = arith.addf %mul3A_679, %mul3A_688 : vector<16xf32>
      %add3A_690 = arith.constant 1 : i32
      %add3A_691 = arith.addi %add3A_308, %add3A_690 : i32
      %swap3A_692 = arith.index_cast %add3A_691 : i32 to index
      %swap3A_693 = arith.constant 96 : index
      %swap3A_694 = tpu.vector_load %arg6[%swap3A_692, %swap3A_693] {strides = array<i32>} : memref<320x128xf32, #tpu.memory_space<vmem>>, vector<1x16xf32>,
      %swap3A_695 = vector.shape_cast %swap3A_694 : vector<1x16xf32> to vector<16xf32>
      %swap3A_696 = vector.shape_cast %add3A_689 : vector<16xf32> to vector<1x16xf32>
      tpu.vector_store %arg6[%swap3A_692, %swap3A_693], %swap3A_696 {strides = array<i32>} : memref<320x128xf32, #tpu.memory_space<vmem>>, vector<1x16xf32>,
      %add3A_697 = arith.constant 1 : i32
      %add3A_698 = arith.addi %add3A_308, %add3A_697 : i32
      %get3A_699 = arith.index_cast %add3A_698 : i32 to index
      %get3A_700 = arith.constant 112 : index
      %get3A_701 = tpu.vector_load %arg6[%get3A_699, %get3A_700] {strides = array<i32>} : memref<320x128xf32, #tpu.memory_space<vmem>>, vector<1x16xf32>,
      %get3A_702 = vector.shape_cast %get3A_701 : vector<1x16xf32> to vector<16xf32>
      %mul3A_703 = arith.constant 0.699999988 : f32
      %mul3A_704 = vector.broadcast %mul3A_703 : f32 to vector<16xf32>
      %mul3A_705 = arith.mulf %get3A_702, %mul3A_704 : vector<16xf32>
      %add3A_706 = arith.constant 1 : i32
      %add3A_707 = arith.addi %add3A_308, %add3A_706 : i32
      %get3A_708 = arith.index_cast %add3A_707 : i32 to index
      %get3A_709 = arith.constant 112 : index
      %get3A_710 = tpu.vector_load %arg7[%get3A_708, %get3A_709] {strides = array<i32>} : memref<320x128xf32, #tpu.memory_space<vmem>>, vector<1x16xf32>,
      %get3A_711 = vector.shape_cast %get3A_710 : vector<1x16xf32> to vector<16xf32>
      %mul3A_712 = arith.constant 3.000000e-01 : f32
      %mul3A_713 = vector.broadcast %mul3A_712 : f32 to vector<16xf32>
      %mul3A_714 = arith.mulf %get3A_711, %mul3A_713 : vector<16xf32>
      %add3A_715 = arith.addf %mul3A_705, %mul3A_714 : vector<16xf32>
      %add3A_716 = arith.constant 1 : i32
      %add3A_717 = arith.addi %add3A_308, %add3A_716 : i32
      %swap3A_718 = arith.index_cast %add3A_717 : i32 to index
      %swap3A_719 = arith.constant 112 : index
      %swap3A_720 = tpu.vector_load %arg6[%swap3A_718, %swap3A_719] {strides = array<i32>} : memref<320x128xf32, #tpu.memory_space<vmem>>, vector<1x16xf32>,
      %swap3A_721 = vector.shape_cast %swap3A_720 : vector<1x16xf32> to vector<16xf32>
      %swap3A_722 = vector.shape_cast %add3A_715 : vector<16xf32> to vector<1x16xf32>
      tpu.vector_store %arg6[%swap3A_718, %swap3A_719], %swap3A_722 {strides = array<i32>} : memref<320x128xf32, #tpu.memory_space<vmem>>, vector<1x16xf32>,
    }
    %scan3A_215 = arith.constant 40 : i32
    %add3A_216 = arith.constant 160 : i32
    %add3A_217 = arith.addi %mul3A_44, %add3A_216 : i32
    %dma_start3A_218 = arith.constant 160 : i32
    %dma_start3A_219 = arith.constant 0 : i32
    %dma_start3A_220 = tpu.memref_slice %arg6[%dma_start3A_218, %dma_start3A_219] : memref<320x128xf32, #tpu.memory_space<vmem>> -> memref<80x128xf32, #tpu.memory_space<vmem>>
    %dma_start3A_221 = arith.constant 0 : i32
    %dma_start3A_222 = tpu.memref_slice %arg4[%add3A_217, %dma_start3A_221] : memref<10000x128xf32, #tpu.memory_space<hbm>> -> memref<80x128xf32, #tpu.memory_space<hbm>>
    %dma_start3A_223 = arith.constant 0 : i32
    %dma_start3A_224 = tpu.memref_slice %arg4[%add3A_217, %dma_start3A_223] : memref<10000x128xf32, #tpu.memory_space<hbm>> -> memref<80x128xf32, #tpu.memory_space<hbm>>
    %dma_start3A_225 = arith.constant 160 : i32
    %dma_start3A_226 = arith.constant 0 : i32
    %dma_start3A_227 = tpu.memref_slice %arg6[%dma_start3A_225, %dma_start3A_226] : memref<320x128xf32, #tpu.memory_space<vmem>> -> memref<80x128xf32, #tpu.memory_space<vmem>>
    tpu.enqueue_dma source(%dma_start3A_227 : memref<80x128xf32, #tpu.memory_space<vmem>>) target(%dma_start3A_224 : memref<80x128xf32, #tpu.memory_space<hbm>>) target_semaphore(%arg12 : memref<!tpu.dma_semaphore, #tpu.memory_space<semaphore_mem>>)
    %dma_wait3A_228 = arith.constant 240 : i32
    %dma_wait3A_229 = arith.constant 0 : i32
    %dma_wait3A_230 = tpu.memref_slice %arg6[%dma_wait3A_228, %dma_wait3A_229] : memref<320x128xf32, #tpu.memory_space<vmem>> -> memref<80x128xf32, #tpu.memory_space<vmem>>
    %dma_wait3A_231 = arith.constant 0 : i32
    %dma_wait3A_232 = tpu.memref_slice %arg2[%add3A_103, %dma_wait3A_231] : memref<10000x128xf32, #tpu.memory_space<hbm>> -> memref<80x128xf32, #tpu.memory_space<hbm>>
    %dma_wait3A_233 = arith.constant 240 : i32
    %dma_wait3A_234 = arith.constant 0 : i32
    %dma_wait3A_235 = tpu.memref_slice %arg6[%dma_wait3A_233, %dma_wait3A_234] : memref<320x128xf32, #tpu.memory_space<vmem>> -> memref<80x128xf32, #tpu.memory_space<vmem>>
    %dma_wait3A_236 = arith.constant 0 : i32
    %dma_wait3A_237 = tpu.memref_slice %arg2[%add3A_103, %dma_wait3A_236] : memref<10000x128xf32, #tpu.memory_space<hbm>> -> memref<80x128xf32, #tpu.memory_space<hbm>>
    tpu.wait_dma2 semaphore(%arg11 : memref<!tpu.dma_semaphore, #tpu.memory_space<semaphore_mem>>) src(%dma_wait3A_237 : memref<80x128xf32, #tpu.memory_space<hbm>>) dst(%dma_wait3A_235 : memref<80x128xf32, #tpu.memory_space<vmem>>)
    %dma_wait3A_238 = arith.constant 240 : i32
    %dma_wait3A_239 = arith.constant 0 : i32
    %dma_wait3A_240 = tpu.memref_slice %arg7[%dma_wait3A_238, %dma_wait3A_239] : memref<320x128xf32, #tpu.memory_space<vmem>> -> memref<80x128xf32, #tpu.memory_space<vmem>>
    %dma_wait3A_241 = arith.constant 240 : i32
    %dma_wait3A_242 = tpu.memref_slice %arg5[%dma_wait3A_241] : memref<320xi32, #tpu.memory_space<vmem>> -> memref<80xi32, #tpu.memory_space<vmem>>
    %dma_wait3A_243 = arith.constant 0 : i32
    %dma_wait3A_244 = arith.constant 0 : i32
    %dma_wait3A_245 = tpu.memref_slice %arg2[%dma_wait3A_243, %dma_wait3A_244] : memref<10000x128xf32, #tpu.memory_space<hbm>> -> memref<10000x128xf32, #tpu.memory_space<hbm>>
    tpu.wait_indirect_dma semaphore(%arg11 : memref<!tpu.dma_semaphore, #tpu.memory_space<semaphore_mem>>) src(%dma_wait3A_245 : memref<10000x128xf32, #tpu.memory_space<hbm>>) dst(%dma_wait3A_240 : memref<80x128xf32, #tpu.memory_space<vmem>>)
    %scan3A_246 = arith.constant 0 : i32
    %scan3A_247 = arith.constant 0 : i32
    %scan3A_248 = arith.constant 40 : i32
    %scan3A_249 = arith.addi %scan3A_247, %scan3A_248 : i32
    %scan3A_250 = arith.constant 1 : i32
    scf.for %scan3A_304 = %scan3A_247 to %scan3A_249 step %scan3A_250  : i32 {
      %mul3A_305 = arith.constant 2 : i32
      %mul3A_306 = arith.muli %scan3A_304, %mul3A_305 : i32
      %add3A_307 = arith.constant 240 : i32
      %add3A_308 = arith.addi %add3A_307, %mul3A_306 : i32
      %add3A_309 = arith.constant 0 : i32
      %add3A_310 = arith.addi %add3A_308, %add3A_309 : i32
      %get3A = arith.index_cast %add3A_310 : i32 to index
      %get3A_311 = arith.constant 0 : index
      %get3A_312 = tpu.vector_load %arg6[%get3A, %get3A_311] {strides = array<i32>} : memref<320x128xf32, #tpu.memory_space<vmem>>, vector<1x16xf32>,
      %get3A_313 = vector.shape_cast %get3A_312 : vector<1x16xf32> to vector<16xf32>
      %mul3A_314 = arith.constant 0.699999988 : f32
      %mul3A_315 = vector.broadcast %mul3A_314 : f32 to vector<16xf32>
      %mul3A_316 = arith.mulf %get3A_313, %mul3A_315 : vector<16xf32>
      %add3A_317 = arith.constant 0 : i32
      %add3A_318 = arith.addi %add3A_308, %add3A_317 : i32
      %get3A_319 = arith.index_cast %add3A_318 : i32 to index
      %get3A_320 = arith.constant 0 : index
      %get3A_321 = tpu.vector_load %arg7[%get3A_319, %get3A_320] {strides = array<i32>} : memref<320x128xf32, #tpu.memory_space<vmem>>, vector<1x16xf32>,
      %get3A_322 = vector.shape_cast %get3A_321 : vector<1x16xf32> to vector<16xf32>
      %mul3A_323 = arith.constant 3.000000e-01 : f32
      %mul3A_324 = vector.broadcast %mul3A_323 : f32 to vector<16xf32>
      %mul3A_325 = arith.mulf %get3A_322, %mul3A_324 : vector<16xf32>
      %add3A_326 = arith.addf %mul3A_316, %mul3A_325 : vector<16xf32>
      %add3A_327 = arith.constant 0 : i32
      %add3A_328 = arith.addi %add3A_308, %add3A_327 : i32
      %swap3A = arith.index_cast %add3A_328 : i32 to index
      %swap3A_329 = arith.constant 0 : index
      %swap3A_330 = tpu.vector_load %arg6[%swap3A, %swap3A_329] {strides = array<i32>} : memref<320x128xf32, #tpu.memory_space<vmem>>, vector<1x16xf32>,
      %swap3A_331 = vector.shape_cast %swap3A_330 : vector<1x16xf32> to vector<16xf32>
      %swap3A_332 = vector.shape_cast %add3A_326 : vector<16xf32> to vector<1x16xf32>
      tpu.vector_store %arg6[%swap3A, %swap3A_329], %swap3A_332 {strides = array<i32>} : memref<320x128xf32, #tpu.memory_space<vmem>>, vector<1x16xf32>,
      %add3A_333 = arith.constant 0 : i32
      %add3A_334 = arith.addi %add3A_308, %add3A_333 : i32
      %get3A_335 = arith.index_cast %add3A_334 : i32 to index
      %get3A_336 = arith.constant 16 : index
      %get3A_337 = tpu.vector_load %arg6[%get3A_335, %get3A_336] {strides = array<i32>} : memref<320x128xf32, #tpu.memory_space<vmem>>, vector<1x16xf32>,
      %get3A_338 = vector.shape_cast %get3A_337 : vector<1x16xf32> to vector<16xf32>
      %mul3A_339 = arith.constant 0.699999988 : f32
      %mul3A_340 = vector.broadcast %mul3A_339 : f32 to vector<16xf32>
      %mul3A_341 = arith.mulf %get3A_338, %mul3A_340 : vector<16xf32>
      %add3A_342 = arith.constant 0 : i32
      %add3A_343 = arith.addi %add3A_308, %add3A_342 : i32
      %get3A_344 = arith.index_cast %add3A_343 : i32 to index
      %get3A_345 = arith.constant 16 : index
      %get3A_346 = tpu.vector_load %arg7[%get3A_344, %get3A_345] {strides = array<i32>} : memref<320x128xf32, #tpu.memory_space<vmem>>, vector<1x16xf32>,
      %get3A_347 = vector.shape_cast %get3A_346 : vector<1x16xf32> to vector<16xf32>
      %mul3A_348 = arith.constant 3.000000e-01 : f32
      %mul3A_349 = vector.broadcast %mul3A_348 : f32 to vector<16xf32>
      %mul3A_350 = arith.mulf %get3A_347, %mul3A_349 : vector<16xf32>
      %add3A_351 = arith.addf %mul3A_341, %mul3A_350 : vector<16xf32>
      %add3A_352 = arith.constant 0 : i32
      %add3A_353 = arith.addi %add3A_308, %add3A_352 : i32
      %swap3A_354 = arith.index_cast %add3A_353 : i32 to index
      %swap3A_355 = arith.constant 16 : index
      %swap3A_356 = tpu.vector_load %arg6[%swap3A_354, %swap3A_355] {strides = array<i32>} : memref<320x128xf32, #tpu.memory_space<vmem>>, vector<1x16xf32>,
      %swap3A_357 = vector.shape_cast %swap3A_356 : vector<1x16xf32> to vector<16xf32>
      %swap3A_358 = vector.shape_cast %add3A_351 : vector<16xf32> to vector<1x16xf32>
      tpu.vector_store %arg6[%swap3A_354, %swap3A_355], %swap3A_358 {strides = array<i32>} : memref<320x128xf32, #tpu.memory_space<vmem>>, vector<1x16xf32>,
      %add3A_359 = arith.constant 0 : i32
      %add3A_360 = arith.addi %add3A_308, %add3A_359 : i32
      %get3A_361 = arith.index_cast %add3A_360 : i32 to index
      %get3A_362 = arith.constant 32 : index
      %get3A_363 = tpu.vector_load %arg6[%get3A_361, %get3A_362] {strides = array<i32>} : memref<320x128xf32, #tpu.memory_space<vmem>>, vector<1x16xf32>,
      %get3A_364 = vector.shape_cast %get3A_363 : vector<1x16xf32> to vector<16xf32>
      %mul3A_365 = arith.constant 0.699999988 : f32
      %mul3A_366 = vector.broadcast %mul3A_365 : f32 to vector<16xf32>
      %mul3A_367 = arith.mulf %get3A_364, %mul3A_366 : vector<16xf32>
      %add3A_368 = arith.constant 0 : i32
      %add3A_369 = arith.addi %add3A_308, %add3A_368 : i32
      %get3A_370 = arith.index_cast %add3A_369 : i32 to index
      %get3A_371 = arith.constant 32 : index
      %get3A_372 = tpu.vector_load %arg7[%get3A_370, %get3A_371] {strides = array<i32>} : memref<320x128xf32, #tpu.memory_space<vmem>>, vector<1x16xf32>,
      %get3A_373 = vector.shape_cast %get3A_372 : vector<1x16xf32> to vector<16xf32>
      %mul3A_374 = arith.constant 3.000000e-01 : f32
      %mul3A_375 = vector.broadcast %mul3A_374 : f32 to vector<16xf32>
      %mul3A_376 = arith.mulf %get3A_373, %mul3A_375 : vector<16xf32>
      %add3A_377 = arith.addf %mul3A_367, %mul3A_376 : vector<16xf32>
      %add3A_378 = arith.constant 0 : i32
      %add3A_379 = arith.addi %add3A_308, %add3A_378 : i32
      %swap3A_380 = arith.index_cast %add3A_379 : i32 to index
      %swap3A_381 = arith.constant 32 : index
      %swap3A_382 = tpu.vector_load %arg6[%swap3A_380, %swap3A_381] {strides = array<i32>} : memref<320x128xf32, #tpu.memory_space<vmem>>, vector<1x16xf32>,
      %swap3A_383 = vector.shape_cast %swap3A_382 : vector<1x16xf32> to vector<16xf32>
      %swap3A_384 = vector.shape_cast %add3A_377 : vector<16xf32> to vector<1x16xf32>
      tpu.vector_store %arg6[%swap3A_380, %swap3A_381], %swap3A_384 {strides = array<i32>} : memref<320x128xf32, #tpu.memory_space<vmem>>, vector<1x16xf32>,
      %add3A_385 = arith.constant 0 : i32
      %add3A_386 = arith.addi %add3A_308, %add3A_385 : i32
      %get3A_387 = arith.index_cast %add3A_386 : i32 to index
      %get3A_388 = arith.constant 48 : index
      %get3A_389 = tpu.vector_load %arg6[%get3A_387, %get3A_388] {strides = array<i32>} : memref<320x128xf32, #tpu.memory_space<vmem>>, vector<1x16xf32>,
      %get3A_390 = vector.shape_cast %get3A_389 : vector<1x16xf32> to vector<16xf32>
      %mul3A_391 = arith.constant 0.699999988 : f32
      %mul3A_392 = vector.broadcast %mul3A_391 : f32 to vector<16xf32>
      %mul3A_393 = arith.mulf %get3A_390, %mul3A_392 : vector<16xf32>
      %add3A_394 = arith.constant 0 : i32
      %add3A_395 = arith.addi %add3A_308, %add3A_394 : i32
      %get3A_396 = arith.index_cast %add3A_395 : i32 to index
      %get3A_397 = arith.constant 48 : index
      %get3A_398 = tpu.vector_load %arg7[%get3A_396, %get3A_397] {strides = array<i32>} : memref<320x128xf32, #tpu.memory_space<vmem>>, vector<1x16xf32>,
      %get3A_399 = vector.shape_cast %get3A_398 : vector<1x16xf32> to vector<16xf32>
      %mul3A_400 = arith.constant 3.000000e-01 : f32
      %mul3A_401 = vector.broadcast %mul3A_400 : f32 to vector<16xf32>
      %mul3A_402 = arith.mulf %get3A_399, %mul3A_401 : vector<16xf32>
      %add3A_403 = arith.addf %mul3A_393, %mul3A_402 : vector<16xf32>
      %add3A_404 = arith.constant 0 : i32
      %add3A_405 = arith.addi %add3A_308, %add3A_404 : i32
      %swap3A_406 = arith.index_cast %add3A_405 : i32 to index
      %swap3A_407 = arith.constant 48 : index
      %swap3A_408 = tpu.vector_load %arg6[%swap3A_406, %swap3A_407] {strides = array<i32>} : memref<320x128xf32, #tpu.memory_space<vmem>>, vector<1x16xf32>,
      %swap3A_409 = vector.shape_cast %swap3A_408 : vector<1x16xf32> to vector<16xf32>
      %swap3A_410 = vector.shape_cast %add3A_403 : vector<16xf32> to vector<1x16xf32>
      tpu.vector_store %arg6[%swap3A_406, %swap3A_407], %swap3A_410 {strides = array<i32>} : memref<320x128xf32, #tpu.memory_space<vmem>>, vector<1x16xf32>,
      %add3A_411 = arith.constant 0 : i32
      %add3A_412 = arith.addi %add3A_308, %add3A_411 : i32
      %get3A_413 = arith.index_cast %add3A_412 : i32 to index
      %get3A_414 = arith.constant 64 : index
      %get3A_415 = tpu.vector_load %arg6[%get3A_413, %get3A_414] {strides = array<i32>} : memref<320x128xf32, #tpu.memory_space<vmem>>, vector<1x16xf32>,
      %get3A_416 = vector.shape_cast %get3A_415 : vector<1x16xf32> to vector<16xf32>
      %mul3A_417 = arith.constant 0.699999988 : f32
      %mul3A_418 = vector.broadcast %mul3A_417 : f32 to vector<16xf32>
      %mul3A_419 = arith.mulf %get3A_416, %mul3A_418 : vector<16xf32>
      %add3A_420 = arith.constant 0 : i32
      %add3A_421 = arith.addi %add3A_308, %add3A_420 : i32
      %get3A_422 = arith.index_cast %add3A_421 : i32 to index
      %get3A_423 = arith.constant 64 : index
      %get3A_424 = tpu.vector_load %arg7[%get3A_422, %get3A_423] {strides = array<i32>} : memref<320x128xf32, #tpu.memory_space<vmem>>, vector<1x16xf32>,
      %get3A_425 = vector.shape_cast %get3A_424 : vector<1x16xf32> to vector<16xf32>
      %mul3A_426 = arith.constant 3.000000e-01 : f32
      %mul3A_427 = vector.broadcast %mul3A_426 : f32 to vector<16xf32>
      %mul3A_428 = arith.mulf %get3A_425, %mul3A_427 : vector<16xf32>
      %add3A_429 = arith.addf %mul3A_419, %mul3A_428 : vector<16xf32>
      %add3A_430 = arith.constant 0 : i32
      %add3A_431 = arith.addi %add3A_308, %add3A_430 : i32
      %swap3A_432 = arith.index_cast %add3A_431 : i32 to index
      %swap3A_433 = arith.constant 64 : index
      %swap3A_434 = tpu.vector_load %arg6[%swap3A_432, %swap3A_433] {strides = array<i32>} : memref<320x128xf32, #tpu.memory_space<vmem>>, vector<1x16xf32>,
      %swap3A_435 = vector.shape_cast %swap3A_434 : vector<1x16xf32> to vector<16xf32>
      %swap3A_436 = vector.shape_cast %add3A_429 : vector<16xf32> to vector<1x16xf32>
      tpu.vector_store %arg6[%swap3A_432, %swap3A_433], %swap3A_436 {strides = array<i32>} : memref<320x128xf32, #tpu.memory_space<vmem>>, vector<1x16xf32>,
      %add3A_437 = arith.constant 0 : i32
      %add3A_438 = arith.addi %add3A_308, %add3A_437 : i32
      %get3A_439 = arith.index_cast %add3A_438 : i32 to index
      %get3A_440 = arith.constant 80 : index
      %get3A_441 = tpu.vector_load %arg6[%get3A_439, %get3A_440] {strides = array<i32>} : memref<320x128xf32, #tpu.memory_space<vmem>>, vector<1x16xf32>,
      %get3A_442 = vector.shape_cast %get3A_441 : vector<1x16xf32> to vector<16xf32>
      %mul3A_443 = arith.constant 0.699999988 : f32
      %mul3A_444 = vector.broadcast %mul3A_443 : f32 to vector<16xf32>
      %mul3A_445 = arith.mulf %get3A_442, %mul3A_444 : vector<16xf32>
      %add3A_446 = arith.constant 0 : i32
      %add3A_447 = arith.addi %add3A_308, %add3A_446 : i32
      %get3A_448 = arith.index_cast %add3A_447 : i32 to index
      %get3A_449 = arith.constant 80 : index
      %get3A_450 = tpu.vector_load %arg7[%get3A_448, %get3A_449] {strides = array<i32>} : memref<320x128xf32, #tpu.memory_space<vmem>>, vector<1x16xf32>,
      %get3A_451 = vector.shape_cast %get3A_450 : vector<1x16xf32> to vector<16xf32>
      %mul3A_452 = arith.constant 3.000000e-01 : f32
      %mul3A_453 = vector.broadcast %mul3A_452 : f32 to vector<16xf32>
      %mul3A_454 = arith.mulf %get3A_451, %mul3A_453 : vector<16xf32>
      %add3A_455 = arith.addf %mul3A_445, %mul3A_454 : vector<16xf32>
      %add3A_456 = arith.constant 0 : i32
      %add3A_457 = arith.addi %add3A_308, %add3A_456 : i32
      %swap3A_458 = arith.index_cast %add3A_457 : i32 to index
      %swap3A_459 = arith.constant 80 : index
      %swap3A_460 = tpu.vector_load %arg6[%swap3A_458, %swap3A_459] {strides = array<i32>} : memref<320x128xf32, #tpu.memory_space<vmem>>, vector<1x16xf32>,
      %swap3A_461 = vector.shape_cast %swap3A_460 : vector<1x16xf32> to vector<16xf32>
      %swap3A_462 = vector.shape_cast %add3A_455 : vector<16xf32> to vector<1x16xf32>
      tpu.vector_store %arg6[%swap3A_458, %swap3A_459], %swap3A_462 {strides = array<i32>} : memref<320x128xf32, #tpu.memory_space<vmem>>, vector<1x16xf32>,
      %add3A_463 = arith.constant 0 : i32
      %add3A_464 = arith.addi %add3A_308, %add3A_463 : i32
      %get3A_465 = arith.index_cast %add3A_464 : i32 to index
      %get3A_466 = arith.constant 96 : index
      %get3A_467 = tpu.vector_load %arg6[%get3A_465, %get3A_466] {strides = array<i32>} : memref<320x128xf32, #tpu.memory_space<vmem>>, vector<1x16xf32>,
      %get3A_468 = vector.shape_cast %get3A_467 : vector<1x16xf32> to vector<16xf32>
      %mul3A_469 = arith.constant 0.699999988 : f32
      %mul3A_470 = vector.broadcast %mul3A_469 : f32 to vector<16xf32>
      %mul3A_471 = arith.mulf %get3A_468, %mul3A_470 : vector<16xf32>
      %add3A_472 = arith.constant 0 : i32
      %add3A_473 = arith.addi %add3A_308, %add3A_472 : i32
      %get3A_474 = arith.index_cast %add3A_473 : i32 to index
      %get3A_475 = arith.constant 96 : index
      %get3A_476 = tpu.vector_load %arg7[%get3A_474, %get3A_475] {strides = array<i32>} : memref<320x128xf32, #tpu.memory_space<vmem>>, vector<1x16xf32>,
      %get3A_477 = vector.shape_cast %get3A_476 : vector<1x16xf32> to vector<16xf32>
      %mul3A_478 = arith.constant 3.000000e-01 : f32
      %mul3A_479 = vector.broadcast %mul3A_478 : f32 to vector<16xf32>
      %mul3A_480 = arith.mulf %get3A_477, %mul3A_479 : vector<16xf32>
      %add3A_481 = arith.addf %mul3A_471, %mul3A_480 : vector<16xf32>
      %add3A_482 = arith.constant 0 : i32
      %add3A_483 = arith.addi %add3A_308, %add3A_482 : i32
      %swap3A_484 = arith.index_cast %add3A_483 : i32 to index
      %swap3A_485 = arith.constant 96 : index
      %swap3A_486 = tpu.vector_load %arg6[%swap3A_484, %swap3A_485] {strides = array<i32>} : memref<320x128xf32, #tpu.memory_space<vmem>>, vector<1x16xf32>,
      %swap3A_487 = vector.shape_cast %swap3A_486 : vector<1x16xf32> to vector<16xf32>
      %swap3A_488 = vector.shape_cast %add3A_481 : vector<16xf32> to vector<1x16xf32>
      tpu.vector_store %arg6[%swap3A_484, %swap3A_485], %swap3A_488 {strides = array<i32>} : memref<320x128xf32, #tpu.memory_space<vmem>>, vector<1x16xf32>,
      %add3A_489 = arith.constant 0 : i32
      %add3A_490 = arith.addi %add3A_308, %add3A_489 : i32
      %get3A_491 = arith.index_cast %add3A_490 : i32 to index
      %get3A_492 = arith.constant 112 : index
      %get3A_493 = tpu.vector_load %arg6[%get3A_491, %get3A_492] {strides = array<i32>} : memref<320x128xf32, #tpu.memory_space<vmem>>, vector<1x16xf32>,
      %get3A_494 = vector.shape_cast %get3A_493 : vector<1x16xf32> to vector<16xf32>
      %mul3A_495 = arith.constant 0.699999988 : f32
      %mul3A_496 = vector.broadcast %mul3A_495 : f32 to vector<16xf32>
      %mul3A_497 = arith.mulf %get3A_494, %mul3A_496 : vector<16xf32>
      %add3A_498 = arith.constant 0 : i32
      %add3A_499 = arith.addi %add3A_308, %add3A_498 : i32
      %get3A_500 = arith.index_cast %add3A_499 : i32 to index
      %get3A_501 = arith.constant 112 : index
      %get3A_502 = tpu.vector_load %arg7[%get3A_500, %get3A_501] {strides = array<i32>} : memref<320x128xf32, #tpu.memory_space<vmem>>, vector<1x16xf32>,
      %get3A_503 = vector.shape_cast %get3A_502 : vector<1x16xf32> to vector<16xf32>
      %mul3A_504 = arith.constant 3.000000e-01 : f32
      %mul3A_505 = vector.broadcast %mul3A_504 : f32 to vector<16xf32>
      %mul3A_506 = arith.mulf %get3A_503, %mul3A_505 : vector<16xf32>
      %add3A_507 = arith.addf %mul3A_497, %mul3A_506 : vector<16xf32>
      %add3A_508 = arith.constant 0 : i32
      %add3A_509 = arith.addi %add3A_308, %add3A_508 : i32
      %swap3A_510 = arith.index_cast %add3A_509 : i32 to index
      %swap3A_511 = arith.constant 112 : index
      %swap3A_512 = tpu.vector_load %arg6[%swap3A_510, %swap3A_511] {strides = array<i32>} : memref<320x128xf32, #tpu.memory_space<vmem>>, vector<1x16xf32>,
      %swap3A_513 = vector.shape_cast %swap3A_512 : vector<1x16xf32> to vector<16xf32>
      %swap3A_514 = vector.shape_cast %add3A_507 : vector<16xf32> to vector<1x16xf32>
      tpu.vector_store %arg6[%swap3A_510, %swap3A_511], %swap3A_514 {strides = array<i32>} : memref<320x128xf32, #tpu.memory_space<vmem>>, vector<1x16xf32>,
      %add3A_515 = arith.constant 1 : i32
      %add3A_516 = arith.addi %add3A_308, %add3A_515 : i32
      %get3A_517 = arith.index_cast %add3A_516 : i32 to index
      %get3A_518 = arith.constant 0 : index
      %get3A_519 = tpu.vector_load %arg6[%get3A_517, %get3A_518] {strides = array<i32>} : memref<320x128xf32, #tpu.memory_space<vmem>>, vector<1x16xf32>,
      %get3A_520 = vector.shape_cast %get3A_519 : vector<1x16xf32> to vector<16xf32>
      %mul3A_521 = arith.constant 0.699999988 : f32
      %mul3A_522 = vector.broadcast %mul3A_521 : f32 to vector<16xf32>
      %mul3A_523 = arith.mulf %get3A_520, %mul3A_522 : vector<16xf32>
      %add3A_524 = arith.constant 1 : i32
      %add3A_525 = arith.addi %add3A_308, %add3A_524 : i32
      %get3A_526 = arith.index_cast %add3A_525 : i32 to index
      %get3A_527 = arith.constant 0 : index
      %get3A_528 = tpu.vector_load %arg7[%get3A_526, %get3A_527] {strides = array<i32>} : memref<320x128xf32, #tpu.memory_space<vmem>>, vector<1x16xf32>,
      %get3A_529 = vector.shape_cast %get3A_528 : vector<1x16xf32> to vector<16xf32>
      %mul3A_530 = arith.constant 3.000000e-01 : f32
      %mul3A_531 = vector.broadcast %mul3A_530 : f32 to vector<16xf32>
      %mul3A_532 = arith.mulf %get3A_529, %mul3A_531 : vector<16xf32>
      %add3A_533 = arith.addf %mul3A_523, %mul3A_532 : vector<16xf32>
      %add3A_534 = arith.constant 1 : i32
      %add3A_535 = arith.addi %add3A_308, %add3A_534 : i32
      %swap3A_536 = arith.index_cast %add3A_535 : i32 to index
      %swap3A_537 = arith.constant 0 : index
      %swap3A_538 = tpu.vector_load %arg6[%swap3A_536, %swap3A_537] {strides = array<i32>} : memref<320x128xf32, #tpu.memory_space<vmem>>, vector<1x16xf32>,
      %swap3A_539 = vector.shape_cast %swap3A_538 : vector<1x16xf32> to vector<16xf32>
      %swap3A_540 = vector.shape_cast %add3A_533 : vector<16xf32> to vector<1x16xf32>
      tpu.vector_store %arg6[%swap3A_536, %swap3A_537], %swap3A_540 {strides = array<i32>} : memref<320x128xf32, #tpu.memory_space<vmem>>, vector<1x16xf32>,
      %add3A_541 = arith.constant 1 : i32
      %add3A_542 = arith.addi %add3A_308, %add3A_541 : i32
      %get3A_543 = arith.index_cast %add3A_542 : i32 to index
      %get3A_544 = arith.constant 16 : index
      %get3A_545 = tpu.vector_load %arg6[%get3A_543, %get3A_544] {strides = array<i32>} : memref<320x128xf32, #tpu.memory_space<vmem>>, vector<1x16xf32>,
      %get3A_546 = vector.shape_cast %get3A_545 : vector<1x16xf32> to vector<16xf32>
      %mul3A_547 = arith.constant 0.699999988 : f32
      %mul3A_548 = vector.broadcast %mul3A_547 : f32 to vector<16xf32>
      %mul3A_549 = arith.mulf %get3A_546, %mul3A_548 : vector<16xf32>
      %add3A_550 = arith.constant 1 : i32
      %add3A_551 = arith.addi %add3A_308, %add3A_550 : i32
      %get3A_552 = arith.index_cast %add3A_551 : i32 to index
      %get3A_553 = arith.constant 16 : index
      %get3A_554 = tpu.vector_load %arg7[%get3A_552, %get3A_553] {strides = array<i32>} : memref<320x128xf32, #tpu.memory_space<vmem>>, vector<1x16xf32>,
      %get3A_555 = vector.shape_cast %get3A_554 : vector<1x16xf32> to vector<16xf32>
      %mul3A_556 = arith.constant 3.000000e-01 : f32
      %mul3A_557 = vector.broadcast %mul3A_556 : f32 to vector<16xf32>
      %mul3A_558 = arith.mulf %get3A_555, %mul3A_557 : vector<16xf32>
      %add3A_559 = arith.addf %mul3A_549, %mul3A_558 : vector<16xf32>
      %add3A_560 = arith.constant 1 : i32
      %add3A_561 = arith.addi %add3A_308, %add3A_560 : i32
      %swap3A_562 = arith.index_cast %add3A_561 : i32 to index
      %swap3A_563 = arith.constant 16 : index
      %swap3A_564 = tpu.vector_load %arg6[%swap3A_562, %swap3A_563] {strides = array<i32>} : memref<320x128xf32, #tpu.memory_space<vmem>>, vector<1x16xf32>,
      %swap3A_565 = vector.shape_cast %swap3A_564 : vector<1x16xf32> to vector<16xf32>
      %swap3A_566 = vector.shape_cast %add3A_559 : vector<16xf32> to vector<1x16xf32>
      tpu.vector_store %arg6[%swap3A_562, %swap3A_563], %swap3A_566 {strides = array<i32>} : memref<320x128xf32, #tpu.memory_space<vmem>>, vector<1x16xf32>,
      %add3A_567 = arith.constant 1 : i32
      %add3A_568 = arith.addi %add3A_308, %add3A_567 : i32
      %get3A_569 = arith.index_cast %add3A_568 : i32 to index
      %get3A_570 = arith.constant 32 : index
      %get3A_571 = tpu.vector_load %arg6[%get3A_569, %get3A_570] {strides = array<i32>} : memref<320x128xf32, #tpu.memory_space<vmem>>, vector<1x16xf32>,
      %get3A_572 = vector.shape_cast %get3A_571 : vector<1x16xf32> to vector<16xf32>
      %mul3A_573 = arith.constant 0.699999988 : f32
      %mul3A_574 = vector.broadcast %mul3A_573 : f32 to vector<16xf32>
      %mul3A_575 = arith.mulf %get3A_572, %mul3A_574 : vector<16xf32>
      %add3A_576 = arith.constant 1 : i32
      %add3A_577 = arith.addi %add3A_308, %add3A_576 : i32
      %get3A_578 = arith.index_cast %add3A_577 : i32 to index
      %get3A_579 = arith.constant 32 : index
      %get3A_580 = tpu.vector_load %arg7[%get3A_578, %get3A_579] {strides = array<i32>} : memref<320x128xf32, #tpu.memory_space<vmem>>, vector<1x16xf32>,
      %get3A_581 = vector.shape_cast %get3A_580 : vector<1x16xf32> to vector<16xf32>
      %mul3A_582 = arith.constant 3.000000e-01 : f32
      %mul3A_583 = vector.broadcast %mul3A_582 : f32 to vector<16xf32>
      %mul3A_584 = arith.mulf %get3A_581, %mul3A_583 : vector<16xf32>
      %add3A_585 = arith.addf %mul3A_575, %mul3A_584 : vector<16xf32>
      %add3A_586 = arith.constant 1 : i32
      %add3A_587 = arith.addi %add3A_308, %add3A_586 : i32
      %swap3A_588 = arith.index_cast %add3A_587 : i32 to index
      %swap3A_589 = arith.constant 32 : index
      %swap3A_590 = tpu.vector_load %arg6[%swap3A_588, %swap3A_589] {strides = array<i32>} : memref<320x128xf32, #tpu.memory_space<vmem>>, vector<1x16xf32>,
      %swap3A_591 = vector.shape_cast %swap3A_590 : vector<1x16xf32> to vector<16xf32>
      %swap3A_592 = vector.shape_cast %add3A_585 : vector<16xf32> to vector<1x16xf32>
      tpu.vector_store %arg6[%swap3A_588, %swap3A_589], %swap3A_592 {strides = array<i32>} : memref<320x128xf32, #tpu.memory_space<vmem>>, vector<1x16xf32>,
      %add3A_593 = arith.constant 1 : i32
      %add3A_594 = arith.addi %add3A_308, %add3A_593 : i32
      %get3A_595 = arith.index_cast %add3A_594 : i32 to index
      %get3A_596 = arith.constant 48 : index
      %get3A_597 = tpu.vector_load %arg6[%get3A_595, %get3A_596] {strides = array<i32>} : memref<320x128xf32, #tpu.memory_space<vmem>>, vector<1x16xf32>,
      %get3A_598 = vector.shape_cast %get3A_597 : vector<1x16xf32> to vector<16xf32>
      %mul3A_599 = arith.constant 0.699999988 : f32
      %mul3A_600 = vector.broadcast %mul3A_599 : f32 to vector<16xf32>
      %mul3A_601 = arith.mulf %get3A_598, %mul3A_600 : vector<16xf32>
      %add3A_602 = arith.constant 1 : i32
      %add3A_603 = arith.addi %add3A_308, %add3A_602 : i32
      %get3A_604 = arith.index_cast %add3A_603 : i32 to index
      %get3A_605 = arith.constant 48 : index
      %get3A_606 = tpu.vector_load %arg7[%get3A_604, %get3A_605] {strides = array<i32>} : memref<320x128xf32, #tpu.memory_space<vmem>>, vector<1x16xf32>,
      %get3A_607 = vector.shape_cast %get3A_606 : vector<1x16xf32> to vector<16xf32>
      %mul3A_608 = arith.constant 3.000000e-01 : f32
      %mul3A_609 = vector.broadcast %mul3A_608 : f32 to vector<16xf32>
      %mul3A_610 = arith.mulf %get3A_607, %mul3A_609 : vector<16xf32>
      %add3A_611 = arith.addf %mul3A_601, %mul3A_610 : vector<16xf32>
      %add3A_612 = arith.constant 1 : i32
      %add3A_613 = arith.addi %add3A_308, %add3A_612 : i32
      %swap3A_614 = arith.index_cast %add3A_613 : i32 to index
      %swap3A_615 = arith.constant 48 : index
      %swap3A_616 = tpu.vector_load %arg6[%swap3A_614, %swap3A_615] {strides = array<i32>} : memref<320x128xf32, #tpu.memory_space<vmem>>, vector<1x16xf32>,
      %swap3A_617 = vector.shape_cast %swap3A_616 : vector<1x16xf32> to vector<16xf32>
      %swap3A_618 = vector.shape_cast %add3A_611 : vector<16xf32> to vector<1x16xf32>
      tpu.vector_store %arg6[%swap3A_614, %swap3A_615], %swap3A_618 {strides = array<i32>} : memref<320x128xf32, #tpu.memory_space<vmem>>, vector<1x16xf32>,
      %add3A_619 = arith.constant 1 : i32
      %add3A_620 = arith.addi %add3A_308, %add3A_619 : i32
      %get3A_621 = arith.index_cast %add3A_620 : i32 to index
      %get3A_622 = arith.constant 64 : index
      %get3A_623 = tpu.vector_load %arg6[%get3A_621, %get3A_622] {strides = array<i32>} : memref<320x128xf32, #tpu.memory_space<vmem>>, vector<1x16xf32>,
      %get3A_624 = vector.shape_cast %get3A_623 : vector<1x16xf32> to vector<16xf32>
      %mul3A_625 = arith.constant 0.699999988 : f32
      %mul3A_626 = vector.broadcast %mul3A_625 : f32 to vector<16xf32>
      %mul3A_627 = arith.mulf %get3A_624, %mul3A_626 : vector<16xf32>
      %add3A_628 = arith.constant 1 : i32
      %add3A_629 = arith.addi %add3A_308, %add3A_628 : i32
      %get3A_630 = arith.index_cast %add3A_629 : i32 to index
      %get3A_631 = arith.constant 64 : index
      %get3A_632 = tpu.vector_load %arg7[%get3A_630, %get3A_631] {strides = array<i32>} : memref<320x128xf32, #tpu.memory_space<vmem>>, vector<1x16xf32>,
      %get3A_633 = vector.shape_cast %get3A_632 : vector<1x16xf32> to vector<16xf32>
      %mul3A_634 = arith.constant 3.000000e-01 : f32
      %mul3A_635 = vector.broadcast %mul3A_634 : f32 to vector<16xf32>
      %mul3A_636 = arith.mulf %get3A_633, %mul3A_635 : vector<16xf32>
      %add3A_637 = arith.addf %mul3A_627, %mul3A_636 : vector<16xf32>
      %add3A_638 = arith.constant 1 : i32
      %add3A_639 = arith.addi %add3A_308, %add3A_638 : i32
      %swap3A_640 = arith.index_cast %add3A_639 : i32 to index
      %swap3A_641 = arith.constant 64 : index
      %swap3A_642 = tpu.vector_load %arg6[%swap3A_640, %swap3A_641] {strides = array<i32>} : memref<320x128xf32, #tpu.memory_space<vmem>>, vector<1x16xf32>,
      %swap3A_643 = vector.shape_cast %swap3A_642 : vector<1x16xf32> to vector<16xf32>
      %swap3A_644 = vector.shape_cast %add3A_637 : vector<16xf32> to vector<1x16xf32>
      tpu.vector_store %arg6[%swap3A_640, %swap3A_641], %swap3A_644 {strides = array<i32>} : memref<320x128xf32, #tpu.memory_space<vmem>>, vector<1x16xf32>,
      %add3A_645 = arith.constant 1 : i32
      %add3A_646 = arith.addi %add3A_308, %add3A_645 : i32
      %get3A_647 = arith.index_cast %add3A_646 : i32 to index
      %get3A_648 = arith.constant 80 : index
      %get3A_649 = tpu.vector_load %arg6[%get3A_647, %get3A_648] {strides = array<i32>} : memref<320x128xf32, #tpu.memory_space<vmem>>, vector<1x16xf32>,
      %get3A_650 = vector.shape_cast %get3A_649 : vector<1x16xf32> to vector<16xf32>
      %mul3A_651 = arith.constant 0.699999988 : f32
      %mul3A_652 = vector.broadcast %mul3A_651 : f32 to vector<16xf32>
      %mul3A_653 = arith.mulf %get3A_650, %mul3A_652 : vector<16xf32>
      %add3A_654 = arith.constant 1 : i32
      %add3A_655 = arith.addi %add3A_308, %add3A_654 : i32
      %get3A_656 = arith.index_cast %add3A_655 : i32 to index
      %get3A_657 = arith.constant 80 : index
      %get3A_658 = tpu.vector_load %arg7[%get3A_656, %get3A_657] {strides = array<i32>} : memref<320x128xf32, #tpu.memory_space<vmem>>, vector<1x16xf32>,
      %get3A_659 = vector.shape_cast %get3A_658 : vector<1x16xf32> to vector<16xf32>
      %mul3A_660 = arith.constant 3.000000e-01 : f32
      %mul3A_661 = vector.broadcast %mul3A_660 : f32 to vector<16xf32>
      %mul3A_662 = arith.mulf %get3A_659, %mul3A_661 : vector<16xf32>
      %add3A_663 = arith.addf %mul3A_653, %mul3A_662 : vector<16xf32>
      %add3A_664 = arith.constant 1 : i32
      %add3A_665 = arith.addi %add3A_308, %add3A_664 : i32
      %swap3A_666 = arith.index_cast %add3A_665 : i32 to index
      %swap3A_667 = arith.constant 80 : index
      %swap3A_668 = tpu.vector_load %arg6[%swap3A_666, %swap3A_667] {strides = array<i32>} : memref<320x128xf32, #tpu.memory_space<vmem>>, vector<1x16xf32>,
      %swap3A_669 = vector.shape_cast %swap3A_668 : vector<1x16xf32> to vector<16xf32>
      %swap3A_670 = vector.shape_cast %add3A_663 : vector<16xf32> to vector<1x16xf32>
      tpu.vector_store %arg6[%swap3A_666, %swap3A_667], %swap3A_670 {strides = array<i32>} : memref<320x128xf32, #tpu.memory_space<vmem>>, vector<1x16xf32>,
      %add3A_671 = arith.constant 1 : i32
      %add3A_672 = arith.addi %add3A_308, %add3A_671 : i32
      %get3A_673 = arith.index_cast %add3A_672 : i32 to index
      %get3A_674 = arith.constant 96 : index
      %get3A_675 = tpu.vector_load %arg6[%get3A_673, %get3A_674] {strides = array<i32>} : memref<320x128xf32, #tpu.memory_space<vmem>>, vector<1x16xf32>,
      %get3A_676 = vector.shape_cast %get3A_675 : vector<1x16xf32> to vector<16xf32>
      %mul3A_677 = arith.constant 0.699999988 : f32
      %mul3A_678 = vector.broadcast %mul3A_677 : f32 to vector<16xf32>
      %mul3A_679 = arith.mulf %get3A_676, %mul3A_678 : vector<16xf32>
      %add3A_680 = arith.constant 1 : i32
      %add3A_681 = arith.addi %add3A_308, %add3A_680 : i32
      %get3A_682 = arith.index_cast %add3A_681 : i32 to index
      %get3A_683 = arith.constant 96 : index
      %get3A_684 = tpu.vector_load %arg7[%get3A_682, %get3A_683] {strides = array<i32>} : memref<320x128xf32, #tpu.memory_space<vmem>>, vector<1x16xf32>,
      %get3A_685 = vector.shape_cast %get3A_684 : vector<1x16xf32> to vector<16xf32>
      %mul3A_686 = arith.constant 3.000000e-01 : f32
      %mul3A_687 = vector.broadcast %mul3A_686 : f32 to vector<16xf32>
      %mul3A_688 = arith.mulf %get3A_685, %mul3A_687 : vector<16xf32>
      %add3A_689 = arith.addf %mul3A_679, %mul3A_688 : vector<16xf32>
      %add3A_690 = arith.constant 1 : i32
      %add3A_691 = arith.addi %add3A_308, %add3A_690 : i32
      %swap3A_692 = arith.index_cast %add3A_691 : i32 to index
      %swap3A_693 = arith.constant 96 : index
      %swap3A_694 = tpu.vector_load %arg6[%swap3A_692, %swap3A_693] {strides = array<i32>} : memref<320x128xf32, #tpu.memory_space<vmem>>, vector<1x16xf32>,
      %swap3A_695 = vector.shape_cast %swap3A_694 : vector<1x16xf32> to vector<16xf32>
      %swap3A_696 = vector.shape_cast %add3A_689 : vector<16xf32> to vector<1x16xf32>
      tpu.vector_store %arg6[%swap3A_692, %swap3A_693], %swap3A_696 {strides = array<i32>} : memref<320x128xf32, #tpu.memory_space<vmem>>, vector<1x16xf32>,
      %add3A_697 = arith.constant 1 : i32
      %add3A_698 = arith.addi %add3A_308, %add3A_697 : i32
      %get3A_699 = arith.index_cast %add3A_698 : i32 to index
      %get3A_700 = arith.constant 112 : index
      %get3A_701 = tpu.vector_load %arg6[%get3A_699, %get3A_700] {strides = array<i32>} : memref<320x128xf32, #tpu.memory_space<vmem>>, vector<1x16xf32>,
      %get3A_702 = vector.shape_cast %get3A_701 : vector<1x16xf32> to vector<16xf32>
      %mul3A_703 = arith.constant 0.699999988 : f32
      %mul3A_704 = vector.broadcast %mul3A_703 : f32 to vector<16xf32>
      %mul3A_705 = arith.mulf %get3A_702, %mul3A_704 : vector<16xf32>
      %add3A_706 = arith.constant 1 : i32
      %add3A_707 = arith.addi %add3A_308, %add3A_706 : i32
      %get3A_708 = arith.index_cast %add3A_707 : i32 to index
      %get3A_709 = arith.constant 112 : index
      %get3A_710 = tpu.vector_load %arg7[%get3A_708, %get3A_709] {strides = array<i32>} : memref<320x128xf32, #tpu.memory_space<vmem>>, vector<1x16xf32>,
      %get3A_711 = vector.shape_cast %get3A_710 : vector<1x16xf32> to vector<16xf32>
      %mul3A_712 = arith.constant 3.000000e-01 : f32
      %mul3A_713 = vector.broadcast %mul3A_712 : f32 to vector<16xf32>
      %mul3A_714 = arith.mulf %get3A_711, %mul3A_713 : vector<16xf32>
      %add3A_715 = arith.addf %mul3A_705, %mul3A_714 : vector<16xf32>
      %add3A_716 = arith.constant 1 : i32
      %add3A_717 = arith.addi %add3A_308, %add3A_716 : i32
      %swap3A_718 = arith.index_cast %add3A_717 : i32 to index
      %swap3A_719 = arith.constant 112 : index
      %swap3A_720 = tpu.vector_load %arg6[%swap3A_718, %swap3A_719] {strides = array<i32>} : memref<320x128xf32, #tpu.memory_space<vmem>>, vector<1x16xf32>,
      %swap3A_721 = vector.shape_cast %swap3A_720 : vector<1x16xf32> to vector<16xf32>
      %swap3A_722 = vector.shape_cast %add3A_715 : vector<16xf32> to vector<1x16xf32>
      tpu.vector_store %arg6[%swap3A_718, %swap3A_719], %swap3A_722 {strides = array<i32>} : memref<320x128xf32, #tpu.memory_space<vmem>>, vector<1x16xf32>,
    }
    %scan3A_251 = arith.constant 40 : i32
    %add3A_252 = arith.constant 240 : i32
    %add3A_253 = arith.addi %mul3A_44, %add3A_252 : i32
    %dma_start3A_254 = arith.constant 240 : i32
    %dma_start3A_255 = arith.constant 0 : i32
    %dma_start3A_256 = tpu.memref_slice %arg6[%dma_start3A_254, %dma_start3A_255] : memref<320x128xf32, #tpu.memory_space<vmem>> -> memref<80x128xf32, #tpu.memory_space<vmem>>
    %dma_start3A_257 = arith.constant 0 : i32
    %dma_start3A_258 = tpu.memref_slice %arg4[%add3A_253, %dma_start3A_257] : memref<10000x128xf32, #tpu.memory_space<hbm>> -> memref<80x128xf32, #tpu.memory_space<hbm>>
    %dma_start3A_259 = arith.constant 0 : i32
    %dma_start3A_260 = tpu.memref_slice %arg4[%add3A_253, %dma_start3A_259] : memref<10000x128xf32, #tpu.memory_space<hbm>> -> memref<80x128xf32, #tpu.memory_space<hbm>>
    %dma_start3A_261 = arith.constant 240 : i32
    %dma_start3A_262 = arith.constant 0 : i32
    %dma_start3A_263 = tpu.memref_slice %arg6[%dma_start3A_261, %dma_start3A_262] : memref<320x128xf32, #tpu.memory_space<vmem>> -> memref<80x128xf32, #tpu.memory_space<vmem>>
    tpu.enqueue_dma source(%dma_start3A_263 : memref<80x128xf32, #tpu.memory_space<vmem>>) target(%dma_start3A_260 : memref<80x128xf32, #tpu.memory_space<hbm>>) target_semaphore(%arg12 : memref<!tpu.dma_semaphore, #tpu.memory_space<semaphore_mem>>)
    %dma_wait3A_264 = arith.constant 0 : i32
    %dma_wait3A_265 = arith.constant 0 : i32
    %dma_wait3A_266 = tpu.memref_slice %arg6[%dma_wait3A_264, %dma_wait3A_265] : memref<320x128xf32, #tpu.memory_space<vmem>> -> memref<80x128xf32, #tpu.memory_space<vmem>>
    %dma_wait3A_267 = arith.constant 0 : i32
    %dma_wait3A_268 = tpu.memref_slice %arg4[%add3A_145, %dma_wait3A_267] : memref<10000x128xf32, #tpu.memory_space<hbm>> -> memref<80x128xf32, #tpu.memory_space<hbm>>
    %dma_wait3A_269 = arith.constant 0 : i32
    %dma_wait3A_270 = tpu.memref_slice %arg4[%add3A_145, %dma_wait3A_269] : memref<10000x128xf32, #tpu.memory_space<hbm>> -> memref<80x128xf32, #tpu.memory_space<hbm>>
    %dma_wait3A_271 = arith.constant 0 : i32
    %dma_wait3A_272 = arith.constant 0 : i32
    %dma_wait3A_273 = tpu.memref_slice %arg6[%dma_wait3A_271, %dma_wait3A_272] : memref<320x128xf32, #tpu.memory_space<vmem>> -> memref<80x128xf32, #tpu.memory_space<vmem>>
    tpu.wait_dma2 semaphore(%arg12 : memref<!tpu.dma_semaphore, #tpu.memory_space<semaphore_mem>>) src(%dma_wait3A_273 : memref<80x128xf32, #tpu.memory_space<vmem>>) dst(%dma_wait3A_270 : memref<80x128xf32, #tpu.memory_space<hbm>>)
    %dma_wait3A_274 = arith.constant 80 : i32
    %dma_wait3A_275 = arith.constant 0 : i32
    %dma_wait3A_276 = tpu.memref_slice %arg6[%dma_wait3A_274, %dma_wait3A_275] : memref<320x128xf32, #tpu.memory_space<vmem>> -> memref<80x128xf32, #tpu.memory_space<vmem>>
    %dma_wait3A_277 = arith.constant 0 : i32
    %dma_wait3A_278 = tpu.memref_slice %arg4[%add3A_181, %dma_wait3A_277] : memref<10000x128xf32, #tpu.memory_space<hbm>> -> memref<80x128xf32, #tpu.memory_space<hbm>>
    %dma_wait3A_279 = arith.constant 0 : i32
    %dma_wait3A_280 = tpu.memref_slice %arg4[%add3A_181, %dma_wait3A_279] : memref<10000x128xf32, #tpu.memory_space<hbm>> -> memref<80x128xf32, #tpu.memory_space<hbm>>
    %dma_wait3A_281 = arith.constant 80 : i32
    %dma_wait3A_282 = arith.constant 0 : i32
    %dma_wait3A_283 = tpu.memref_slice %arg6[%dma_wait3A_281, %dma_wait3A_282] : memref<320x128xf32, #tpu.memory_space<vmem>> -> memref<80x128xf32, #tpu.memory_space<vmem>>
    tpu.wait_dma2 semaphore(%arg12 : memref<!tpu.dma_semaphore, #tpu.memory_space<semaphore_mem>>) src(%dma_wait3A_283 : memref<80x128xf32, #tpu.memory_space<vmem>>) dst(%dma_wait3A_280 : memref<80x128xf32, #tpu.memory_space<hbm>>)
    %dma_wait3A_284 = arith.constant 160 : i32
    %dma_wait3A_285 = arith.constant 0 : i32
    %dma_wait3A_286 = tpu.memref_slice %arg6[%dma_wait3A_284, %dma_wait3A_285] : memref<320x128xf32, #tpu.memory_space<vmem>> -> memref<80x128xf32, #tpu.memory_space<vmem>>
    %dma_wait3A_287 = arith.constant 0 : i32
    %dma_wait3A_288 = tpu.memref_slice %arg4[%add3A_217, %dma_wait3A_287] : memref<10000x128xf32, #tpu.memory_space<hbm>> -> memref<80x128xf32, #tpu.memory_space<hbm>>
    %dma_wait3A_289 = arith.constant 0 : i32
    %dma_wait3A_290 = tpu.memref_slice %arg4[%add3A_217, %dma_wait3A_289] : memref<10000x128xf32, #tpu.memory_space<hbm>> -> memref<80x128xf32, #tpu.memory_space<hbm>>
    %dma_wait3A_291 = arith.constant 160 : i32
    %dma_wait3A_292 = arith.constant 0 : i32
    %dma_wait3A_293 = tpu.memref_slice %arg6[%dma_wait3A_291, %dma_wait3A_292] : memref<320x128xf32, #tpu.memory_space<vmem>> -> memref<80x128xf32, #tpu.memory_space<vmem>>
    tpu.wait_dma2 semaphore(%arg12 : memref<!tpu.dma_semaphore, #tpu.memory_space<semaphore_mem>>) src(%dma_wait3A_293 : memref<80x128xf32, #tpu.memory_space<vmem>>) dst(%dma_wait3A_290 : memref<80x128xf32, #tpu.memory_space<hbm>>)
    %dma_wait3A_294 = arith.constant 240 : i32
    %dma_wait3A_295 = arith.constant 0 : i32
    %dma_wait3A_296 = tpu.memref_slice %arg6[%dma_wait3A_294, %dma_wait3A_295] : memref<320x128xf32, #tpu.memory_space<vmem>> -> memref<80x128xf32, #tpu.memory_space<vmem>>
    %dma_wait3A_297 = arith.constant 0 : i32
    %dma_wait3A_298 = tpu.memref_slice %arg4[%add3A_253, %dma_wait3A_297] : memref<10000x128xf32, #tpu.memory_space<hbm>> -> memref<80x128xf32, #tpu.memory_space<hbm>>
    %dma_wait3A_299 = arith.constant 0 : i32
    %dma_wait3A_300 = tpu.memref_slice %arg4[%add3A_253, %dma_wait3A_299] : memref<10000x128xf32, #tpu.memory_space<hbm>> -> memref<80x128xf32, #tpu.memory_space<hbm>>
    %dma_wait3A_301 = arith.constant 240 : i32
    %dma_wait3A_302 = arith.constant 0 : i32
    %dma_wait3A_303 = tpu.memref_slice %arg6[%dma_wait3A_301, %dma_wait3A_302] : memref<320x128xf32, #tpu.memory_space<vmem>> -> memref<80x128xf32, #tpu.memory_space<vmem>>
    tpu.wait_dma2 semaphore(%arg12 : memref<!tpu.dma_semaphore, #tpu.memory_space<semaphore_mem>>) src(%dma_wait3A_303 : memref<80x128xf32, #tpu.memory_space<vmem>>) dst(%dma_wait3A_300 : memref<80x128xf32, #tpu.memory_space<hbm>>)
    return
  }
}

module attributes {stable_mosaic.version = 14 : i64} {
  func.func @_copy_body(%arg0: memref<10000xi32, #tpu.memory_space<vmem>>, %arg1: memref<2x320000xi32, #tpu.memory_space<vmem>>, %arg2: memref<10000xi32, #tpu.memory_space<vmem>>, %arg3: memref<2x320000xi32, #tpu.memory_space<vmem>>) attributes {dimension_semantics = [], scalar_prefetch = 0 : i64, scratch_operands = 0 : i64, tpu.core_type = #tpu.core_type<tc>} {
    %get3A = arith.constant 0 : index
    %get3A_0 = vector.load %arg0[%get3A] : memref<10000xi32, #tpu.memory_space<vmem>>, vector<10000xi32>
    %swap3A = arith.constant 0 : index
    %swap3A_1 = vector.load %arg2[%swap3A] : memref<10000xi32, #tpu.memory_space<vmem>>, vector<10000xi32>
    tpu.vector_store %arg2[%swap3A], %get3A_0 {strides = array<i32>} : memref<10000xi32, #tpu.memory_space<vmem>>, vector<10000xi32>,
    %get3A_2 = arith.constant 0 : index
    %get3A_3 = arith.constant 0 : index
    %get3A_4 = vector.load %arg1[%get3A_2, %get3A_3] : memref<2x320000xi32, #tpu.memory_space<vmem>>, vector<2x320000xi32>
    %swap3A_5 = arith.constant 0 : index
    %swap3A_6 = arith.constant 0 : index
    %swap3A_7 = vector.load %arg3[%swap3A_5, %swap3A_6] : memref<2x320000xi32, #tpu.memory_space<vmem>>, vector<2x320000xi32>
    tpu.vector_store %arg3[%swap3A_5, %swap3A_6], %get3A_4 {strides = array<i32>} : memref<2x320000xi32, #tpu.memory_space<vmem>>, vector<2x320000xi32>,
    return
  }
}

</mosaic_0001>

<sc_bundles>
// kernel: kernel.4.cloned.1.call-start
scs
__scs_entry_jumppad:
0x0: {  	(pc) =	sbr.rel $0x88, $3  }
0x1: {  	(tag) =	ssettag $0x0;
	lr =	simm.s32 $0x1  }
0x2: {  	[smem:$0x3F9D] =	sst lr;
	_ =	strace $0xD0000000  }
0x3: {  	_ = 	snop  }
0x4: {  	_ = 	snop  }
0x5: {  	_ = 	snop  }
0x6: {  	_ = 	snop  }
0x7: {  	_ = 	snop  }
__scs_overlays_trampoline_lowered:
0x8: {  	[smem:$0x3FAC] =	sst s0  }
0x9: {  	[smem:$0x3FAD] =	sst s1  }
0xa: {  	[smem:$0x3FAE] =	sst s2  }
0xb: {  	[smem:$0x3FAF] =	sst s3  }
0xc: {  	[smem:$0x3FB0] =	sst s4  }
0xd: {  	[smem:$0x3FB1] =	sst s5  }
0xe: {  	[smem:$0x3FB2] =	sst s6  }
0xf: {  	[smem:$0x3FB3] =	sst s7  }
0x10: {  	[smem:$0x3FB4] =	sst s8  }
0x11: {  	[smem:$0x3FB5] =	sst s9;
	s0 =	simm.s32 @!p0 $0x0  }
0x12: {  	s1 =	sld [smem:$0x3F9B];
	s0 =	simm.s32 @p0 $0x1  }
0x13: {  	[smem:$0x3FB6] =	sst s0;
	s0 =	simm.s32 @!p1 $0x0  }
0x14: {  	s2 =	sld [smem:$0x3F9A];
	s0 =	simm.s32 @p1 $0x1  }
0x15: {  	[smem:$0x3FB7] =	sst s0;
	s0 =	simm.s32 @!p2 $0x0  }
0x16: {  	s3 =	sld [smem:$0x3FDB];
	s0 =	simm.s32 @p2 $0x1  }
0x17: {  	s4 =	simm.s32 $0x1BF5;
	[smem:$0x3FB9] =	sst s0  }
0x18: {  	s0 =	sld [smem:$0x3F9C];
	_ =	swait.ge [sflag:s4], $0x0  }
0x19: {  	s7 =	sld [smem:$0x3F9D]  }
0x1a: {  	s8 =	sadd.s32 $0xFFFFE003, lr  }
0x1b: {  	s9 =	sadd.s32 $0xFFFFFEF7, lr;
	s5 =	simm.s32 $0xFFFFFFFF;
	p2 =	slt.u32 s8, $0xFFFFF086  }
0x1c: {  	p1 =	slt.u32 s9, $0xF7A;
	s5 =	simm.s32 @!p2 $0x0  }
0x1d: {  	s5 =	simm.s32 @p1 $0x1;
	p0 =	seq.s32 s7, s2  }
0x1e: {  	s7 =	smul.u32 @!p0 $0xF7A, s2;
	p2 =	seq.s32 @!p0 s5, $0x0  }
0x1f: {  	s9 =	smul.u32 $0xF7A, s1;
	s8 =	simm.s32 @!p0 $0x1BF5;
	p2 =	por !p2, p0  }
0x20: {  	[sflag:s8] =	ssyncset.s32 @!p0 $0xFFFFF086;
	s6 =	sadd.s32 @!p0 s3, s7;
	s7 =	simm.s32 @!p0 $0x108  }
0x21: {  	s3 =	sadd.s32 s3, s9;
	s6 =	sadd.s32 @!p0 $0x88, s6;
	s7 =	simm.s32 @p2 $0x1082  }
0x22: {  	[simem:s7], [sflag:s8] =	dma.local @!p0 [hbm:s6], $0xF7A  }
0x23: {  	s9 =	sor.u32 $0xD0000000, s2;
	s6 =	simm.s32 $0x108;
	_ =	swait.ge @!p0 [sflag:s8], $0x0  }
0x24: {  	s3 =	sadd.s32 $0x88, s3;
	s6 =	simm.s32 @!p1 $0x1082;
	[sflag:s4] =	ssyncset.s32 $0xFFFFF086  }
0x25: {  	[simem:s6], [sflag:s4] =	dma.local [hbm:s3], $0xF7A  }
0x26: {  	[smem:$0x3F9D] =	sst s1;
	(tag) =	ssettag s2;
	_ =	strace s9  }
0x27: {  	s1 =	sld [smem:$0x3FAD]  }
0x28: {  	s2 =	sld [smem:$0x3FAE]  }
0x29: {  	s4 =	sld [smem:$0x3FB0]  }
0x2a: {  	p0 =	seq.s32 s5, $0x0;
	s5 =	sld [smem:$0x3FB1]  }
0x2b: {  	s6 =	sld [smem:$0x3FB2]  }
0x2c: {  	s7 =	sld [smem:$0x3FB3]  }
0x2d: {  	s3 =	simm.s32 $0x108;
	s8 =	sld [smem:$0x3FB4]  }
0x2e: {  	s3 =	simm.s32 @!p0 $0x1082;
	s9 =	sld [smem:$0x3FB5]  }
0x2f: {  	lr =	sadd.s32 s0, s3;
	s0 =	sld [smem:$0x3FAC]  }
0x30: {  	s3 =	sld [smem:$0x3FAF]  }
0x31: {  	[smem:$0x3FB8] =	sst s10  }
0x32: {  	s10 =	sld [smem:$0x3FB6];
	_ =	sdelay $0x3  }
0x33: {  	p0 =	seq.s32 s10, $0x1;
	s10 =	sld [smem:$0x3FB8];
	_ =	sdelay $0x3  }
0x34: {  	[smem:$0x3FB8] =	sst s10  }
0x35: {  	s10 =	sld [smem:$0x3FB7];
	_ =	sdelay $0x3  }
0x36: {  	p1 =	seq.s32 s10, $0x1;
	s10 =	sld [smem:$0x3FB8];
	_ =	sdelay $0x3  }
0x37: {  	[smem:$0x3FB8] =	sst s10  }
0x38: {  	s10 =	sld [smem:$0x3FB9]  }
0x39: {  	_ = 	snop;
	(pc) =	sbr.ind lr, $3  }
0x3a: {  	_ = 	snop  }
0x3b: {  	_ = 	snop  }
0x3c: {  	p2 =	seq.s32 s10, $0x1;
	s10 =	sld [smem:$0x3FB8]  }
0x3d: {  	_ =	shalt  }
0x3e: {  	_ =	shalt  }
0x3f: {  	_ =	shalt  }
0x40: {  	_ =	shalt  }
0x41: {  	_ =	shalt  }
0x42: {  	_ =	shalt  }
0x43: {  	_ =	shalt  }
0x44: {  	_ =	shalt  }
0x45: {  	_ =	shalt  }
0x46: {  	_ =	shalt  }
0x47: {  	_ =	shalt  }
0x48: {  	_ =	shalt  }
0x49: {  	_ =	shalt  }
0x4a: {  	_ =	shalt  }
0x4b: {  	_ =	shalt  }
0x4c: {  	_ =	shalt  }
0x4d: {  	_ =	shalt  }
0x4e: {  	_ =	shalt  }
0x4f: {  	_ =	shalt  }
0x50: {  	_ =	shalt  }
0x51: {  	_ =	shalt  }
0x52: {  	_ =	shalt  }
0x53: {  	_ =	shalt  }
0x54: {  	_ =	shalt  }
0x55: {  	_ =	shalt  }
0x56: {  	_ =	shalt  }
0x57: {  	_ =	shalt  }
0x58: {  	_ =	shalt  }
0x59: {  	_ =	shalt  }
0x5a: {  	_ =	shalt  }
0x5b: {  	_ =	shalt  }
0x5c: {  	_ =	shalt  }
0x5d: {  	_ =	shalt  }
0x5e: {  	_ =	shalt  }
0x5f: {  	_ =	shalt  }
0x60: {  	_ =	shalt  }
0x61: {  	_ =	shalt  }
0x62: {  	_ =	shalt  }
0x63: {  	_ =	shalt  }
0x64: {  	_ =	shalt  }
0x65: {  	_ =	shalt  }
0x66: {  	_ =	shalt  }
0x67: {  	_ =	shalt  }
0x68: {  	_ =	shalt  }
0x69: {  	_ =	shalt  }
0x6a: {  	_ =	shalt  }
0x6b: {  	_ =	shalt  }
0x6c: {  	_ =	shalt  }
0x6d: {  	_ =	shalt  }
0x6e: {  	_ =	shalt  }
0x6f: {  	_ =	shalt  }
0x70: {  	_ =	shalt  }
0x71: {  	_ =	shalt  }
0x72: {  	_ =	shalt  }
0x73: {  	_ =	shalt  }
0x74: {  	_ =	shalt  }
0x75: {  	_ =	shalt  }
0x76: {  	_ =	shalt  }
0x77: {  	_ =	shalt  }
0x78: {  	_ =	shalt  }
0x79: {  	_ =	shalt  }
0x7a: {  	_ =	shalt  }
0x7b: {  	_ =	shalt  }
0x7c: {  	_ =	shalt  }
0x7d: {  	_ =	shalt  }
0x7e: {  	_ =	shalt  }
0x7f: {  	_ =	shalt  }
0x80: {  	_ =	shalt  }
0x81: {  	_ =	shalt  }
0x82: {  	_ =	shalt  }
0x83: {  	_ =	shalt  }
0x84: {  	_ =	shalt  }
0x85: {  	_ =	shalt  }
0x86: {  	_ =	shalt  }
0x87: {  	_ =	shalt  }
.Lfunc_end0:
.L_simem_size_0:
called_computation_lowered:
.L_overlay_start_0:
0x88: {  	s2 =	sld [smem:$0x3FD9]  }
0x89: {  	s3 =	sld [smem:$0x3FFE];
	_ =	sdelay $0x1  }
0x8a: {  	s1 =	srdreg.scid  }
0x8b: {  	s0 =	sand.u32 $0x1, s1  }
0x8c: {  	s15 =	sshll.u32 s0, $0xA;
	s2 =	sadd.s32 s3, s2  }
0x8d: {  	s2 =	sadd.s32 s2, s15  }
0x8e: {  	[smem:$0x3FC4] =	sst s2  }
0x8f: {  	_ = 	snop  }
0x90: {  	s2 =	sld [smem:$0x3FD0];
	_ =	sdelay $0x1  }
0x91: {  	s16 =	sld [smem:$0x3FC9]  }
0x92: {  	s5 =	simm.s32 $0xA;
	s6 =	simm.s32 $0x10;
	s4 =	sld [smem:$0x3FC6]  }
0x93: {  	[smem:s6], [sflag:s5] =	dma.local [hbm:s2], $0x1  }
0x94: {  	_ =	swait.eq [sflag:s5], $0x1  }
0x95: {  	[sflag:s5] =	ssyncset.done $0x0  }
0x96: {  	[sflag:s5] =	ssyncadd.s32 $0xFFFFFFFF  }
0x97: {  	s17 =	sld [smem:$0x10];
	(tm) =	ssettm $0x1  }
0x98: {  	s18 =	sld [smem:$0x3FFB];
	_ =	sdelay $0x3  }
0x99: {  	_ =	strace s18  }
0x9a: {  	s5 =	sld [smem:$0x3FFC];
	_ =	sdelay $0x3  }
0x9b: {  	_ =	strace s5  }
0x9c: {  	s5 =	sld [smem:$0x3FFD];
	_ =	sdelay $0x3  }
0x9d: {  	_ =	strace s5  }
0x9e: {  	_ =	strace $0x8FFFFFFF  }
0x9f: {  	s19 =	sld [smem:$0x3FDB];
	_ =	sdelay $0x1  }
0xa0: {  	s20 =	simm.s32 $_scs_section_size  }
0xa1: {  	s7 =	simm.s32 $_size__tile_overlayer_lowered;
	s8 =	simm.s32 $_tile_overlayer_lowered  }
0xa2: {  	s23 =	simm.s32 $0x1BFF;
	s22 =	sshll.u32 s8, $0x1;
	s5 =	sadd.s32 s20, s19  }
0xa3: {  	s9 =	simm.s32 $0x0;
	s21 =	sshll.u32 s7, $0x1;
	s7 =	sadd.s32 s22, s5  }
0xa4: {  	[timem:s9], [sflag:s23] =	dma.local [hbm:s7], s21  }
0xa5: {  	_ =	swait.ge [sflag:s23], s21  }
0xa6: {  	s6 =	ssub.s32 $0x0, s21;
	[sflag:s23] =	ssyncset.done $0x0  }
0xa7: {  	[sflag:s23] =	ssyncadd.s32 s6;
	_ =	sdelay $0x1  }
0xa8: {  	s24 =	simm.s32 $0x1B8B  }
0xa9: {  	_ =	swait.ge [sflag:s24], $0x1  }
0xaa: {  	[sflag:s24] =	ssyncset.done $0x0  }
0xab: {  	s25 =	simm.s32 $0x1B8E;
	[sflag:s24] =	ssyncadd.s32 $0xFFFFFFFF  }
0xac: {  	s26 =	simm.s32 $execute0_lowered;
	[smem:$0x3FD2] =	sst s25  }
0xad: {  	s6 =	sshll.u32 s26, $0x1;
	_ =	strace $0x80000046;
	[dreg:$0x1] =	wrdreg $0xFFFFFFFF  }
0xae: {  	s28 =	simm.s32 $_size_execute0_lowered;
	s5 =	sadd.s32 s5, s6;
	[dreg:$0x0] =	wrdreg $0x0  }
0xaf: {  	s6 =	sshll.u32 s28, $0x1;
	[dreg:$0x2] =	wrdreg s5  }
0xb0: {  	[dreg:$0x3] =	wrdreg s6  }
0xb1: {  	[dreg:$0x4] =	wrdreg $0xC0  }
0xb2: {  	_ =	task [dreg:s9], $0x5FFFF  }
0xb3: {  	[dreg:$0x1] =	wrdreg $0xFFFFFFFF  }
0xb4: {  	[dreg:$0x0] =	wrdreg $0x60  }
0xb5: {  	[dreg:$0x2] =	wrdreg s16  }
0xb6: {  	[dreg:$0x3] =	wrdreg s4  }
0xb7: {  	[dreg:$0x4] =	wrdreg s17  }
0xb8: {  	[dreg:$0x5] =	wrdreg $0x9  }
0xb9: {  	_ =	task.clear_ibuf [dreg:s9], $0x6FFFF;
	_ =	strace $0x90000046  }
0xba: {  	s29 =	simm.s32 $0x9;
	_ =	strace $0x80000048  }
0xbb: {  	_ =	swait.ge [sflag:s29], $0x1  }
0xbc: {  	[sflag:s29] =	ssyncadd.s32 $0xFFFFFFFF  }
0xbd: {  	_ =	strace $0x90000048  }
0xbe: {  	_ =	sfence  }
0xbf: {  	s30 =	sld [smem:$0x0];
	_ =	sdelay $0x2  }
0xc0: {  	s31 =	sshll.u32 s1, $0xD;
	s1 =	sshrl.u32 s1, $0x2  }
0xc1: {  	s3 =	sand.u32 $0x4000, s31;
	s1 =	sadd.s32 s1, s30  }
0xc2: {  	s0 =	sor.u32 s3, s0;
	s1 =	sshll.u32 s1, $0x11  }
0xc3: {  	s0 =	sor.u32 s1, s0  }
0xc4: {  	s0 =	sadd.s32 $0x8F2B, s0  }
0xc5: {  	[sflag:s0] =	ssyncadd.remote.s32 $0x1  }
0xc6: {  	_ =	sfence.sel $0xFFFF  }
0xc7: {  	[dreg:$0x0] =	wrdreg $0xFFFFFFFF;
	(pc) =	sbr.abs _section_cstart, $3  }
0xc8: {  	[dreg:$0x1] =	wrdreg $0xFFFFFFFF  }
0xc9: {  	_ =	task.clear_ibuf [dreg:s9], $0x2FFFF;
	_ =	strace $0x9FFFFFFF  }
0xca: {  	(tm) =	ssettm $0x7FFFFFFF  }
0xcb: {  	_ =	shalt  }
tec
execute0_lowered:
.L_overlay_start_1:
0x0: {  	(tag) =	ssettag $0x1  }
0x1: {  	s0 =	srdreg.scid;
	s1 =	stileid.u32  }
0x2: {  	s6 =	rddreg [dreg:$0x1];
	s0 =	sand.u32 $0x1, s0;
	s1 =	sshll.u32 s1, $0x1  }
0x3: {  	s22 =	rddreg [dreg:$0x2];
	s2 =	sor.u32 s0, s1  }
0x4: {  	s5 =	simm.s32 $0x1;
	s15 =	simm.s32 $0x180;
	s3 =	smul.u32 $0x25D0, s2  }
0x5: {  	s16 =	simm.s32 $0x6;
	s17 =	simm.s32 $0x50;
	s19 =	simm.s32 $0x2980  }
0x6: {  	s21 =	simm.s32 $0x5180;
	s28 =	simm.s32 $0x2;
	s4 =	smulhi.u32 $0x8421085, s3  }
0x7: {  	s29 =	simm.s32 $0x3;
	s30 =	simm.s32 $0x4;
	s31 =	simm.s32 $0x5  }
0x8: {  	s1 =	rddreg [dreg:$0x0];
	s0 =	ssub.s32 $0x2, s0;
	s4 =	sand.u32 $0x7, s4  }
0x9: {  	p0 =	seq.s32 s2, $0x0;
	s24 =	sshrl.u32 s0, $0x1;
	p1 =	sne.s32 s4, $0x0  }
0xa: {  	s2 =	simm.s32 $0x0;
	s0 =	ssub.s32 s0, s24;
	p0 =	por !p0, !p1  }
0xb: {  	s23 =	smulhi.u32 $0x1084211, s3;
	s3 =	simm.s32 $0x0;
	p0 =	por !p0, !p0  }
0xc: {  	s24 =	simm.s32 $0x7980;
	[smem:$0x7FF] =	sst s3;
	s5 =	simm.s32 @!p0 $0x0  }
0xd: {  	s14 =	smax.u32 s0, $0x1;
	_ =	strace $0x80000047;
	s5 =	ssub.s32 s23, s5  }
0xe: {  	s4 =	simm.s32 $0x1;
	s7 =	sshll.u32 s5, $0x7;
	s25 =	sand.u32 $0x1FFFFFFF, s5  }
0xf: {  	s23 =	simm.s32 $0xF180;
	s8 =	sshll.u32 s5, $0xA;
	s10 =	sand.u32 $0x1FFFFF80, s7  }
0x10: {  	s6 =	sadd.s32 s6, s25;
	s26 =	sadd.s32 $0x2800, s8;
	s9 =	sadd.s32 $0x5000, s8  }
0x11: {  	s8 =	sadd.s32 $0x7800, s8;
	s25 =	simm.s32 $0xF0;
	s5 =	sadd.s32 s1, s10  }
0x12: {  	s11 =	sshrl.u32 s26, $0x3;
	s12 =	sshrl.u32 s9, $0x3;
	s13 =	sshrl.u32 s8, $0x3  }
0x13: {  	s10 =	sadd.s32 s22, s10;
	s26 =	simm.s32 $0x11980;
	s7 =	sadd.s32 s1, s11  }
0x14: {  	s8 =	sadd.s32 s1, s12;
	s9 =	sadd.s32 s1, s13;
	s11 =	sadd.s32 s22, s11  }
0x15: {  	s12 =	sadd.s32 s22, s12;
	s13 =	sadd.s32 s22, s13;
	s22 =	simm.s32 $0xA0  }
.LBB2_1:
0x16: {  	[tilespmem:s15], [sflag:$0x1] =	stream.linear.gather [hbm4b:s5+s3], $0x2800, $0x38;
	[tilespmem:$0x14180] =	vst v63  }
0x17: {  	_ = 	snop  }
0x18: {  	[tilespmem:s3], [sflag:$0x6] =	stream.linear.gather [hbm4b:s6+s3], $0x140, $0x38;
	[tilespmem:$0x14180] =	vst v63  }
0x19: {  	_ =	swait.ge [sflag:s16], $0x140  }
0x1a: {  	[sflag:s16] =	ssyncset.done $0x0  }
0x1b: {  	s0 =	simm.s32 $0xA180;
	[sflag:s16] =	ssyncadd.s32 $0xFFFFFEC0  }
0x1c: {  	[tilespmem:s0], [sflag:$0x1] =	stream.indirect.gather [hbm4b:s1+s17], $0x80, s3, s17, $0xb8;
	[tilespmem:$0x14180] =	vst v63  }
0x1d: {  	_ = 	snop  }
0x1e: {  	[tilespmem:s19], [sflag:$0x2] =	stream.linear.gather [hbm4b:s7+s3], $0x2800, $0x38;
	[tilespmem:$0x14180] =	vst v63  }
0x1f: {  	s20 =	simm.s32 $0xC980  }
0x20: {  	[tilespmem:s20], [sflag:$0x2] =	stream.indirect.gather [hbm4b:s1+s17], $0x80, s17, s17, $0xb8;
	[tilespmem:$0x14180] =	vst v63  }
0x21: {  	_ = 	snop  }
0x22: {  	[tilespmem:s21], [sflag:$0x3] =	stream.linear.gather [hbm4b:s8+s3], $0x2800, $0x38;
	[tilespmem:$0x14180] =	vst v63  }
0x23: {  	_ = 	snop  }
0x24: {  	[tilespmem:s23], [sflag:$0x3] =	stream.indirect.gather [hbm4b:s1+s17], $0x80, s22, s17, $0xb8;
	[tilespmem:$0x14180] =	vst v63  }
0x25: {  	_ = 	snop  }
0x26: {  	[tilespmem:s24], [sflag:$0x4] =	stream.linear.gather [hbm4b:s9+s3], $0x2800, $0x38;
	[tilespmem:$0x14180] =	vst v63  }
0x27: {  	_ = 	snop  }
0x28: {  	[tilespmem:s26], [sflag:$0x4] =	stream.indirect.gather [hbm4b:s1+s17], $0x80, s25, s17, $0xb8;
	[tilespmem:$0x14180] =	vst v63  }
0x29: {  	_ =	swait.ge [sflag:s4], $0x2800  }
0x2a: {  	[sflag:s4] =	ssyncset.done $0x0  }
0x2b: {  	[sflag:s4] =	ssyncadd.s32 $0xFFFFD800  }
0x2c: {  	_ =	swait.ge [sflag:s4], $0x2800  }
0x2d: {  	[sflag:s4] =	ssyncset.done $0x0  }
0x2e: {  	s0 =	simm.s32 $0xF0;
	[sflag:s4] =	ssyncadd.s32 $0xFFFFD800  }
0x2f: {  	v5 =	vld [tilespmem:s0+$0xA090]  }
0x30: {  	v6 =	vld [tilespmem:s0+$0xA0A0]  }
0x31: {  	v7 =	vld [tilespmem:s0+$0xA0B0]  }
0x32: {  	v8 =	vld [tilespmem:s0+$0xA0C0]  }
0x33: {  	v9 =	vld [tilespmem:s0+$0xA0D0]  }
0x34: {  	v10 =	vld [tilespmem:s0+$0xA0E0]  }
0x35: {  	v11 =	vld [tilespmem:s0+$0xA0F0]  }
0x36: {  	v12 =	vld [tilespmem:s0+$0xA100]  }
0x37: {  	v13 =	vld [tilespmem:s0+$0xA110]  }
0x38: {  	v14 =	vld [tilespmem:s0+$0xA120]  }
0x39: {  	v15 =	vld [tilespmem:s0+$0xA130]  }
0x3a: {  	v4 =	vld [tilespmem:s0+$0xA140]  }
0x3b: {  	v3 =	vld [tilespmem:s0+$0xA150]  }
0x3c: {  	v2 =	vld [tilespmem:s0+$0xA160]  }
0x3d: {  	v1 =	vld [tilespmem:s0+$0xA170]  }
0x3e: {  	v17 =	vld [tilespmem:s0+$0xA0]  }
0x3f: {  	v16 =	vld [tilespmem:s0+$0x90]  }
0x40: {  	v18 =	vld [tilespmem:s0+$0xB0]  }
0x41: {  	v19 =	vld [tilespmem:s0+$0xC0]  }
0x42: {  	v20 =	vld [tilespmem:s0+$0xD0]  }
0x43: {  	v0 =	vld [tilespmem:s0+$0xA180];
	v6 =	vmul.f32 $3.000000120e-01, v6;
	v17 =	vmul.f32 $6.999999880e-01, v17  }
0x44: {  	v21 =	vld [tilespmem:s0+$0xE0];
	v5 =	vmul.f32 $3.000000120e-01, v5;
	v16 =	vmul.f32 $6.999999880e-01, v16  }
0x45: {  	v22 =	vld [tilespmem:s0+$0xF0];
	v7 =	vmul.f32 $3.000000120e-01, v7;
	v6 =	vadd.f32 v6, v17;
	v17 =	vmul.f32 $6.999999880e-01, v18  }
0x46: {  	v8 =	vmul.f32 $3.000000120e-01, v8;
	v19 =	vmul.f32 $6.999999880e-01, v19;
	v5 =	vadd.f32 v5, v16;
	v16 =	vld [tilespmem:s0+$0x100]  }
0x47: {  	v23 =	vld [tilespmem:s0+$0x110];
	v9 =	vmul.f32 $3.000000120e-01, v9;
	v7 =	vadd.f32 v7, v17;
	v17 =	vmul.f32 $6.999999880e-01, v20  }
0x48: {  	v10 =	vmul.f32 $3.000000120e-01, v10;
	v62 =	vmul.f32 $3.000000120e-01, v12;
	v18 =	vld [tilespmem:s0+$0x120];
	[tilespmem:s0+$0x90] =	vst v5  }
0x49: {  	s18 =	simm.s32 $0x7C0;
	v8 =	vadd.f32 v8, v19;
	v19 =	vmul.f32 $6.999999880e-01, v21;
	[tilespmem:s0+$0xA0] =	vst v6;
	v5 =	vld [tilespmem:s0+$0x130];
	v9 =	vadd.f32 v9, v17  }
0x4a: {  	v63 =	vmul.f32 $6.999999880e-01, v22;
	v6 =	vld [tilespmem:s0+$0x140];
	[tilespmem:s0+$0xB0] =	vst v7;
	v17 =	vmul.f32 $3.000000120e-01, v11  }
0x4b: {  	v12 =	vmul.f32 $3.000000120e-01, v13;
	v19 =	vadd.f32 v10, v19;
	v7 =	vld [tilespmem:s0+$0x150];
	[tilespmem:s0+$0xD0] =	vst v9;
	v9 =	vmul.f32 $6.999999880e-01, v16  }
0x4c: {  	[tilespmem:s0+$0xC0] =	vst v8;
	v8 =	vld [tilespmem:s0+$0x160];
	v10 =	vmul.f32 $3.000000120e-01, v15;
	v13 =	vadd.f32 v17, v63;
	v16 =	vmul.f32 $6.999999880e-01, v23  }
0x4d: {  	v11 =	vmul.f32 $3.000000120e-01, v14;
	[tilespmem:s0+$0xE0] =	vst v19;
	v15 =	vmul.f32 $6.999999880e-01, v18;
	v14 =	vadd.f32 v62, v9;
	v9 =	vld [tilespmem:s0+$0x170]  }
.LBB2_2:
0x4e: {  	s20 =	sshra.s32 s18, $0x2;
	p0 =	sne.s32 s18, $0x9FC0;
	[tilespmem:s0+$0xF0] =	vst v13;
	v12 =	vadd.f32 v12, v16;
	v5 =	vmul.f32 $6.999999880e-01, v5;
	v13 =	vld [tilespmem:s0+$0x180]  }
0x4f: {  	v4 =	vmul.f32 $3.000000120e-01, v4;
	v16 =	vld [tilespmem:s20+$0xA090];
	[tilespmem:s0+$0x100] =	vst v14;
	v11 =	vadd.f32 v11, v15;
	v6 =	vmul.f32 $6.999999880e-01, v6  }
0x50: {  	v3 =	vmul.f32 $3.000000120e-01, v3;
	v14 =	vld [tilespmem:s20+$0xA0A0];
	[tilespmem:s0+$0x110] =	vst v12;
	v5 =	vadd.f32 v10, v5;
	v7 =	vmul.f32 $6.999999880e-01, v7  }
0x51: {  	v2 =	vmul.f32 $3.000000120e-01, v2;
	v10 =	vld [tilespmem:s20+$0xA0B0];
	[tilespmem:s0+$0x120] =	vst v11;
	v4 =	vadd.f32 v4, v6;
	v6 =	vmul.f32 $6.999999880e-01, v8  }
0x52: {  	v1 =	vmul.f32 $3.000000120e-01, v1;
	v8 =	vld [tilespmem:s20+$0xA0C0];
	[tilespmem:s0+$0x130] =	vst v5;
	v3 =	vadd.f32 v3, v7;
	v5 =	vmul.f32 $6.999999880e-01, v9  }
0x53: {  	v0 =	vmul.f32 $3.000000120e-01, v0;
	v7 =	vld [tilespmem:s20+$0xA0D0];
	[tilespmem:s0+$0x140] =	vst v4;
	v2 =	vadd.f32 v2, v6;
	v4 =	vmul.f32 $6.999999880e-01, v13  }
0x54: {  	v6 =	vld [tilespmem:s20+$0xA0E0];
	[tilespmem:s0+$0x150] =	vst v3;
	v1 =	vadd.f32 v1, v5  }
0x55: {  	v5 =	vld [tilespmem:s20+$0xA0F0];
	[tilespmem:s0+$0x160] =	vst v2;
	v0 =	vadd.f32 v0, v4  }
0x56: {  	v9 =	vld [tilespmem:s20+$0xA100];
	[tilespmem:s0+$0x170] =	vst v1  }
0x57: {  	v11 =	vld [tilespmem:s20+$0xA110];
	[tilespmem:s0+$0x180] =	vst v0;
	s0 =	smov.u32 s20  }
0x58: {  	v13 =	vld [tilespmem:s0+$0xA120]  }
0x59: {  	v15 =	vld [tilespmem:s0+$0xA130]  }
0x5a: {  	v4 =	vld [tilespmem:s0+$0xA140]  }
0x5b: {  	v3 =	vld [tilespmem:s0+$0xA150]  }
0x5c: {  	v2 =	vld [tilespmem:s0+$0xA160]  }
0x5d: {  	v1 =	vld [tilespmem:s0+$0xA170]  }
0x5e: {  	v0 =	vld [tilespmem:s0+$0xA180]  }
0x5f: {  	v12 =	vld [tilespmem:s0+$0x90]  }
0x60: {  	v17 =	vld [tilespmem:s0+$0xA0]  }
0x61: {  	v18 =	vld [tilespmem:s0+$0xB0]  }
0x62: {  	v16 =	vmul.f32 $3.000000120e-01, v16;
	v19 =	vld [tilespmem:s0+$0xC0]  }
0x63: {  	v14 =	vmul.f32 $3.000000120e-01, v14;
	v10 =	vmul.f32 $3.000000120e-01, v10;
	v20 =	vld [tilespmem:s0+$0xD0]  }
0x64: {  	v8 =	vmul.f32 $3.000000120e-01, v8;
	v12 =	vmul.f32 $6.999999880e-01, v12;
	v21 =	vld [tilespmem:s0+$0xE0]  }
0x65: {  	v7 =	vmul.f32 $3.000000120e-01, v7;
	v17 =	vmul.f32 $6.999999880e-01, v17;
	v22 =	vld [tilespmem:s0+$0xF0]  }
0x66: {  	v9 =	vmul.f32 $3.000000120e-01, v9;
	v12 =	vadd.f32 v16, v12;
	v16 =	vmul.f32 $6.999999880e-01, v18;
	v18 =	vld [tilespmem:s0+$0x100]  }
0x67: {  	v14 =	vadd.f32 v14, v17;
	v17 =	vmul.f32 $6.999999880e-01, v19;
	v19 =	vmul.f32 $3.000000120e-01, v6;
	v23 =	vld [tilespmem:s0+$0x110]  }
0x68: {  	[tilespmem:s0+$0x90] =	vst v12;
	v6 =	vadd.f32 v10, v16;
	v10 =	vmul.f32 $6.999999880e-01, v20;
	v16 =	vmul.f32 $3.000000120e-01, v5;
	v20 =	vld [tilespmem:s0+$0x120]  }
.Ltmp0:
0x69: {  	[tilespmem:s0+$0xA0] =	vst v14;
	v8 =	vadd.f32 v8, v17;
	v14 =	vmul.f32 $6.999999880e-01, v21;
	v5 =	vld [tilespmem:s0+$0x130];
	(pc) =	sbr.rel @p0 .LBB2_2-.Ltmp0, $4  }
0x6a: {  	v12 =	vmul.f32 $3.000000120e-01, v11;
	[tilespmem:s0+$0xB0] =	vst v6;
	v10 =	vadd.f32 v7, v10;
	v17 =	vmul.f32 $6.999999880e-01, v22;
	v6 =	vld [tilespmem:s0+$0x140]  }
0x6b: {  	v11 =	vmul.f32 $3.000000120e-01, v13;
	[tilespmem:s0+$0xC0] =	vst v8;
	v14 =	vadd.f32 v19, v14;
	v18 =	vmul.f32 $6.999999880e-01, v18;
	v7 =	vld [tilespmem:s0+$0x150]  }
0x6c: {  	[tilespmem:s0+$0xD0] =	vst v10;
	v13 =	vadd.f32 v16, v17;
	v16 =	vmul.f32 $6.999999880e-01, v23;
	v10 =	vmul.f32 $3.000000120e-01, v15;
	v8 =	vld [tilespmem:s0+$0x160]  }
0x6d: {  	s18 =	sadd.s32 $0x400, s18;
	[tilespmem:s0+$0xE0] =	vst v14;
	v14 =	vadd.f32 v9, v18;
	v15 =	vmul.f32 $6.999999880e-01, v20;
	v9 =	vld [tilespmem:s0+$0x170]  }
0x6e: {  	[tilespmem:s0+$0xF0] =	vst v13;
	v12 =	vadd.f32 v12, v16;
	v5 =	vmul.f32 $6.999999880e-01, v5;
	v13 =	vld [tilespmem:s0+$0x180]  }
0x6f: {  	v4 =	vmul.f32 $3.000000120e-01, v4;
	[tilespmem:s0+$0x100] =	vst v14;
	v11 =	vadd.f32 v11, v15;
	v6 =	vmul.f32 $6.999999880e-01, v6  }
0x70: {  	v3 =	vmul.f32 $3.000000120e-01, v3;
	[tilespmem:s0+$0x110] =	vst v12;
	v5 =	vadd.f32 v10, v5;
	v7 =	vmul.f32 $6.999999880e-01, v7  }
0x71: {  	v2 =	vmul.f32 $3.000000120e-01, v2;
	[tilespmem:s0+$0x120] =	vst v11;
	v4 =	vadd.f32 v4, v6;
	v6 =	vmul.f32 $6.999999880e-01, v8  }
0x72: {  	v1 =	vmul.f32 $3.000000120e-01, v1;
	[tilespmem:s0+$0x130] =	vst v5;
	v3 =	vadd.f32 v3, v7;
	v5 =	vmul.f32 $6.999999880e-01, v9  }
0x73: {  	v0 =	vmul.f32 $3.000000120e-01, v0;
	[tilespmem:s0+$0x140] =	vst v4;
	v2 =	vadd.f32 v2, v6;
	v4 =	vmul.f32 $6.999999880e-01, v13  }
0x74: {  	[tilespmem:s0+$0x150] =	vst v3;
	v1 =	vadd.f32 v1, v5  }
0x75: {  	[tilespmem:s0+$0x160] =	vst v2;
	v0 =	vadd.f32 v0, v4  }
0x76: {  	[tilespmem:s0+$0x170] =	vst v1  }
0x77: {  	s20 =	simm.s32 $0x0;
	[tilespmem:s0+$0x180] =	vst v0  }
0x78: {  	[hbm4b:s10+s20] =	stream.linear.scatter [tilespmem:s15], [sflag:$0x5], $0x2800, $0x38;
	[tilespmem:$0x14180] =	vst v63  }
0x79: {  	_ =	swait.ge [sflag:s28], $0x2800  }
0x7a: {  	[sflag:s28] =	ssyncset.done $0x0  }
0x7b: {  	[sflag:s28] =	ssyncadd.s32 $0xFFFFD800  }
0x7c: {  	_ =	swait.ge [sflag:s28], $0x2800  }
0x7d: {  	[sflag:s28] =	ssyncset.done $0x0  }
0x7e: {  	s0 =	simm.s32 $0x0;
	[sflag:s28] =	ssyncadd.s32 $0xFFFFD800  }
0x7f: {  	v5 =	vld [tilespmem:s0+$0xC980]  }
0x80: {  	v6 =	vld [tilespmem:s0+$0xC990]  }
0x81: {  	v7 =	vld [tilespmem:s0+$0xC9A0]  }
0x82: {  	v8 =	vld [tilespmem:s0+$0xC9B0]  }
0x83: {  	v9 =	vld [tilespmem:s0+$0xC9C0]  }
0x84: {  	v10 =	vld [tilespmem:s0+$0xC9D0]  }
0x85: {  	v11 =	vld [tilespmem:s0+$0xC9E0]  }
0x86: {  	v12 =	vld [tilespmem:s0+$0xC9F0]  }
0x87: {  	v13 =	vld [tilespmem:s0+$0xCA00]  }
0x88: {  	v14 =	vld [tilespmem:s0+$0xCA10]  }
0x89: {  	v15 =	vld [tilespmem:s0+$0xCA20]  }
0x8a: {  	v4 =	vld [tilespmem:s0+$0xCA30]  }
0x8b: {  	v3 =	vld [tilespmem:s0+$0xCA40]  }
0x8c: {  	v2 =	vld [tilespmem:s0+$0xCA50]  }
0x8d: {  	v1 =	vld [tilespmem:s0+$0xCA60]  }
0x8e: {  	v17 =	vld [tilespmem:s0+$0x2990]  }
0x8f: {  	v16 =	vld [tilespmem:s0+$0x2980]  }
0x90: {  	v18 =	vld [tilespmem:s0+$0x29A0]  }
0x91: {  	v19 =	vld [tilespmem:s0+$0x29B0]  }
0x92: {  	v20 =	vld [tilespmem:s0+$0x29C0]  }
0x93: {  	v0 =	vld [tilespmem:s0+$0xCA70];
	v6 =	vmul.f32 $3.000000120e-01, v6;
	v17 =	vmul.f32 $6.999999880e-01, v17  }
0x94: {  	v21 =	vld [tilespmem:s0+$0x29D0];
	v5 =	vmul.f32 $3.000000120e-01, v5;
	v16 =	vmul.f32 $6.999999880e-01, v16  }
0x95: {  	v22 =	vld [tilespmem:s0+$0x29E0];
	v7 =	vmul.f32 $3.000000120e-01, v7;
	v6 =	vadd.f32 v6, v17;
	v17 =	vmul.f32 $6.999999880e-01, v18  }
0x96: {  	v8 =	vmul.f32 $3.000000120e-01, v8;
	v19 =	vmul.f32 $6.999999880e-01, v19;
	v5 =	vadd.f32 v5, v16;
	v16 =	vld [tilespmem:s0+$0x29F0]  }
0x97: {  	v23 =	vld [tilespmem:s0+$0x2A00];
	v9 =	vmul.f32 $3.000000120e-01, v9;
	v7 =	vadd.f32 v7, v17;
	v17 =	vmul.f32 $6.999999880e-01, v20  }
0x98: {  	v10 =	vmul.f32 $3.000000120e-01, v10;
	v62 =	vmul.f32 $3.000000120e-01, v12;
	v18 =	vld [tilespmem:s0+$0x2A10];
	[tilespmem:s0+$0x2980] =	vst v5  }
0x99: {  	s18 =	simm.s32 $0x400;
	v8 =	vadd.f32 v8, v19;
	v19 =	vmul.f32 $6.999999880e-01, v21;
	[tilespmem:s0+$0x2990] =	vst v6;
	v5 =	vld [tilespmem:s0+$0x2A20];
	v9 =	vadd.f32 v9, v17  }
0x9a: {  	v63 =	vmul.f32 $6.999999880e-01, v22;
	v6 =	vld [tilespmem:s0+$0x2A30];
	[tilespmem:s0+$0x29A0] =	vst v7;
	v17 =	vmul.f32 $3.000000120e-01, v11  }
0x9b: {  	v12 =	vmul.f32 $3.000000120e-01, v13;
	v19 =	vadd.f32 v10, v19;
	v7 =	vld [tilespmem:s0+$0x2A40];
	[tilespmem:s0+$0x29C0] =	vst v9;
	v9 =	vmul.f32 $6.999999880e-01, v16  }
0x9c: {  	[tilespmem:s0+$0x29B0] =	vst v8;
	v8 =	vld [tilespmem:s0+$0x2A50];
	v10 =	vmul.f32 $3.000000120e-01, v15;
	v13 =	vadd.f32 v17, v63;
	v16 =	vmul.f32 $6.999999880e-01, v23  }
0x9d: {  	v11 =	vmul.f32 $3.000000120e-01, v14;
	[tilespmem:s0+$0x29D0] =	vst v19;
	v15 =	vmul.f32 $6.999999880e-01, v18;
	v14 =	vadd.f32 v62, v9;
	v9 =	vld [tilespmem:s0+$0x2A60]  }
.LBB2_4:
0x9e: {  	s20 =	sshra.s32 s18, $0x2;
	p0 =	sne.s32 s18, $0x9C00;
	[tilespmem:s0+$0x29E0] =	vst v13;
	v12 =	vadd.f32 v12, v16;
	v5 =	vmul.f32 $6.999999880e-01, v5;
	v13 =	vld [tilespmem:s0+$0x2A70]  }
0x9f: {  	v4 =	vmul.f32 $3.000000120e-01, v4;
	v16 =	vld [tilespmem:s20+$0xC980];
	[tilespmem:s0+$0x29F0] =	vst v14;
	v11 =	vadd.f32 v11, v15;
	v6 =	vmul.f32 $6.999999880e-01, v6  }
0xa0: {  	v3 =	vmul.f32 $3.000000120e-01, v3;
	v14 =	vld [tilespmem:s20+$0xC990];
	[tilespmem:s0+$0x2A00] =	vst v12;
	v5 =	vadd.f32 v10, v5;
	v7 =	vmul.f32 $6.999999880e-01, v7  }
0xa1: {  	v2 =	vmul.f32 $3.000000120e-01, v2;
	v10 =	vld [tilespmem:s20+$0xC9A0];
	[tilespmem:s0+$0x2A10] =	vst v11;
	v4 =	vadd.f32 v4, v6;
	v6 =	vmul.f32 $6.999999880e-01, v8  }
0xa2: {  	v1 =	vmul.f32 $3.000000120e-01, v1;
	v8 =	vld [tilespmem:s20+$0xC9B0];
	[tilespmem:s0+$0x2A20] =	vst v5;
	v3 =	vadd.f32 v3, v7;
	v5 =	vmul.f32 $6.999999880e-01, v9  }
0xa3: {  	v0 =	vmul.f32 $3.000000120e-01, v0;
	v7 =	vld [tilespmem:s20+$0xC9C0];
	[tilespmem:s0+$0x2A30] =	vst v4;
	v2 =	vadd.f32 v2, v6;
	v4 =	vmul.f32 $6.999999880e-01, v13  }
0xa4: {  	v6 =	vld [tilespmem:s20+$0xC9D0];
	[tilespmem:s0+$0x2A40] =	vst v3;
	v1 =	vadd.f32 v1, v5  }
0xa5: {  	v5 =	vld [tilespmem:s20+$0xC9E0];
	[tilespmem:s0+$0x2A50] =	vst v2;
	v0 =	vadd.f32 v0, v4  }
0xa6: {  	v9 =	vld [tilespmem:s20+$0xC9F0];
	[tilespmem:s0+$0x2A60] =	vst v1  }
0xa7: {  	v11 =	vld [tilespmem:s20+$0xCA00];
	[tilespmem:s0+$0x2A70] =	vst v0;
	s0 =	smov.u32 s20  }
0xa8: {  	v13 =	vld [tilespmem:s0+$0xCA10]  }
0xa9: {  	v15 =	vld [tilespmem:s0+$0xCA20]  }
0xaa: {  	v4 =	vld [tilespmem:s0+$0xCA30]  }
0xab: {  	v3 =	vld [tilespmem:s0+$0xCA40]  }
0xac: {  	v2 =	vld [tilespmem:s0+$0xCA50]  }
0xad: {  	v1 =	vld [tilespmem:s0+$0xCA60]  }
0xae: {  	v0 =	vld [tilespmem:s0+$0xCA70]  }
0xaf: {  	v12 =	vld [tilespmem:s0+$0x2980]  }
0xb0: {  	v17 =	vld [tilespmem:s0+$0x2990]  }
0xb1: {  	v18 =	vld [tilespmem:s0+$0x29A0]  }
0xb2: {  	v16 =	vmul.f32 $3.000000120e-01, v16;
	v19 =	vld [tilespmem:s0+$0x29B0]  }
0xb3: {  	v14 =	vmul.f32 $3.000000120e-01, v14;
	v10 =	vmul.f32 $3.000000120e-01, v10;
	v20 =	vld [tilespmem:s0+$0x29C0]  }
0xb4: {  	v8 =	vmul.f32 $3.000000120e-01, v8;
	v12 =	vmul.f32 $6.999999880e-01, v12;
	v21 =	vld [tilespmem:s0+$0x29D0]  }
0xb5: {  	v7 =	vmul.f32 $3.000000120e-01, v7;
	v17 =	vmul.f32 $6.999999880e-01, v17;
	v22 =	vld [tilespmem:s0+$0x29E0]  }
0xb6: {  	v9 =	vmul.f32 $3.000000120e-01, v9;
	v12 =	vadd.f32 v16, v12;
	v16 =	vmul.f32 $6.999999880e-01, v18;
	v18 =	vld [tilespmem:s0+$0x29F0]  }
0xb7: {  	v14 =	vadd.f32 v14, v17;
	v17 =	vmul.f32 $6.999999880e-01, v19;
	v19 =	vmul.f32 $3.000000120e-01, v6;
	v23 =	vld [tilespmem:s0+$0x2A00]  }
0xb8: {  	[tilespmem:s0+$0x2980] =	vst v12;
	v6 =	vadd.f32 v10, v16;
	v10 =	vmul.f32 $6.999999880e-01, v20;
	v16 =	vmul.f32 $3.000000120e-01, v5;
	v20 =	vld [tilespmem:s0+$0x2A10]  }
.Ltmp1:
0xb9: {  	[tilespmem:s0+$0x2990] =	vst v14;
	v8 =	vadd.f32 v8, v17;
	v14 =	vmul.f32 $6.999999880e-01, v21;
	v5 =	vld [tilespmem:s0+$0x2A20];
	(pc) =	sbr.rel @p0 .LBB2_4-.Ltmp1, $4  }
0xba: {  	v12 =	vmul.f32 $3.000000120e-01, v11;
	[tilespmem:s0+$0x29A0] =	vst v6;
	v10 =	vadd.f32 v7, v10;
	v17 =	vmul.f32 $6.999999880e-01, v22;
	v6 =	vld [tilespmem:s0+$0x2A30]  }
0xbb: {  	v11 =	vmul.f32 $3.000000120e-01, v13;
	[tilespmem:s0+$0x29B0] =	vst v8;
	v14 =	vadd.f32 v19, v14;
	v18 =	vmul.f32 $6.999999880e-01, v18;
	v7 =	vld [tilespmem:s0+$0x2A40]  }
0xbc: {  	[tilespmem:s0+$0x29C0] =	vst v10;
	v13 =	vadd.f32 v16, v17;
	v16 =	vmul.f32 $6.999999880e-01, v23;
	v10 =	vmul.f32 $3.000000120e-01, v15;
	v8 =	vld [tilespmem:s0+$0x2A50]  }
0xbd: {  	s18 =	sadd.s32 $0x400, s18;
	[tilespmem:s0+$0x29D0] =	vst v14;
	v14 =	vadd.f32 v9, v18;
	v15 =	vmul.f32 $6.999999880e-01, v20;
	v9 =	vld [tilespmem:s0+$0x2A60]  }
0xbe: {  	[tilespmem:s0+$0x29E0] =	vst v13;
	v12 =	vadd.f32 v12, v16;
	v5 =	vmul.f32 $6.999999880e-01, v5;
	v13 =	vld [tilespmem:s0+$0x2A70]  }
0xbf: {  	v4 =	vmul.f32 $3.000000120e-01, v4;
	[tilespmem:s0+$0x29F0] =	vst v14;
	v11 =	vadd.f32 v11, v15;
	v6 =	vmul.f32 $6.999999880e-01, v6  }
0xc0: {  	v3 =	vmul.f32 $3.000000120e-01, v3;
	[tilespmem:s0+$0x2A00] =	vst v12;
	v5 =	vadd.f32 v10, v5;
	v7 =	vmul.f32 $6.999999880e-01, v7  }
0xc1: {  	v2 =	vmul.f32 $3.000000120e-01, v2;
	[tilespmem:s0+$0x2A10] =	vst v11;
	v4 =	vadd.f32 v4, v6;
	v6 =	vmul.f32 $6.999999880e-01, v8  }
0xc2: {  	v1 =	vmul.f32 $3.000000120e-01, v1;
	[tilespmem:s0+$0x2A20] =	vst v5;
	v3 =	vadd.f32 v3, v7;
	v5 =	vmul.f32 $6.999999880e-01, v9  }
0xc3: {  	v0 =	vmul.f32 $3.000000120e-01, v0;
	[tilespmem:s0+$0x2A30] =	vst v4;
	v2 =	vadd.f32 v2, v6;
	v4 =	vmul.f32 $6.999999880e-01, v13  }
0xc4: {  	[tilespmem:s0+$0x2A40] =	vst v3;
	v1 =	vadd.f32 v1, v5  }
0xc5: {  	[tilespmem:s0+$0x2A50] =	vst v2;
	v0 =	vadd.f32 v0, v4  }
0xc6: {  	[tilespmem:s0+$0x2A60] =	vst v1  }
0xc7: {  	s20 =	simm.s32 $0x0;
	[tilespmem:s0+$0x2A70] =	vst v0  }
0xc8: {  	[hbm4b:s11+s20] =	stream.linear.scatter [tilespmem:s19], [sflag:$0x5], $0x2800, $0x38;
	[tilespmem:$0x14180] =	vst v63  }
0xc9: {  	_ =	swait.ge [sflag:s29], $0x2800  }
0xca: {  	[sflag:s29] =	ssyncset.done $0x0  }
0xcb: {  	[sflag:s29] =	ssyncadd.s32 $0xFFFFD800  }
0xcc: {  	_ =	swait.ge [sflag:s29], $0x2800  }
0xcd: {  	[sflag:s29] =	ssyncset.done $0x0  }
0xce: {  	s0 =	simm.s32 $0x0;
	[sflag:s29] =	ssyncadd.s32 $0xFFFFD800  }
0xcf: {  	v5 =	vld [tilespmem:s0+$0xF180]  }
0xd0: {  	v6 =	vld [tilespmem:s0+$0xF190]  }
0xd1: {  	v7 =	vld [tilespmem:s0+$0xF1A0]  }
0xd2: {  	v8 =	vld [tilespmem:s0+$0xF1B0]  }
0xd3: {  	v9 =	vld [tilespmem:s0+$0xF1C0]  }
0xd4: {  	v10 =	vld [tilespmem:s0+$0xF1D0]  }
0xd5: {  	v11 =	vld [tilespmem:s0+$0xF1E0]  }
0xd6: {  	v12 =	vld [tilespmem:s0+$0xF1F0]  }
0xd7: {  	v13 =	vld [tilespmem:s0+$0xF200]  }
0xd8: {  	v14 =	vld [tilespmem:s0+$0xF210]  }
0xd9: {  	v15 =	vld [tilespmem:s0+$0xF220]  }
0xda: {  	v4 =	vld [tilespmem:s0+$0xF230]  }
0xdb: {  	v3 =	vld [tilespmem:s0+$0xF240]  }
0xdc: {  	v2 =	vld [tilespmem:s0+$0xF250]  }
0xdd: {  	v1 =	vld [tilespmem:s0+$0xF260]  }
0xde: {  	v17 =	vld [tilespmem:s0+$0x5190]  }
0xdf: {  	v16 =	vld [tilespmem:s0+$0x5180]  }
0xe0: {  	v18 =	vld [tilespmem:s0+$0x51A0]  }
0xe1: {  	v19 =	vld [tilespmem:s0+$0x51B0]  }
0xe2: {  	v20 =	vld [tilespmem:s0+$0x51C0]  }
0xe3: {  	v0 =	vld [tilespmem:s0+$0xF270];
	v6 =	vmul.f32 $3.000000120e-01, v6;
	v17 =	vmul.f32 $6.999999880e-01, v17  }
0xe4: {  	v21 =	vld [tilespmem:s0+$0x51D0];
	v5 =	vmul.f32 $3.000000120e-01, v5;
	v16 =	vmul.f32 $6.999999880e-01, v16  }
0xe5: {  	v22 =	vld [tilespmem:s0+$0x51E0];
	v7 =	vmul.f32 $3.000000120e-01, v7;
	v6 =	vadd.f32 v6, v17;
	v17 =	vmul.f32 $6.999999880e-01, v18  }
0xe6: {  	v8 =	vmul.f32 $3.000000120e-01, v8;
	v19 =	vmul.f32 $6.999999880e-01, v19;
	v5 =	vadd.f32 v5, v16;
	v16 =	vld [tilespmem:s0+$0x51F0]  }
0xe7: {  	v23 =	vld [tilespmem:s0+$0x5200];
	v9 =	vmul.f32 $3.000000120e-01, v9;
	v7 =	vadd.f32 v7, v17;
	v17 =	vmul.f32 $6.999999880e-01, v20  }
0xe8: {  	v10 =	vmul.f32 $3.000000120e-01, v10;
	v62 =	vmul.f32 $3.000000120e-01, v12;
	v18 =	vld [tilespmem:s0+$0x5210];
	[tilespmem:s0+$0x5180] =	vst v5  }
0xe9: {  	s18 =	simm.s32 $0x400;
	v8 =	vadd.f32 v8, v19;
	v19 =	vmul.f32 $6.999999880e-01, v21;
	[tilespmem:s0+$0x5190] =	vst v6;
	v5 =	vld [tilespmem:s0+$0x5220];
	v9 =	vadd.f32 v9, v17  }
0xea: {  	v63 =	vmul.f32 $6.999999880e-01, v22;
	v6 =	vld [tilespmem:s0+$0x5230];
	[tilespmem:s0+$0x51A0] =	vst v7;
	v17 =	vmul.f32 $3.000000120e-01, v11  }
0xeb: {  	v12 =	vmul.f32 $3.000000120e-01, v13;
	v19 =	vadd.f32 v10, v19;
	v7 =	vld [tilespmem:s0+$0x5240];
	[tilespmem:s0+$0x51C0] =	vst v9;
	v9 =	vmul.f32 $6.999999880e-01, v16  }
0xec: {  	[tilespmem:s0+$0x51B0] =	vst v8;
	v8 =	vld [tilespmem:s0+$0x5250];
	v10 =	vmul.f32 $3.000000120e-01, v15;
	v13 =	vadd.f32 v17, v63;
	v16 =	vmul.f32 $6.999999880e-01, v23  }
0xed: {  	v11 =	vmul.f32 $3.000000120e-01, v14;
	[tilespmem:s0+$0x51D0] =	vst v19;
	v15 =	vmul.f32 $6.999999880e-01, v18;
	v14 =	vadd.f32 v62, v9;
	v9 =	vld [tilespmem:s0+$0x5260]  }
.LBB2_6:
0xee: {  	s20 =	sshra.s32 s18, $0x2;
	p0 =	sne.s32 s18, $0x9C00;
	[tilespmem:s0+$0x51E0] =	vst v13;
	v12 =	vadd.f32 v12, v16;
	v5 =	vmul.f32 $6.999999880e-01, v5;
	v13 =	vld [tilespmem:s0+$0x5270]  }
0xef: {  	v4 =	vmul.f32 $3.000000120e-01, v4;
	v16 =	vld [tilespmem:s20+$0xF180];
	[tilespmem:s0+$0x51F0] =	vst v14;
	v11 =	vadd.f32 v11, v15;
	v6 =	vmul.f32 $6.999999880e-01, v6  }
0xf0: {  	v3 =	vmul.f32 $3.000000120e-01, v3;
	v14 =	vld [tilespmem:s20+$0xF190];
	[tilespmem:s0+$0x5200] =	vst v12;
	v5 =	vadd.f32 v10, v5;
	v7 =	vmul.f32 $6.999999880e-01, v7  }
0xf1: {  	v2 =	vmul.f32 $3.000000120e-01, v2;
	v10 =	vld [tilespmem:s20+$0xF1A0];
	[tilespmem:s0+$0x5210] =	vst v11;
	v4 =	vadd.f32 v4, v6;
	v6 =	vmul.f32 $6.999999880e-01, v8  }
0xf2: {  	v1 =	vmul.f32 $3.000000120e-01, v1;
	v8 =	vld [tilespmem:s20+$0xF1B0];
	[tilespmem:s0+$0x5220] =	vst v5;
	v3 =	vadd.f32 v3, v7;
	v5 =	vmul.f32 $6.999999880e-01, v9  }
0xf3: {  	v0 =	vmul.f32 $3.000000120e-01, v0;
	v7 =	vld [tilespmem:s20+$0xF1C0];
	[tilespmem:s0+$0x5230] =	vst v4;
	v2 =	vadd.f32 v2, v6;
	v4 =	vmul.f32 $6.999999880e-01, v13  }
0xf4: {  	v6 =	vld [tilespmem:s20+$0xF1D0];
	[tilespmem:s0+$0x5240] =	vst v3;
	v1 =	vadd.f32 v1, v5  }
0xf5: {  	v5 =	vld [tilespmem:s20+$0xF1E0];
	[tilespmem:s0+$0x5250] =	vst v2;
	v0 =	vadd.f32 v0, v4  }
0xf6: {  	v9 =	vld [tilespmem:s20+$0xF1F0];
	[tilespmem:s0+$0x5260] =	vst v1  }
0xf7: {  	v11 =	vld [tilespmem:s20+$0xF200];
	[tilespmem:s0+$0x5270] =	vst v0;
	s0 =	smov.u32 s20  }
0xf8: {  	v13 =	vld [tilespmem:s0+$0xF210]  }
0xf9: {  	v15 =	vld [tilespmem:s0+$0xF220]  }
0xfa: {  	v4 =	vld [tilespmem:s0+$0xF230]  }
0xfb: {  	v3 =	vld [tilespmem:s0+$0xF240]  }
0xfc: {  	v2 =	vld [tilespmem:s0+$0xF250]  }
0xfd: {  	v1 =	vld [tilespmem:s0+$0xF260]  }
0xfe: {  	v0 =	vld [tilespmem:s0+$0xF270]  }
0xff: {  	v12 =	vld [tilespmem:s0+$0x5180]  }
0x100: {  	v17 =	vld [tilespmem:s0+$0x5190]  }
0x101: {  	v18 =	vld [tilespmem:s0+$0x51A0]  }
0x102: {  	v16 =	vmul.f32 $3.000000120e-01, v16;
	v19 =	vld [tilespmem:s0+$0x51B0]  }
0x103: {  	v14 =	vmul.f32 $3.000000120e-01, v14;
	v10 =	vmul.f32 $3.000000120e-01, v10;
	v20 =	vld [tilespmem:s0+$0x51C0]  }
0x104: {  	v8 =	vmul.f32 $3.000000120e-01, v8;
	v12 =	vmul.f32 $6.999999880e-01, v12;
	v21 =	vld [tilespmem:s0+$0x51D0]  }
0x105: {  	v7 =	vmul.f32 $3.000000120e-01, v7;
	v17 =	vmul.f32 $6.999999880e-01, v17;
	v22 =	vld [tilespmem:s0+$0x51E0]  }
0x106: {  	v9 =	vmul.f32 $3.000000120e-01, v9;
	v12 =	vadd.f32 v16, v12;
	v16 =	vmul.f32 $6.999999880e-01, v18;
	v18 =	vld [tilespmem:s0+$0x51F0]  }
0x107: {  	v14 =	vadd.f32 v14, v17;
	v17 =	vmul.f32 $6.999999880e-01, v19;
	v19 =	vmul.f32 $3.000000120e-01, v6;
	v23 =	vld [tilespmem:s0+$0x5200]  }
0x108: {  	[tilespmem:s0+$0x5180] =	vst v12;
	v6 =	vadd.f32 v10, v16;
	v10 =	vmul.f32 $6.999999880e-01, v20;
	v16 =	vmul.f32 $3.000000120e-01, v5;
	v20 =	vld [tilespmem:s0+$0x5210]  }
.Ltmp2:
0x109: {  	[tilespmem:s0+$0x5190] =	vst v14;
	v8 =	vadd.f32 v8, v17;
	v14 =	vmul.f32 $6.999999880e-01, v21;
	v5 =	vld [tilespmem:s0+$0x5220];
	(pc) =	sbr.rel @p0 .LBB2_6-.Ltmp2, $4  }
0x10a: {  	v12 =	vmul.f32 $3.000000120e-01, v11;
	[tilespmem:s0+$0x51A0] =	vst v6;
	v10 =	vadd.f32 v7, v10;
	v17 =	vmul.f32 $6.999999880e-01, v22;
	v6 =	vld [tilespmem:s0+$0x5230]  }
0x10b: {  	v11 =	vmul.f32 $3.000000120e-01, v13;
	[tilespmem:s0+$0x51B0] =	vst v8;
	v14 =	vadd.f32 v19, v14;
	v18 =	vmul.f32 $6.999999880e-01, v18;
	v7 =	vld [tilespmem:s0+$0x5240]  }
0x10c: {  	[tilespmem:s0+$0x51C0] =	vst v10;
	v13 =	vadd.f32 v16, v17;
	v16 =	vmul.f32 $6.999999880e-01, v23;
	v10 =	vmul.f32 $3.000000120e-01, v15;
	v8 =	vld [tilespmem:s0+$0x5250]  }
0x10d: {  	s18 =	sadd.s32 $0x400, s18;
	[tilespmem:s0+$0x51D0] =	vst v14;
	v14 =	vadd.f32 v9, v18;
	v15 =	vmul.f32 $6.999999880e-01, v20;
	v9 =	vld [tilespmem:s0+$0x5260]  }
0x10e: {  	[tilespmem:s0+$0x51E0] =	vst v13;
	v12 =	vadd.f32 v12, v16;
	v5 =	vmul.f32 $6.999999880e-01, v5;
	v13 =	vld [tilespmem:s0+$0x5270]  }
0x10f: {  	v4 =	vmul.f32 $3.000000120e-01, v4;
	[tilespmem:s0+$0x51F0] =	vst v14;
	v11 =	vadd.f32 v11, v15;
	v6 =	vmul.f32 $6.999999880e-01, v6  }
0x110: {  	v3 =	vmul.f32 $3.000000120e-01, v3;
	[tilespmem:s0+$0x5200] =	vst v12;
	v5 =	vadd.f32 v10, v5;
	v7 =	vmul.f32 $6.999999880e-01, v7  }
0x111: {  	v2 =	vmul.f32 $3.000000120e-01, v2;
	[tilespmem:s0+$0x5210] =	vst v11;
	v4 =	vadd.f32 v4, v6;
	v6 =	vmul.f32 $6.999999880e-01, v8  }
0x112: {  	v1 =	vmul.f32 $3.000000120e-01, v1;
	[tilespmem:s0+$0x5220] =	vst v5;
	v3 =	vadd.f32 v3, v7;
	v5 =	vmul.f32 $6.999999880e-01, v9  }
0x113: {  	v0 =	vmul.f32 $3.000000120e-01, v0;
	[tilespmem:s0+$0x5230] =	vst v4;
	v2 =	vadd.f32 v2, v6;
	v4 =	vmul.f32 $6.999999880e-01, v13  }
0x114: {  	[tilespmem:s0+$0x5240] =	vst v3;
	v1 =	vadd.f32 v1, v5  }
0x115: {  	[tilespmem:s0+$0x5250] =	vst v2;
	v0 =	vadd.f32 v0, v4  }
0x116: {  	[tilespmem:s0+$0x5260] =	vst v1  }
0x117: {  	s20 =	simm.s32 $0x0;
	[tilespmem:s0+$0x5270] =	vst v0  }
0x118: {  	[hbm4b:s12+s20] =	stream.linear.scatter [tilespmem:s21], [sflag:$0x5], $0x2800, $0x38;
	[tilespmem:$0x14180] =	vst v63  }
0x119: {  	_ =	swait.ge [sflag:s30], $0x2800  }
0x11a: {  	[sflag:s30] =	ssyncset.done $0x0  }
0x11b: {  	[sflag:s30] =	ssyncadd.s32 $0xFFFFD800  }
0x11c: {  	_ =	swait.ge [sflag:s30], $0x2800  }
0x11d: {  	[sflag:s30] =	ssyncset.done $0x0  }
0x11e: {  	s0 =	simm.s32 $0x0;
	[sflag:s30] =	ssyncadd.s32 $0xFFFFD800  }
0x11f: {  	v5 =	vld [tilespmem:s0+$0x11980]  }
0x120: {  	v6 =	vld [tilespmem:s0+$0x11990]  }
0x121: {  	v7 =	vld [tilespmem:s0+$0x119A0]  }
0x122: {  	v8 =	vld [tilespmem:s0+$0x119B0]  }
0x123: {  	v9 =	vld [tilespmem:s0+$0x119C0]  }
0x124: {  	v10 =	vld [tilespmem:s0+$0x119D0]  }
0x125: {  	v11 =	vld [tilespmem:s0+$0x119E0]  }
0x126: {  	v12 =	vld [tilespmem:s0+$0x119F0]  }
0x127: {  	v13 =	vld [tilespmem:s0+$0x11A00]  }
0x128: {  	v14 =	vld [tilespmem:s0+$0x11A10]  }
0x129: {  	v15 =	vld [tilespmem:s0+$0x11A20]  }
0x12a: {  	v4 =	vld [tilespmem:s0+$0x11A30]  }
0x12b: {  	v3 =	vld [tilespmem:s0+$0x11A40]  }
0x12c: {  	v2 =	vld [tilespmem:s0+$0x11A50]  }
0x12d: {  	v1 =	vld [tilespmem:s0+$0x11A60]  }
0x12e: {  	v17 =	vld [tilespmem:s0+$0x7990]  }
0x12f: {  	v16 =	vld [tilespmem:s0+$0x7980]  }
0x130: {  	v18 =	vld [tilespmem:s0+$0x79A0]  }
0x131: {  	v19 =	vld [tilespmem:s0+$0x79B0]  }
0x132: {  	v20 =	vld [tilespmem:s0+$0x79C0]  }
0x133: {  	v0 =	vld [tilespmem:s0+$0x11A70];
	v6 =	vmul.f32 $3.000000120e-01, v6;
	v17 =	vmul.f32 $6.999999880e-01, v17  }
0x134: {  	v21 =	vld [tilespmem:s0+$0x79D0];
	v5 =	vmul.f32 $3.000000120e-01, v5;
	v16 =	vmul.f32 $6.999999880e-01, v16  }
0x135: {  	v22 =	vld [tilespmem:s0+$0x79E0];
	v7 =	vmul.f32 $3.000000120e-01, v7;
	v6 =	vadd.f32 v6, v17;
	v17 =	vmul.f32 $6.999999880e-01, v18  }
0x136: {  	v8 =	vmul.f32 $3.000000120e-01, v8;
	v19 =	vmul.f32 $6.999999880e-01, v19;
	v5 =	vadd.f32 v5, v16;
	v16 =	vld [tilespmem:s0+$0x79F0]  }
0x137: {  	v23 =	vld [tilespmem:s0+$0x7A00];
	v9 =	vmul.f32 $3.000000120e-01, v9;
	v7 =	vadd.f32 v7, v17;
	v17 =	vmul.f32 $6.999999880e-01, v20  }
0x138: {  	v10 =	vmul.f32 $3.000000120e-01, v10;
	v62 =	vmul.f32 $3.000000120e-01, v12;
	v18 =	vld [tilespmem:s0+$0x7A10];
	[tilespmem:s0+$0x7980] =	vst v5  }
0x139: {  	s18 =	simm.s32 $0x400;
	v8 =	vadd.f32 v8, v19;
	v19 =	vmul.f32 $6.999999880e-01, v21;
	[tilespmem:s0+$0x7990] =	vst v6;
	v5 =	vld [tilespmem:s0+$0x7A20];
	v9 =	vadd.f32 v9, v17  }
0x13a: {  	v63 =	vmul.f32 $6.999999880e-01, v22;
	v6 =	vld [tilespmem:s0+$0x7A30];
	[tilespmem:s0+$0x79A0] =	vst v7;
	v17 =	vmul.f32 $3.000000120e-01, v11  }
0x13b: {  	v12 =	vmul.f32 $3.000000120e-01, v13;
	v19 =	vadd.f32 v10, v19;
	v7 =	vld [tilespmem:s0+$0x7A40];
	[tilespmem:s0+$0x79C0] =	vst v9;
	v9 =	vmul.f32 $6.999999880e-01, v16  }
0x13c: {  	[tilespmem:s0+$0x79B0] =	vst v8;
	v8 =	vld [tilespmem:s0+$0x7A50];
	v10 =	vmul.f32 $3.000000120e-01, v15;
	v13 =	vadd.f32 v17, v63;
	v16 =	vmul.f32 $6.999999880e-01, v23  }
0x13d: {  	v11 =	vmul.f32 $3.000000120e-01, v14;
	[tilespmem:s0+$0x79D0] =	vst v19;
	v15 =	vmul.f32 $6.999999880e-01, v18;
	v14 =	vadd.f32 v62, v9;
	v9 =	vld [tilespmem:s0+$0x7A60]  }
.LBB2_8:
0x13e: {  	s20 =	sshra.s32 s18, $0x2;
	p0 =	sne.s32 s18, $0x9C00;
	[tilespmem:s0+$0x79E0] =	vst v13;
	v12 =	vadd.f32 v12, v16;
	v5 =	vmul.f32 $6.999999880e-01, v5;
	v13 =	vld [tilespmem:s0+$0x7A70]  }
0x13f: {  	v4 =	vmul.f32 $3.000000120e-01, v4;
	v16 =	vld [tilespmem:s20+$0x11980];
	[tilespmem:s0+$0x79F0] =	vst v14;
	v11 =	vadd.f32 v11, v15;
	v6 =	vmul.f32 $6.999999880e-01, v6  }
0x140: {  	v3 =	vmul.f32 $3.000000120e-01, v3;
	v14 =	vld [tilespmem:s20+$0x11990];
	[tilespmem:s0+$0x7A00] =	vst v12;
	v5 =	vadd.f32 v10, v5;
	v7 =	vmul.f32 $6.999999880e-01, v7  }
0x141: {  	v2 =	vmul.f32 $3.000000120e-01, v2;
	v10 =	vld [tilespmem:s20+$0x119A0];
	[tilespmem:s0+$0x7A10] =	vst v11;
	v4 =	vadd.f32 v4, v6;
	v6 =	vmul.f32 $6.999999880e-01, v8  }
0x142: {  	v1 =	vmul.f32 $3.000000120e-01, v1;
	v8 =	vld [tilespmem:s20+$0x119B0];
	[tilespmem:s0+$0x7A20] =	vst v5;
	v3 =	vadd.f32 v3, v7;
	v5 =	vmul.f32 $6.999999880e-01, v9  }
0x143: {  	v0 =	vmul.f32 $3.000000120e-01, v0;
	v7 =	vld [tilespmem:s20+$0x119C0];
	[tilespmem:s0+$0x7A30] =	vst v4;
	v2 =	vadd.f32 v2, v6;
	v4 =	vmul.f32 $6.999999880e-01, v13  }
0x144: {  	v6 =	vld [tilespmem:s20+$0x119D0];
	[tilespmem:s0+$0x7A40] =	vst v3;
	v1 =	vadd.f32 v1, v5  }
0x145: {  	v5 =	vld [tilespmem:s20+$0x119E0];
	[tilespmem:s0+$0x7A50] =	vst v2;
	v0 =	vadd.f32 v0, v4  }
0x146: {  	v9 =	vld [tilespmem:s20+$0x119F0];
	[tilespmem:s0+$0x7A60] =	vst v1  }
0x147: {  	v11 =	vld [tilespmem:s20+$0x11A00];
	[tilespmem:s0+$0x7A70] =	vst v0;
	s0 =	smov.u32 s20  }
0x148: {  	v13 =	vld [tilespmem:s0+$0x11A10]  }
0x149: {  	v15 =	vld [tilespmem:s0+$0x11A20]  }
0x14a: {  	v4 =	vld [tilespmem:s0+$0x11A30]  }
0x14b: {  	v3 =	vld [tilespmem:s0+$0x11A40]  }
0x14c: {  	v2 =	vld [tilespmem:s0+$0x11A50]  }
0x14d: {  	v1 =	vld [tilespmem:s0+$0x11A60]  }
0x14e: {  	v0 =	vld [tilespmem:s0+$0x11A70]  }
0x14f: {  	v12 =	vld [tilespmem:s0+$0x7980]  }
0x150: {  	v17 =	vld [tilespmem:s0+$0x7990]  }
0x151: {  	v18 =	vld [tilespmem:s0+$0x79A0]  }
0x152: {  	v16 =	vmul.f32 $3.000000120e-01, v16;
	v19 =	vld [tilespmem:s0+$0x79B0]  }
0x153: {  	v14 =	vmul.f32 $3.000000120e-01, v14;
	v10 =	vmul.f32 $3.000000120e-01, v10;
	v20 =	vld [tilespmem:s0+$0x79C0]  }
0x154: {  	v8 =	vmul.f32 $3.000000120e-01, v8;
	v12 =	vmul.f32 $6.999999880e-01, v12;
	v21 =	vld [tilespmem:s0+$0x79D0]  }
0x155: {  	v7 =	vmul.f32 $3.000000120e-01, v7;
	v17 =	vmul.f32 $6.999999880e-01, v17;
	v22 =	vld [tilespmem:s0+$0x79E0]  }
0x156: {  	v9 =	vmul.f32 $3.000000120e-01, v9;
	v12 =	vadd.f32 v16, v12;
	v16 =	vmul.f32 $6.999999880e-01, v18;
	v18 =	vld [tilespmem:s0+$0x79F0]  }
0x157: {  	v14 =	vadd.f32 v14, v17;
	v17 =	vmul.f32 $6.999999880e-01, v19;
	v19 =	vmul.f32 $3.000000120e-01, v6;
	v23 =	vld [tilespmem:s0+$0x7A00]  }
0x158: {  	[tilespmem:s0+$0x7980] =	vst v12;
	v6 =	vadd.f32 v10, v16;
	v10 =	vmul.f32 $6.999999880e-01, v20;
	v16 =	vmul.f32 $3.000000120e-01, v5;
	v20 =	vld [tilespmem:s0+$0x7A10]  }
.Ltmp3:
0x159: {  	[tilespmem:s0+$0x7990] =	vst v14;
	v8 =	vadd.f32 v8, v17;
	v14 =	vmul.f32 $6.999999880e-01, v21;
	v5 =	vld [tilespmem:s0+$0x7A20];
	(pc) =	sbr.rel @p0 .LBB2_8-.Ltmp3, $4  }
0x15a: {  	v12 =	vmul.f32 $3.000000120e-01, v11;
	[tilespmem:s0+$0x79A0] =	vst v6;
	v10 =	vadd.f32 v7, v10;
	v17 =	vmul.f32 $6.999999880e-01, v22;
	v6 =	vld [tilespmem:s0+$0x7A30]  }
0x15b: {  	v11 =	vmul.f32 $3.000000120e-01, v13;
	[tilespmem:s0+$0x79B0] =	vst v8;
	v14 =	vadd.f32 v19, v14;
	v18 =	vmul.f32 $6.999999880e-01, v18;
	v7 =	vld [tilespmem:s0+$0x7A40]  }
0x15c: {  	[tilespmem:s0+$0x79C0] =	vst v10;
	v13 =	vadd.f32 v16, v17;
	v16 =	vmul.f32 $6.999999880e-01, v23;
	v10 =	vmul.f32 $3.000000120e-01, v15;
	v8 =	vld [tilespmem:s0+$0x7A50]  }
0x15d: {  	s18 =	sadd.s32 $0x400, s18;
	[tilespmem:s0+$0x79D0] =	vst v14;
	v14 =	vadd.f32 v9, v18;
	v15 =	vmul.f32 $6.999999880e-01, v20;
	v9 =	vld [tilespmem:s0+$0x7A60]  }
0x15e: {  	[tilespmem:s0+$0x79E0] =	vst v13;
	v12 =	vadd.f32 v12, v16;
	v5 =	vmul.f32 $6.999999880e-01, v5;
	v60 =	vld [tilespmem:s0+$0x7A70]  }
0x15f: {  	v4 =	vmul.f32 $3.000000120e-01, v4;
	[tilespmem:s0+$0x79F0] =	vst v14;
	v11 =	vadd.f32 v11, v15;
	v6 =	vmul.f32 $6.999999880e-01, v6  }
0x160: {  	v3 =	vmul.f32 $3.000000120e-01, v3;
	[tilespmem:s0+$0x7A00] =	vst v12;
	v5 =	vadd.f32 v10, v5;
	v7 =	vmul.f32 $6.999999880e-01, v7  }
0x161: {  	v2 =	vmul.f32 $3.000000120e-01, v2;
	[tilespmem:s0+$0x7A10] =	vst v11;
	v4 =	vadd.f32 v4, v6;
	v61 =	vmul.f32 $6.999999880e-01, v8  }
0x162: {  	v1 =	vmul.f32 $3.000000120e-01, v1;
	[tilespmem:s0+$0x7A20] =	vst v5;
	v3 =	vadd.f32 v3, v7;
	v62 =	vmul.f32 $6.999999880e-01, v9  }
0x163: {  	v0 =	vmul.f32 $3.000000120e-01, v0;
	[tilespmem:s0+$0x7A30] =	vst v4;
	v2 =	vadd.f32 v2, v61;
	v63 =	vmul.f32 $6.999999880e-01, v60  }
0x164: {  	[tilespmem:s0+$0x7A40] =	vst v3;
	v1 =	vadd.f32 v1, v62  }
0x165: {  	[tilespmem:s0+$0x7A50] =	vst v2;
	v0 =	vadd.f32 v0, v63  }
0x166: {  	[tilespmem:s0+$0x7A60] =	vst v1  }
0x167: {  	[tilespmem:s0+$0x7A70] =	vst v0  }
0x168: {  	[hbm4b:s13+s3] =	stream.linear.scatter [tilespmem:s24], [sflag:$0x5], $0x2800, $0x38;
	[tilespmem:$0x14180] =	vst v63  }
0x169: {  	_ =	swait.ge [sflag:s31], $0x2800  }
0x16a: {  	[sflag:s31] =	ssyncset.done $0x0  }
0x16b: {  	[sflag:s31] =	ssyncadd.s32 $0xFFFFD800  }
0x16c: {  	_ =	swait.ge [sflag:s31], $0x2800  }
0x16d: {  	[sflag:s31] =	ssyncset.done $0x0  }
0x16e: {  	s2 =	sadd.s32 $0x1, s2;
	[sflag:s31] =	ssyncadd.s32 $0xFFFFD800  }
0x16f: {  	p0 =	sne.s32 s2, s14;
	_ =	swait.ge [sflag:s31], $0x2800  }
.Ltmp4:
0x170: {  	[sflag:s31] =	ssyncset.done $0x0;
	(pc) =	sbr.rel @p0 .LBB2_1-.Ltmp4, $4  }
0x171: {  	[sflag:s31] =	ssyncadd.s32 $0xFFFFD800  }
0x172: {  	_ =	swait.ge [sflag:s31], $0x2800  }
0x173: {  	[sflag:s31] =	ssyncset.done $0x0  }
0x174: {  	[sflag:s31] =	ssyncadd.s32 $0xFFFFD800  }
0x175: {  	_ =	sfence.sel $0x180000  }
0x176: {  	[bflag:$0x0] =	sbarrier.arrive $0xFFFF  }
0x177: {  	_ =	strace $0x90000047  }
0x178: {  	s0 =	stileid.u32;
	[bflag:$0x2] =	sbarrier.arrive $0xFFFF  }
0x179: {  	p0 =	sne.s32 s0, $0x0;
	s0 =	rddreg [dreg:$0x3]  }
0x17a: {  	s0 =	sadd.s32 @!p0 $0x100000, s0  }
0x17b: {  	[sflag:s0] =	ssyncadd.tile.s32 @!p0 $0x1;
	_ =	shalt  }
.Lfunc_end2:
_tile_overlayer_lowered:
.L_overlay_start_2:
0x17c: {  	(tag) =	ssettag $0x2  }
0x17d: {  	s0 =	rddreg [dreg:$0x0];
	s2 =	stileid.u32  }
0x17e: {  	s1 =	rddreg [dreg:$0x1];
	p0 =	sne.s32 s2, $0x0  }
0x17f: {  	s3 =	rddreg [dreg:$0x2];
	[bflag:$0x3] =	sbarrier.arrive $0xFFFF;
	s2 =	simm.s32 @!p0 $0x1C06  }
0x180: {  	[timem:s3], [sflag:s2] =	dma.local @!p0 [hbm:s0], s1  }
0x181: {  	s0 =	simm.s32 @!p0 $0x6  }
0x182: {  	_ =	swait.ge @!p0 [sflag:s0], s1  }
0x183: {  	s1 =	ssub.s32 @!p0 $0x0, s1;
	[sflag:s0] =	ssyncset.done @!p0 $0x0  }
0x184: {  	[sflag:s0] =	ssyncadd.s32 @!p0 s1  }
0x185: {  	[bflag:$0x3] =	sbarrier.arrive $0xFFFF  }
0x186: {  	_ =	shalt  }

</sc_bundles>
